<compile_context>
chip_gen: v7x
topology: tpu7x:2x2x1
jax: 0.10.2.dev20260603
libtpu: 0.0.44.dev20260713+nightly
codegen_flags: <defaults>
</compile_context>

<pallas_src>
import functools

import jax
import jax.numpy as jnp
from jax import lax
from jax.experimental import pallas as pl
from jax.experimental.pallas import tpu as pltpu
from jax.experimental.pallas import tpu_sc as plsc

NC = 2
NS = 16
NW = NC * NS
B = 64

_SC_MESH = dict(
    mesh=plsc.VectorSubcoreMesh(core_axis_name="c", subcore_axis_name="s"))


def _make_sc_aggregate(n_pad, chunks):
    half = chunks // 2
    zrows = n_pad // NS

    @functools.partial(
        pl.kernel, **_SC_MESH,
        out_type=jax.ShapeDtypeStruct((NC, n_pad, 128), jnp.float32),
        scratch_types=[
            pltpu.VMEM((half, B), jnp.int32),
            pltpu.VMEM((half, B), jnp.int32),
            pltpu.VMEM((B, 128), jnp.float32),
            pltpu.VMEM((B, 128), jnp.float32),
            pltpu.VMEM_SHARED((n_pad, 128), jnp.float32),
            pltpu.SemaphoreType.DMA,
            pltpu.SemaphoreType.DMA,
        ])
    def agg_kernel(h_hbm, src_hbm, dst_hbm, z128_hbm,
                   agg_out, src_v, dst_v, rows0, rows1, agg_sh, g0, g1):
        cid = lax.axis_index("c")
        sid = lax.axis_index("s")
        wid = cid * NS + sid
        base = sid * zrows

        pltpu.sync_copy(z128_hbm.at[pl.ds(base, zrows)],
                        agg_sh.at[pl.ds(base, zrows)])
        plsc.subcore_barrier()

        for p in range(2):
            pltpu.sync_copy(src_hbm.at[wid, pl.ds(p * half, half)], src_v)
            pltpu.sync_copy(dst_hbm.at[wid, pl.ds(p * half, half)], dst_v)
            pltpu.async_copy(h_hbm.at[src_v.at[0]], rows0, g0)
            pltpu.async_copy(h_hbm.at[src_v.at[1]], rows1, g1)

            @pl.loop(0, half, step=2)
            def _(j):
                pltpu.make_async_copy(h_hbm.at[src_v.at[0]], rows0, g0).wait()
                pltpu.sync_copy(rows0, agg_sh.at[dst_v.at[j]], add=True)
                pltpu.async_copy(
                    h_hbm.at[src_v.at[jnp.minimum(j + 2, half - 1)]],
                    rows0, g0)
                pltpu.make_async_copy(h_hbm.at[src_v.at[0]], rows1, g1).wait()
                pltpu.sync_copy(rows1, agg_sh.at[dst_v.at[j + 1]], add=True)
                pltpu.async_copy(
                    h_hbm.at[src_v.at[jnp.minimum(j + 3, half - 1)]],
                    rows1, g1)

            pltpu.make_async_copy(h_hbm.at[src_v.at[0]], rows0, g0).wait()
            pltpu.make_async_copy(h_hbm.at[src_v.at[0]], rows1, g1).wait()

        plsc.subcore_barrier()

        pltpu.sync_copy(agg_sh.at[pl.ds(base, zrows)],
                        agg_out.at[cid, pl.ds(base, zrows)])

    return agg_kernel


def _make_sc_degree(n_pad, chunks):
    half = chunks // 2
    zrows = n_pad // NS

    @functools.partial(
        pl.kernel, **_SC_MESH,
        out_type=jax.ShapeDtypeStruct((NC, n_pad, 128), jnp.float32),
        scratch_types=[
            pltpu.VMEM((half, B), jnp.int32),
            pltpu.VMEM((B, 128), jnp.float32),
            pltpu.VMEM_SHARED((n_pad, 128), jnp.float32),
            pltpu.SemaphoreType.DMA,
        ])
    def deg_kernel(dst_hbm, ones_hbm, z128_hbm,
                   deg_out, dst_v, ones_v, deg_sh, sem):
        cid = lax.axis_index("c")
        sid = lax.axis_index("s")
        wid = cid * NS + sid
        base = sid * zrows

        pltpu.sync_copy(ones_hbm, ones_v)
        pltpu.sync_copy(z128_hbm.at[pl.ds(base, zrows)],
                        deg_sh.at[pl.ds(base, zrows)])
        plsc.subcore_barrier()

        for p in range(2):
            pltpu.sync_copy(dst_hbm.at[wid, pl.ds(p * half, half)], dst_v)

            @pl.loop(0, half, step=8)
            def _(j):
                for k in range(8):
                    pltpu.async_copy(ones_v, deg_sh.at[dst_v.at[j + k]], sem,
                                     add=True)
                for k in range(8):
                    pltpu.make_async_copy(ones_v, deg_sh.at[dst_v.at[j]],
                                          sem).wait()

        plsc.subcore_barrier()
        pltpu.sync_copy(deg_sh.at[pl.ds(base, zrows)],
                        deg_out.at[cid, pl.ds(base, zrows)])

    return deg_kernel


def _tc_layer(pa, dg, x, wl, wr, b, relu):
    n = x.shape[0]
    bn = 1000
    assert n % bn == 0

    def body(pa_ref, dg_ref, x_ref, wl_ref, wr_ref, b_ref, o_ref):
        agg = pa_ref[0] + pa_ref[1]
        deg = dg_ref[0][:, :1] + dg_ref[1][:, :1]
        mean = agg / jnp.maximum(deg, 1.0)
        acc = jnp.dot(mean, wl_ref[...], preferred_element_type=jnp.float32,
                      precision=lax.Precision.HIGHEST)
        acc = acc + jnp.dot(x_ref[...], wr_ref[...],
                            preferred_element_type=jnp.float32,
                            precision=lax.Precision.HIGHEST)
        acc = acc + b_ref[...]
        if relu:
            acc = jnp.maximum(acc, 0.0)
        o_ref[...] = acc

    return pl.pallas_call(
        body,
        grid=(n // bn,),
        in_specs=[
            pl.BlockSpec((NC, bn, 128), lambda i: (0, i, 0)),
            pl.BlockSpec((NC, bn, 128), lambda i: (0, i, 0)),
            pl.BlockSpec((bn, 128), lambda i: (i, 0)),
            pl.BlockSpec((128, 128), lambda i: (0, 0)),
            pl.BlockSpec((128, 128), lambda i: (0, 0)),
            pl.BlockSpec((1, 128), lambda i: (0, 0)),
        ],
        out_specs=pl.BlockSpec((bn, 128), lambda i: (i, 0)),
        out_shape=jax.ShapeDtypeStruct((n, 128), jnp.float32),
    )(pa, dg, x, wl, wr, b.reshape(1, 128))


def kernel(x, edge_index, W1l, W1r, b1, W2l, W2r, b2):
    n = x.shape[0]
    e = edge_index.shape[1]
    chunks = -(-e // (NW * B * 16)) * 16
    e_pad = NW * B * chunks
    n_pad = -(-(n + 1) // (NS * 8)) * (NS * 8)

    src = jnp.concatenate(
        [edge_index[0], jnp.zeros((e_pad - e,), jnp.int32)]).reshape(
            NW, chunks, B)
    dst = jnp.concatenate(
        [edge_index[1], jnp.full((e_pad - e,), n_pad - 1, jnp.int32)]).reshape(
            NW, chunks, B)
    z128 = jnp.zeros((n_pad, 128), jnp.float32)
    ones = jnp.ones((B, 128), jnp.float32)

    sc_agg = _make_sc_aggregate(n_pad, chunks)
    sc_deg = _make_sc_degree(n_pad, chunks)

    dg = sc_deg(dst, ones, z128)
    pa1 = sc_agg(x, src, dst, z128)
    h = _tc_layer(pa1, dg, x, W1l, W1r, b1, relu=True)
    pa2 = sc_agg(h, src, dst, z128)
    return _tc_layer(pa2, dg, h, W2l, W2r, b2, relu=False)

# --- scband reference (transcript-rebuilt; emitter-appended) ---
"""Pipeline reference for scband-graph-sage-42812234006861 (READ-ONLY COPY).

The authoritative reference and input builder live on the scoring server;
editing this copy changes nothing except your own understanding.
"""

import jax, jax.numpy as jnp
import numpy as np

N = 10000
E = 320000
D_IN = 128
D_HID = 128
D_OUT = 128


def setup_inputs(seed: int = 0) -> dict:
    key = jax.random.key(seed)
    ks = jax.random.split(key, 10)
    x = jax.random.normal(ks[0], (N, D_IN), dtype=jnp.float32)
    edge_index = jax.random.randint(ks[1], (2, E), 0, N, dtype=jnp.int32)
    # SAGEConv layer 1 params (lin_l acts on aggregated neighbors, lin_r on root)
    W1l = jax.random.normal(ks[2], (D_IN, D_HID), dtype=jnp.float32) * (1.0 / np.sqrt(D_IN))
    W1r = jax.random.normal(ks[3], (D_IN, D_HID), dtype=jnp.float32) * (1.0 / np.sqrt(D_IN))
    b1 = jnp.zeros((D_HID,), dtype=jnp.float32)
    # SAGEConv layer 2 params
    W2l = jax.random.normal(ks[4], (D_HID, D_OUT), dtype=jnp.float32) * (1.0 / np.sqrt(D_HID))
    W2r = jax.random.normal(ks[5], (D_HID, D_OUT), dtype=jnp.float32) * (1.0 / np.sqrt(D_HID))
    b2 = jnp.zeros((D_OUT,), dtype=jnp.float32)
    return {"x": x, "edge_index": edge_index, "W1l": W1l, "W1r": W1r, "b1": b1, "W2l": W2l, "W2r": W2r, "b2": b2}


def _sage_conv(x, edge_index, Wl, Wr, b):
    # PyG SAGEConv with mean aggregation:
    #   out = lin_l(mean_{j in N(i)} x_j) + lin_r(x_i)
    src = edge_index[0]
    dst = edge_index[1]
    msgs = jnp.take(x, src, axis=0)                                   # gather (SparseCore)
    agg = jax.ops.segment_sum(msgs, dst, num_segments=x.shape[0])     # scatter-add
    deg = jax.ops.segment_sum(jnp.ones((edge_index.shape[1],), dtype=x.dtype), dst, num_segments=x.shape[0])
    mean = agg / jnp.maximum(deg, 1.0)[:, None]
    return mean @ Wl + x @ Wr + b


def reference(x, edge_index, W1l, W1r, b1, W2l, W2r, b2):
    h = jax.nn.relu(_sage_conv(x, edge_index, W1l, W1r, b1))
    out = _sage_conv(h, edge_index, W2l, W2r, b2)
    return out

if __name__ == "__main__":
    import jax
    _d = setup_inputs()
    print(jax.jit(kernel)(*tuple(_d.values())))

</pallas_src>

<mosaic_0001>
#map = affine_map<(d0, d1) -> (0, 0)>
#map1 = affine_map<(d0, d1) -> (0, 0, 0)>
module attributes {stable_mosaic.version = 14 : i64} {
  func.func @agg_kernel(%arg0: i32, %arg1: i32, %arg2: memref<10000x128xf32, #tpu.memory_space<hbm>>, %arg3: memref<32x160x64xi32, #tpu.memory_space<hbm>>, %arg4: memref<32x160x64xi32, #tpu.memory_space<hbm>>, %arg5: memref<10112x128xf32, #tpu.memory_space<hbm>>, %arg6: memref<2x10112x128xf32, #tpu.memory_space<hbm>>, %arg7: memref<80x64xi32, #tpu.memory_space<vmem>>, %arg8: memref<80x64xi32, #tpu.memory_space<vmem>>, %arg9: memref<64x128xf32, #tpu.memory_space<vmem>>, %arg10: memref<64x128xf32, #tpu.memory_space<vmem>>, %arg11: memref<10112x128xf32, #tpu.memory_space<vmem_shared>>, %arg12: memref<!tpu.dma_semaphore, #tpu.memory_space<semaphore_mem>>, %arg13: memref<!tpu.dma_semaphore, #tpu.memory_space<semaphore_mem>>) attributes {dimension_semantics = [#tpu.dimension_semantics<core_parallel>, #tpu.dimension_semantics<subcore_parallel>], iteration_bounds = array<i64: 2, 16>, scalar_prefetch = 0 : i64, scratch_operands = 7 : i64, tpu.core_type = #tpu.core_type<sc_vector_subcore>, window_params = [{transform_indices = #map}, {transform_indices = #map1}, {transform_indices = #map1}, {transform_indices = #map}, {transform_indices = #map1}]} {
    %mul3A = arith.constant 16 : i32
    %mul3A_0 = arith.muli %arg0, %mul3A : i32
    %add3A = arith.addi %mul3A_0, %arg1 : i32
    %mul3A_1 = arith.constant 632 : i32
    %mul3A_2 = arith.muli %arg1, %mul3A_1 : i32
    "tpu.region"() ({
      %run_scoped3A = tpu.sem_alloc : memref<!tpu.dma_semaphore, #tpu.memory_space<semaphore_mem>>
      %dma_start3A_67 = arith.constant 0 : i32
      %dma_start3A_68 = tpu.memref_slice %arg11[%mul3A_2, %dma_start3A_67] : memref<10112x128xf32, #tpu.memory_space<vmem_shared>> -> memref<632x128xf32, #tpu.memory_space<vmem_shared>>
      %dma_start3A_69 = arith.constant 0 : i32
      %dma_start3A_70 = tpu.memref_slice %arg5[%mul3A_2, %dma_start3A_69] : memref<10112x128xf32, #tpu.memory_space<hbm>> -> memref<632x128xf32, #tpu.memory_space<hbm>>
      tpu.enqueue_dma source(%dma_start3A_70 : memref<632x128xf32, #tpu.memory_space<hbm>>) target(%dma_start3A_68 : memref<632x128xf32, #tpu.memory_space<vmem_shared>>) target_semaphore(%run_scoped3A : memref<!tpu.dma_semaphore, #tpu.memory_space<semaphore_mem>>)
      %dma_wait3A_71 = arith.constant 0 : i32
      %dma_wait3A_72 = tpu.memref_slice %arg11[%mul3A_2, %dma_wait3A_71] : memref<10112x128xf32, #tpu.memory_space<vmem_shared>> -> memref<632x128xf32, #tpu.memory_space<vmem_shared>>
      %dma_wait3A_73 = arith.constant 0 : i32
      %dma_wait3A_74 = tpu.memref_slice %arg5[%mul3A_2, %dma_wait3A_73] : memref<10112x128xf32, #tpu.memory_space<hbm>> -> memref<632x128xf32, #tpu.memory_space<hbm>>
      tpu.wait_dma2 semaphore(%run_scoped3A : memref<!tpu.dma_semaphore, #tpu.memory_space<semaphore_mem>>) src(%dma_wait3A_74 : memref<632x128xf32, #tpu.memory_space<hbm>>) dst(%dma_wait3A_72 : memref<632x128xf32, #tpu.memory_space<vmem_shared>>)
      tpu.yield
    }) : () -> ()
    %barrier3A = arith.constant 0 : index
    tpu.barrier barrier_id(%barrier3A)
    "tpu.region"() ({
      %run_scoped3A = tpu.sem_alloc : memref<!tpu.dma_semaphore, #tpu.memory_space<semaphore_mem>>
      %dma_start3A_67 = arith.constant 0 : i32
      %dma_start3A_68 = arith.constant 0 : i32
      %dma_start3A_69 = tpu.memref_slice %arg3[%add3A, %dma_start3A_67, %dma_start3A_68] : memref<32x160x64xi32, #tpu.memory_space<hbm>> -> memref<1x80x64xi32, #tpu.memory_space<hbm>>
      %dma_start3A_70 = tpu.memref_squeeze %dma_start3A_69 : memref<1x80x64xi32, #tpu.memory_space<hbm>> -> memref<80x64xi32, #tpu.memory_space<hbm>>
      %dma_start3A_71 = arith.constant 0 : i32
      %dma_start3A_72 = arith.constant 0 : i32
      %dma_start3A_73 = tpu.memref_slice %arg3[%add3A, %dma_start3A_71, %dma_start3A_72] : memref<32x160x64xi32, #tpu.memory_space<hbm>> -> memref<1x80x64xi32, #tpu.memory_space<hbm>>
      %dma_start3A_74 = tpu.memref_squeeze %dma_start3A_73 : memref<1x80x64xi32, #tpu.memory_space<hbm>> -> memref<80x64xi32, #tpu.memory_space<hbm>>
      tpu.enqueue_dma source(%dma_start3A_74 : memref<80x64xi32, #tpu.memory_space<hbm>>) target(%arg7 : memref<80x64xi32, #tpu.memory_space<vmem>>) target_semaphore(%run_scoped3A : memref<!tpu.dma_semaphore, #tpu.memory_space<semaphore_mem>>)
      %dma_wait3A_75 = arith.constant 0 : i32
      %dma_wait3A_76 = arith.constant 0 : i32
      %dma_wait3A_77 = tpu.memref_slice %arg3[%add3A, %dma_wait3A_75, %dma_wait3A_76] : memref<32x160x64xi32, #tpu.memory_space<hbm>> -> memref<1x80x64xi32, #tpu.memory_space<hbm>>
      %dma_wait3A_78 = tpu.memref_squeeze %dma_wait3A_77 : memref<1x80x64xi32, #tpu.memory_space<hbm>> -> memref<80x64xi32, #tpu.memory_space<hbm>>
      %dma_wait3A_79 = arith.constant 0 : i32
      %dma_wait3A_80 = arith.constant 0 : i32
      %dma_wait3A_81 = tpu.memref_slice %arg3[%add3A, %dma_wait3A_79, %dma_wait3A_80] : memref<32x160x64xi32, #tpu.memory_space<hbm>> -> memref<1x80x64xi32, #tpu.memory_space<hbm>>
      %dma_wait3A_82 = tpu.memref_squeeze %dma_wait3A_81 : memref<1x80x64xi32, #tpu.memory_space<hbm>> -> memref<80x64xi32, #tpu.memory_space<hbm>>
      tpu.wait_dma2 semaphore(%run_scoped3A : memref<!tpu.dma_semaphore, #tpu.memory_space<semaphore_mem>>) src(%dma_wait3A_82 : memref<80x64xi32, #tpu.memory_space<hbm>>) dst(%arg7 : memref<80x64xi32, #tpu.memory_space<vmem>>)
      tpu.yield
    }) : () -> ()
    "tpu.region"() ({
      %run_scoped3A = tpu.sem_alloc : memref<!tpu.dma_semaphore, #tpu.memory_space<semaphore_mem>>
      %dma_start3A_67 = arith.constant 0 : i32
      %dma_start3A_68 = arith.constant 0 : i32
      %dma_start3A_69 = tpu.memref_slice %arg4[%add3A, %dma_start3A_67, %dma_start3A_68] : memref<32x160x64xi32, #tpu.memory_space<hbm>> -> memref<1x80x64xi32, #tpu.memory_space<hbm>>
      %dma_start3A_70 = tpu.memref_squeeze %dma_start3A_69 : memref<1x80x64xi32, #tpu.memory_space<hbm>> -> memref<80x64xi32, #tpu.memory_space<hbm>>
      %dma_start3A_71 = arith.constant 0 : i32
      %dma_start3A_72 = arith.constant 0 : i32
      %dma_start3A_73 = tpu.memref_slice %arg4[%add3A, %dma_start3A_71, %dma_start3A_72] : memref<32x160x64xi32, #tpu.memory_space<hbm>> -> memref<1x80x64xi32, #tpu.memory_space<hbm>>
      %dma_start3A_74 = tpu.memref_squeeze %dma_start3A_73 : memref<1x80x64xi32, #tpu.memory_space<hbm>> -> memref<80x64xi32, #tpu.memory_space<hbm>>
      tpu.enqueue_dma source(%dma_start3A_74 : memref<80x64xi32, #tpu.memory_space<hbm>>) target(%arg8 : memref<80x64xi32, #tpu.memory_space<vmem>>) target_semaphore(%run_scoped3A : memref<!tpu.dma_semaphore, #tpu.memory_space<semaphore_mem>>)
      %dma_wait3A_75 = arith.constant 0 : i32
      %dma_wait3A_76 = arith.constant 0 : i32
      %dma_wait3A_77 = tpu.memref_slice %arg4[%add3A, %dma_wait3A_75, %dma_wait3A_76] : memref<32x160x64xi32, #tpu.memory_space<hbm>> -> memref<1x80x64xi32, #tpu.memory_space<hbm>>
      %dma_wait3A_78 = tpu.memref_squeeze %dma_wait3A_77 : memref<1x80x64xi32, #tpu.memory_space<hbm>> -> memref<80x64xi32, #tpu.memory_space<hbm>>
      %dma_wait3A_79 = arith.constant 0 : i32
      %dma_wait3A_80 = arith.constant 0 : i32
      %dma_wait3A_81 = tpu.memref_slice %arg4[%add3A, %dma_wait3A_79, %dma_wait3A_80] : memref<32x160x64xi32, #tpu.memory_space<hbm>> -> memref<1x80x64xi32, #tpu.memory_space<hbm>>
      %dma_wait3A_82 = tpu.memref_squeeze %dma_wait3A_81 : memref<1x80x64xi32, #tpu.memory_space<hbm>> -> memref<80x64xi32, #tpu.memory_space<hbm>>
      tpu.wait_dma2 semaphore(%run_scoped3A : memref<!tpu.dma_semaphore, #tpu.memory_space<semaphore_mem>>) src(%dma_wait3A_82 : memref<80x64xi32, #tpu.memory_space<hbm>>) dst(%arg8 : memref<80x64xi32, #tpu.memory_space<vmem>>)
      tpu.yield
    }) : () -> ()
    %dma_start3A = arith.constant 0 : i32
    %dma_start3A_3 = arith.constant 0 : i32
    %dma_start3A_4 = tpu.memref_slice %arg7[%dma_start3A, %dma_start3A_3] : memref<80x64xi32, #tpu.memory_space<vmem>> -> memref<1x64xi32, #tpu.memory_space<vmem>>
    %dma_start3A_5 = tpu.memref_squeeze %dma_start3A_4 : memref<1x64xi32, #tpu.memory_space<vmem>> -> memref<64xi32, #tpu.memory_space<vmem>>
    %dma_start3A_6 = arith.constant 0 : i32
    %dma_start3A_7 = arith.constant 0 : i32
    %dma_start3A_8 = tpu.memref_slice %arg2[%dma_start3A_6, %dma_start3A_7] : memref<10000x128xf32, #tpu.memory_space<hbm>> -> memref<10000x128xf32, #tpu.memory_space<hbm>>
    tpu.enqueue_indirect_dma source(%dma_start3A_8 : memref<10000x128xf32, #tpu.memory_space<hbm>>) target(%arg9 : memref<64x128xf32, #tpu.memory_space<vmem>>) offsets(%dma_start3A_5 : memref<64xi32, #tpu.memory_space<vmem>>) semaphore(%arg12 : memref<!tpu.dma_semaphore, #tpu.memory_space<semaphore_mem>>)
    %dma_start3A_9 = arith.constant 1 : i32
    %dma_start3A_10 = arith.constant 0 : i32
    %dma_start3A_11 = tpu.memref_slice %arg7[%dma_start3A_9, %dma_start3A_10] : memref<80x64xi32, #tpu.memory_space<vmem>> -> memref<1x64xi32, #tpu.memory_space<vmem>>
    %dma_start3A_12 = tpu.memref_squeeze %dma_start3A_11 : memref<1x64xi32, #tpu.memory_space<vmem>> -> memref<64xi32, #tpu.memory_space<vmem>>
    %dma_start3A_13 = arith.constant 0 : i32
    %dma_start3A_14 = arith.constant 0 : i32
    %dma_start3A_15 = tpu.memref_slice %arg2[%dma_start3A_13, %dma_start3A_14] : memref<10000x128xf32, #tpu.memory_space<hbm>> -> memref<10000x128xf32, #tpu.memory_space<hbm>>
    tpu.enqueue_indirect_dma source(%dma_start3A_15 : memref<10000x128xf32, #tpu.memory_space<hbm>>) target(%arg10 : memref<64x128xf32, #tpu.memory_space<vmem>>) offsets(%dma_start3A_12 : memref<64xi32, #tpu.memory_space<vmem>>) semaphore(%arg13 : memref<!tpu.dma_semaphore, #tpu.memory_space<semaphore_mem>>)
    %scan3A = arith.constant 0 : i32
    %scan3A_16 = arith.constant 40 : i32
    %scan3A_17 = arith.addi %scan3A, %scan3A_16 : i32
    %scan3A_18 = arith.constant 1 : i32
    scf.for %scan3A_67 = %scan3A to %scan3A_17 step %scan3A_18  : i32 {
      %mul3A_68 = arith.constant 2 : i32
      %mul3A_69 = arith.muli %scan3A_67, %mul3A_68 : i32
      %add3A_70 = arith.constant 0 : i32
      %add3A_71 = arith.addi %add3A_70, %mul3A_69 : i32
      %dma_wait3A_72 = arith.constant 0 : i32
      %dma_wait3A_73 = arith.constant 0 : i32
      %dma_wait3A_74 = tpu.memref_slice %arg7[%dma_wait3A_72, %dma_wait3A_73] : memref<80x64xi32, #tpu.memory_space<vmem>> -> memref<1x64xi32, #tpu.memory_space<vmem>>
      %dma_wait3A_75 = tpu.memref_squeeze %dma_wait3A_74 : memref<1x64xi32, #tpu.memory_space<vmem>> -> memref<64xi32, #tpu.memory_space<vmem>>
      %dma_wait3A_76 = arith.constant 0 : i32
      %dma_wait3A_77 = arith.constant 0 : i32
      %dma_wait3A_78 = tpu.memref_slice %arg2[%dma_wait3A_76, %dma_wait3A_77] : memref<10000x128xf32, #tpu.memory_space<hbm>> -> memref<10000x128xf32, #tpu.memory_space<hbm>>
      tpu.wait_indirect_dma semaphore(%arg12 : memref<!tpu.dma_semaphore, #tpu.memory_space<semaphore_mem>>) src(%dma_wait3A_78 : memref<10000x128xf32, #tpu.memory_space<hbm>>) dst(%arg9 : memref<64x128xf32, #tpu.memory_space<vmem>>)
      "tpu.region"() ({
        %run_scoped3A = tpu.sem_alloc : memref<!tpu.dma_semaphore, #tpu.memory_space<semaphore_mem>>
        %dma_start3A_107 = arith.constant 0 : i32
        %dma_start3A_108 = tpu.memref_slice %arg8[%add3A_71, %dma_start3A_107] : memref<80x64xi32, #tpu.memory_space<vmem>> -> memref<1x64xi32, #tpu.memory_space<vmem>>
        %dma_start3A_109 = tpu.memref_squeeze %dma_start3A_108 : memref<1x64xi32, #tpu.memory_space<vmem>> -> memref<64xi32, #tpu.memory_space<vmem>>
        %dma_start3A_110 = arith.constant 0 : i32
        %dma_start3A_111 = arith.constant 0 : i32
        %dma_start3A_112 = tpu.memref_slice %arg11[%dma_start3A_110, %dma_start3A_111] : memref<10112x128xf32, #tpu.memory_space<vmem_shared>> -> memref<10112x128xf32, #tpu.memory_space<vmem_shared>>
        tpu.enqueue_indirect_dma source(%arg9 : memref<64x128xf32, #tpu.memory_space<vmem>>) target(%dma_start3A_112 : memref<10112x128xf32, #tpu.memory_space<vmem_shared>>) offsets(%dma_start3A_109 : memref<64xi32, #tpu.memory_space<vmem>>) semaphore(%run_scoped3A : memref<!tpu.dma_semaphore, #tpu.memory_space<semaphore_mem>>) {add = true}
        %dma_wait3A_113 = arith.constant 0 : i32
        %dma_wait3A_114 = tpu.memref_slice %arg8[%add3A_71, %dma_wait3A_113] : memref<80x64xi32, #tpu.memory_space<vmem>> -> memref<1x64xi32, #tpu.memory_space<vmem>>
        %dma_wait3A_115 = tpu.memref_squeeze %dma_wait3A_114 : memref<1x64xi32, #tpu.memory_space<vmem>> -> memref<64xi32, #tpu.memory_space<vmem>>
        %dma_wait3A_116 = arith.constant 0 : i32
        %dma_wait3A_117 = arith.constant 0 : i32
        %dma_wait3A_118 = tpu.memref_slice %arg11[%dma_wait3A_116, %dma_wait3A_117] : memref<10112x128xf32, #tpu.memory_space<vmem_shared>> -> memref<10112x128xf32, #tpu.memory_space<vmem_shared>>
        tpu.wait_indirect_dma semaphore(%run_scoped3A : memref<!tpu.dma_semaphore, #tpu.memory_space<semaphore_mem>>) src(%arg9 : memref<64x128xf32, #tpu.memory_space<vmem>>) dst(%dma_wait3A_118 : memref<10112x128xf32, #tpu.memory_space<vmem_shared>>)
        tpu.yield
      }) : () -> ()
      %add3A_79 = arith.constant 2 : i32
      %add3A_80 = arith.addi %add3A_71, %add3A_79 : i32
      %min3A = arith.constant 79 : i32
      %min3A_81 = arith.minsi %add3A_80, %min3A : i32
      %dma_start3A_82 = arith.constant 0 : i32
      %dma_start3A_83 = tpu.memref_slice %arg7[%min3A_81, %dma_start3A_82] : memref<80x64xi32, #tpu.memory_space<vmem>> -> memref<1x64xi32, #tpu.memory_space<vmem>>
      %dma_start3A_84 = tpu.memref_squeeze %dma_start3A_83 : memref<1x64xi32, #tpu.memory_space<vmem>> -> memref<64xi32, #tpu.memory_space<vmem>>
      %dma_start3A_85 = arith.constant 0 : i32
      %dma_start3A_86 = arith.constant 0 : i32
      %dma_start3A_87 = tpu.memref_slice %arg2[%dma_start3A_85, %dma_start3A_86] : memref<10000x128xf32, #tpu.memory_space<hbm>> -> memref<10000x128xf32, #tpu.memory_space<hbm>>
      tpu.enqueue_indirect_dma source(%dma_start3A_87 : memref<10000x128xf32, #tpu.memory_space<hbm>>) target(%arg9 : memref<64x128xf32, #tpu.memory_space<vmem>>) offsets(%dma_start3A_84 : memref<64xi32, #tpu.memory_space<vmem>>) semaphore(%arg12 : memref<!tpu.dma_semaphore, #tpu.memory_space<semaphore_mem>>)
      %dma_wait3A_88 = arith.constant 0 : i32
      %dma_wait3A_89 = arith.constant 0 : i32
      %dma_wait3A_90 = tpu.memref_slice %arg7[%dma_wait3A_88, %dma_wait3A_89] : memref<80x64xi32, #tpu.memory_space<vmem>> -> memref<1x64xi32, #tpu.memory_space<vmem>>
      %dma_wait3A_91 = tpu.memref_squeeze %dma_wait3A_90 : memref<1x64xi32, #tpu.memory_space<vmem>> -> memref<64xi32, #tpu.memory_space<vmem>>
      %dma_wait3A_92 = arith.constant 0 : i32
      %dma_wait3A_93 = arith.constant 0 : i32
      %dma_wait3A_94 = tpu.memref_slice %arg2[%dma_wait3A_92, %dma_wait3A_93] : memref<10000x128xf32, #tpu.memory_space<hbm>> -> memref<10000x128xf32, #tpu.memory_space<hbm>>
      tpu.wait_indirect_dma semaphore(%arg13 : memref<!tpu.dma_semaphore, #tpu.memory_space<semaphore_mem>>) src(%dma_wait3A_94 : memref<10000x128xf32, #tpu.memory_space<hbm>>) dst(%arg10 : memref<64x128xf32, #tpu.memory_space<vmem>>)
      %add3A_95 = arith.constant 1 : i32
      %add3A_96 = arith.addi %add3A_71, %add3A_95 : i32
      "tpu.region"() ({
        %run_scoped3A = tpu.sem_alloc : memref<!tpu.dma_semaphore, #tpu.memory_space<semaphore_mem>>
        %dma_start3A_107 = arith.constant 0 : i32
        %dma_start3A_108 = tpu.memref_slice %arg8[%add3A_96, %dma_start3A_107] : memref<80x64xi32, #tpu.memory_space<vmem>> -> memref<1x64xi32, #tpu.memory_space<vmem>>
        %dma_start3A_109 = tpu.memref_squeeze %dma_start3A_108 : memref<1x64xi32, #tpu.memory_space<vmem>> -> memref<64xi32, #tpu.memory_space<vmem>>
        %dma_start3A_110 = arith.constant 0 : i32
        %dma_start3A_111 = arith.constant 0 : i32
        %dma_start3A_112 = tpu.memref_slice %arg11[%dma_start3A_110, %dma_start3A_111] : memref<10112x128xf32, #tpu.memory_space<vmem_shared>> -> memref<10112x128xf32, #tpu.memory_space<vmem_shared>>
        tpu.enqueue_indirect_dma source(%arg10 : memref<64x128xf32, #tpu.memory_space<vmem>>) target(%dma_start3A_112 : memref<10112x128xf32, #tpu.memory_space<vmem_shared>>) offsets(%dma_start3A_109 : memref<64xi32, #tpu.memory_space<vmem>>) semaphore(%run_scoped3A : memref<!tpu.dma_semaphore, #tpu.memory_space<semaphore_mem>>) {add = true}
        %dma_wait3A_113 = arith.constant 0 : i32
        %dma_wait3A_114 = tpu.memref_slice %arg8[%add3A_96, %dma_wait3A_113] : memref<80x64xi32, #tpu.memory_space<vmem>> -> memref<1x64xi32, #tpu.memory_space<vmem>>
        %dma_wait3A_115 = tpu.memref_squeeze %dma_wait3A_114 : memref<1x64xi32, #tpu.memory_space<vmem>> -> memref<64xi32, #tpu.memory_space<vmem>>
        %dma_wait3A_116 = arith.constant 0 : i32
        %dma_wait3A_117 = arith.constant 0 : i32
        %dma_wait3A_118 = tpu.memref_slice %arg11[%dma_wait3A_116, %dma_wait3A_117] : memref<10112x128xf32, #tpu.memory_space<vmem_shared>> -> memref<10112x128xf32, #tpu.memory_space<vmem_shared>>
        tpu.wait_indirect_dma semaphore(%run_scoped3A : memref<!tpu.dma_semaphore, #tpu.memory_space<semaphore_mem>>) src(%arg10 : memref<64x128xf32, #tpu.memory_space<vmem>>) dst(%dma_wait3A_118 : memref<10112x128xf32, #tpu.memory_space<vmem_shared>>)
        tpu.yield
      }) : () -> ()
      %add3A_97 = arith.constant 3 : i32
      %add3A_98 = arith.addi %add3A_71, %add3A_97 : i32
      %min3A_99 = arith.constant 79 : i32
      %min3A_100 = arith.minsi %add3A_98, %min3A_99 : i32
      %dma_start3A_101 = arith.constant 0 : i32
      %dma_start3A_102 = tpu.memref_slice %arg7[%min3A_100, %dma_start3A_101] : memref<80x64xi32, #tpu.memory_space<vmem>> -> memref<1x64xi32, #tpu.memory_space<vmem>>
      %dma_start3A_103 = tpu.memref_squeeze %dma_start3A_102 : memref<1x64xi32, #tpu.memory_space<vmem>> -> memref<64xi32, #tpu.memory_space<vmem>>
      %dma_start3A_104 = arith.constant 0 : i32
      %dma_start3A_105 = arith.constant 0 : i32
      %dma_start3A_106 = tpu.memref_slice %arg2[%dma_start3A_104, %dma_start3A_105] : memref<10000x128xf32, #tpu.memory_space<hbm>> -> memref<10000x128xf32, #tpu.memory_space<hbm>>
      tpu.enqueue_indirect_dma source(%dma_start3A_106 : memref<10000x128xf32, #tpu.memory_space<hbm>>) target(%arg10 : memref<64x128xf32, #tpu.memory_space<vmem>>) offsets(%dma_start3A_103 : memref<64xi32, #tpu.memory_space<vmem>>) semaphore(%arg13 : memref<!tpu.dma_semaphore, #tpu.memory_space<semaphore_mem>>)
    }
    %scan3A_19 = arith.constant 40 : i32
    %dma_wait3A = arith.constant 0 : i32
    %dma_wait3A_20 = arith.constant 0 : i32
    %dma_wait3A_21 = tpu.memref_slice %arg7[%dma_wait3A, %dma_wait3A_20] : memref<80x64xi32, #tpu.memory_space<vmem>> -> memref<1x64xi32, #tpu.memory_space<vmem>>
    %dma_wait3A_22 = tpu.memref_squeeze %dma_wait3A_21 : memref<1x64xi32, #tpu.memory_space<vmem>> -> memref<64xi32, #tpu.memory_space<vmem>>
    %dma_wait3A_23 = arith.constant 0 : i32
    %dma_wait3A_24 = arith.constant 0 : i32
    %dma_wait3A_25 = tpu.memref_slice %arg2[%dma_wait3A_23, %dma_wait3A_24] : memref<10000x128xf32, #tpu.memory_space<hbm>> -> memref<10000x128xf32, #tpu.memory_space<hbm>>
    tpu.wait_indirect_dma semaphore(%arg12 : memref<!tpu.dma_semaphore, #tpu.memory_space<semaphore_mem>>) src(%dma_wait3A_25 : memref<10000x128xf32, #tpu.memory_space<hbm>>) dst(%arg9 : memref<64x128xf32, #tpu.memory_space<vmem>>)
    %dma_wait3A_26 = arith.constant 0 : i32
    %dma_wait3A_27 = arith.constant 0 : i32
    %dma_wait3A_28 = tpu.memref_slice %arg7[%dma_wait3A_26, %dma_wait3A_27] : memref<80x64xi32, #tpu.memory_space<vmem>> -> memref<1x64xi32, #tpu.memory_space<vmem>>
    %dma_wait3A_29 = tpu.memref_squeeze %dma_wait3A_28 : memref<1x64xi32, #tpu.memory_space<vmem>> -> memref<64xi32, #tpu.memory_space<vmem>>
    %dma_wait3A_30 = arith.constant 0 : i32
    %dma_wait3A_31 = arith.constant 0 : i32
    %dma_wait3A_32 = tpu.memref_slice %arg2[%dma_wait3A_30, %dma_wait3A_31] : memref<10000x128xf32, #tpu.memory_space<hbm>> -> memref<10000x128xf32, #tpu.memory_space<hbm>>
    tpu.wait_indirect_dma semaphore(%arg13 : memref<!tpu.dma_semaphore, #tpu.memory_space<semaphore_mem>>) src(%dma_wait3A_32 : memref<10000x128xf32, #tpu.memory_space<hbm>>) dst(%arg10 : memref<64x128xf32, #tpu.memory_space<vmem>>)
    "tpu.region"() ({
      %run_scoped3A = tpu.sem_alloc : memref<!tpu.dma_semaphore, #tpu.memory_space<semaphore_mem>>
      %dma_start3A_67 = arith.constant 80 : i32
      %dma_start3A_68 = arith.constant 0 : i32
      %dma_start3A_69 = tpu.memref_slice %arg3[%add3A, %dma_start3A_67, %dma_start3A_68] : memref<32x160x64xi32, #tpu.memory_space<hbm>> -> memref<1x80x64xi32, #tpu.memory_space<hbm>>
      %dma_start3A_70 = tpu.memref_squeeze %dma_start3A_69 : memref<1x80x64xi32, #tpu.memory_space<hbm>> -> memref<80x64xi32, #tpu.memory_space<hbm>>
      %dma_start3A_71 = arith.constant 80 : i32
      %dma_start3A_72 = arith.constant 0 : i32
      %dma_start3A_73 = tpu.memref_slice %arg3[%add3A, %dma_start3A_71, %dma_start3A_72] : memref<32x160x64xi32, #tpu.memory_space<hbm>> -> memref<1x80x64xi32, #tpu.memory_space<hbm>>
      %dma_start3A_74 = tpu.memref_squeeze %dma_start3A_73 : memref<1x80x64xi32, #tpu.memory_space<hbm>> -> memref<80x64xi32, #tpu.memory_space<hbm>>
      tpu.enqueue_dma source(%dma_start3A_74 : memref<80x64xi32, #tpu.memory_space<hbm>>) target(%arg7 : memref<80x64xi32, #tpu.memory_space<vmem>>) target_semaphore(%run_scoped3A : memref<!tpu.dma_semaphore, #tpu.memory_space<semaphore_mem>>)
      %dma_wait3A_75 = arith.constant 80 : i32
      %dma_wait3A_76 = arith.constant 0 : i32
      %dma_wait3A_77 = tpu.memref_slice %arg3[%add3A, %dma_wait3A_75, %dma_wait3A_76] : memref<32x160x64xi32, #tpu.memory_space<hbm>> -> memref<1x80x64xi32, #tpu.memory_space<hbm>>
      %dma_wait3A_78 = tpu.memref_squeeze %dma_wait3A_77 : memref<1x80x64xi32, #tpu.memory_space<hbm>> -> memref<80x64xi32, #tpu.memory_space<hbm>>
      %dma_wait3A_79 = arith.constant 80 : i32
      %dma_wait3A_80 = arith.constant 0 : i32
      %dma_wait3A_81 = tpu.memref_slice %arg3[%add3A, %dma_wait3A_79, %dma_wait3A_80] : memref<32x160x64xi32, #tpu.memory_space<hbm>> -> memref<1x80x64xi32, #tpu.memory_space<hbm>>
      %dma_wait3A_82 = tpu.memref_squeeze %dma_wait3A_81 : memref<1x80x64xi32, #tpu.memory_space<hbm>> -> memref<80x64xi32, #tpu.memory_space<hbm>>
      tpu.wait_dma2 semaphore(%run_scoped3A : memref<!tpu.dma_semaphore, #tpu.memory_space<semaphore_mem>>) src(%dma_wait3A_82 : memref<80x64xi32, #tpu.memory_space<hbm>>) dst(%arg7 : memref<80x64xi32, #tpu.memory_space<vmem>>)
      tpu.yield
    }) : () -> ()
    "tpu.region"() ({
      %run_scoped3A = tpu.sem_alloc : memref<!tpu.dma_semaphore, #tpu.memory_space<semaphore_mem>>
      %dma_start3A_67 = arith.constant 80 : i32
      %dma_start3A_68 = arith.constant 0 : i32
      %dma_start3A_69 = tpu.memref_slice %arg4[%add3A, %dma_start3A_67, %dma_start3A_68] : memref<32x160x64xi32, #tpu.memory_space<hbm>> -> memref<1x80x64xi32, #tpu.memory_space<hbm>>
      %dma_start3A_70 = tpu.memref_squeeze %dma_start3A_69 : memref<1x80x64xi32, #tpu.memory_space<hbm>> -> memref<80x64xi32, #tpu.memory_space<hbm>>
      %dma_start3A_71 = arith.constant 80 : i32
      %dma_start3A_72 = arith.constant 0 : i32
      %dma_start3A_73 = tpu.memref_slice %arg4[%add3A, %dma_start3A_71, %dma_start3A_72] : memref<32x160x64xi32, #tpu.memory_space<hbm>> -> memref<1x80x64xi32, #tpu.memory_space<hbm>>
      %dma_start3A_74 = tpu.memref_squeeze %dma_start3A_73 : memref<1x80x64xi32, #tpu.memory_space<hbm>> -> memref<80x64xi32, #tpu.memory_space<hbm>>
      tpu.enqueue_dma source(%dma_start3A_74 : memref<80x64xi32, #tpu.memory_space<hbm>>) target(%arg8 : memref<80x64xi32, #tpu.memory_space<vmem>>) target_semaphore(%run_scoped3A : memref<!tpu.dma_semaphore, #tpu.memory_space<semaphore_mem>>)
      %dma_wait3A_75 = arith.constant 80 : i32
      %dma_wait3A_76 = arith.constant 0 : i32
      %dma_wait3A_77 = tpu.memref_slice %arg4[%add3A, %dma_wait3A_75, %dma_wait3A_76] : memref<32x160x64xi32, #tpu.memory_space<hbm>> -> memref<1x80x64xi32, #tpu.memory_space<hbm>>
      %dma_wait3A_78 = tpu.memref_squeeze %dma_wait3A_77 : memref<1x80x64xi32, #tpu.memory_space<hbm>> -> memref<80x64xi32, #tpu.memory_space<hbm>>
      %dma_wait3A_79 = arith.constant 80 : i32
      %dma_wait3A_80 = arith.constant 0 : i32
      %dma_wait3A_81 = tpu.memref_slice %arg4[%add3A, %dma_wait3A_79, %dma_wait3A_80] : memref<32x160x64xi32, #tpu.memory_space<hbm>> -> memref<1x80x64xi32, #tpu.memory_space<hbm>>
      %dma_wait3A_82 = tpu.memref_squeeze %dma_wait3A_81 : memref<1x80x64xi32, #tpu.memory_space<hbm>> -> memref<80x64xi32, #tpu.memory_space<hbm>>
      tpu.wait_dma2 semaphore(%run_scoped3A : memref<!tpu.dma_semaphore, #tpu.memory_space<semaphore_mem>>) src(%dma_wait3A_82 : memref<80x64xi32, #tpu.memory_space<hbm>>) dst(%arg8 : memref<80x64xi32, #tpu.memory_space<vmem>>)
      tpu.yield
    }) : () -> ()
    %dma_start3A_33 = arith.constant 0 : i32
    %dma_start3A_34 = arith.constant 0 : i32
    %dma_start3A_35 = tpu.memref_slice %arg7[%dma_start3A_33, %dma_start3A_34] : memref<80x64xi32, #tpu.memory_space<vmem>> -> memref<1x64xi32, #tpu.memory_space<vmem>>
    %dma_start3A_36 = tpu.memref_squeeze %dma_start3A_35 : memref<1x64xi32, #tpu.memory_space<vmem>> -> memref<64xi32, #tpu.memory_space<vmem>>
    %dma_start3A_37 = arith.constant 0 : i32
    %dma_start3A_38 = arith.constant 0 : i32
    %dma_start3A_39 = tpu.memref_slice %arg2[%dma_start3A_37, %dma_start3A_38] : memref<10000x128xf32, #tpu.memory_space<hbm>> -> memref<10000x128xf32, #tpu.memory_space<hbm>>
    tpu.enqueue_indirect_dma source(%dma_start3A_39 : memref<10000x128xf32, #tpu.memory_space<hbm>>) target(%arg9 : memref<64x128xf32, #tpu.memory_space<vmem>>) offsets(%dma_start3A_36 : memref<64xi32, #tpu.memory_space<vmem>>) semaphore(%arg12 : memref<!tpu.dma_semaphore, #tpu.memory_space<semaphore_mem>>)
    %dma_start3A_40 = arith.constant 1 : i32
    %dma_start3A_41 = arith.constant 0 : i32
    %dma_start3A_42 = tpu.memref_slice %arg7[%dma_start3A_40, %dma_start3A_41] : memref<80x64xi32, #tpu.memory_space<vmem>> -> memref<1x64xi32, #tpu.memory_space<vmem>>
    %dma_start3A_43 = tpu.memref_squeeze %dma_start3A_42 : memref<1x64xi32, #tpu.memory_space<vmem>> -> memref<64xi32, #tpu.memory_space<vmem>>
    %dma_start3A_44 = arith.constant 0 : i32
    %dma_start3A_45 = arith.constant 0 : i32
    %dma_start3A_46 = tpu.memref_slice %arg2[%dma_start3A_44, %dma_start3A_45] : memref<10000x128xf32, #tpu.memory_space<hbm>> -> memref<10000x128xf32, #tpu.memory_space<hbm>>
    tpu.enqueue_indirect_dma source(%dma_start3A_46 : memref<10000x128xf32, #tpu.memory_space<hbm>>) target(%arg10 : memref<64x128xf32, #tpu.memory_space<vmem>>) offsets(%dma_start3A_43 : memref<64xi32, #tpu.memory_space<vmem>>) semaphore(%arg13 : memref<!tpu.dma_semaphore, #tpu.memory_space<semaphore_mem>>)
    %scan3A_47 = arith.constant 0 : i32
    %scan3A_48 = arith.constant 40 : i32
    %scan3A_49 = arith.addi %scan3A_47, %scan3A_48 : i32
    %scan3A_50 = arith.constant 1 : i32
    scf.for %scan3A_67 = %scan3A_47 to %scan3A_49 step %scan3A_50  : i32 {
      %mul3A_68 = arith.constant 2 : i32
      %mul3A_69 = arith.muli %scan3A_67, %mul3A_68 : i32
      %add3A_70 = arith.constant 0 : i32
      %add3A_71 = arith.addi %add3A_70, %mul3A_69 : i32
      %dma_wait3A_72 = arith.constant 0 : i32
      %dma_wait3A_73 = arith.constant 0 : i32
      %dma_wait3A_74 = tpu.memref_slice %arg7[%dma_wait3A_72, %dma_wait3A_73] : memref<80x64xi32, #tpu.memory_space<vmem>> -> memref<1x64xi32, #tpu.memory_space<vmem>>
      %dma_wait3A_75 = tpu.memref_squeeze %dma_wait3A_74 : memref<1x64xi32, #tpu.memory_space<vmem>> -> memref<64xi32, #tpu.memory_space<vmem>>
      %dma_wait3A_76 = arith.constant 0 : i32
      %dma_wait3A_77 = arith.constant 0 : i32
      %dma_wait3A_78 = tpu.memref_slice %arg2[%dma_wait3A_76, %dma_wait3A_77] : memref<10000x128xf32, #tpu.memory_space<hbm>> -> memref<10000x128xf32, #tpu.memory_space<hbm>>
      tpu.wait_indirect_dma semaphore(%arg12 : memref<!tpu.dma_semaphore, #tpu.memory_space<semaphore_mem>>) src(%dma_wait3A_78 : memref<10000x128xf32, #tpu.memory_space<hbm>>) dst(%arg9 : memref<64x128xf32, #tpu.memory_space<vmem>>)
      "tpu.region"() ({
        %run_scoped3A = tpu.sem_alloc : memref<!tpu.dma_semaphore, #tpu.memory_space<semaphore_mem>>
        %dma_start3A_107 = arith.constant 0 : i32
        %dma_start3A_108 = tpu.memref_slice %arg8[%add3A_71, %dma_start3A_107] : memref<80x64xi32, #tpu.memory_space<vmem>> -> memref<1x64xi32, #tpu.memory_space<vmem>>
        %dma_start3A_109 = tpu.memref_squeeze %dma_start3A_108 : memref<1x64xi32, #tpu.memory_space<vmem>> -> memref<64xi32, #tpu.memory_space<vmem>>
        %dma_start3A_110 = arith.constant 0 : i32
        %dma_start3A_111 = arith.constant 0 : i32
        %dma_start3A_112 = tpu.memref_slice %arg11[%dma_start3A_110, %dma_start3A_111] : memref<10112x128xf32, #tpu.memory_space<vmem_shared>> -> memref<10112x128xf32, #tpu.memory_space<vmem_shared>>
        tpu.enqueue_indirect_dma source(%arg9 : memref<64x128xf32, #tpu.memory_space<vmem>>) target(%dma_start3A_112 : memref<10112x128xf32, #tpu.memory_space<vmem_shared>>) offsets(%dma_start3A_109 : memref<64xi32, #tpu.memory_space<vmem>>) semaphore(%run_scoped3A : memref<!tpu.dma_semaphore, #tpu.memory_space<semaphore_mem>>) {add = true}
        %dma_wait3A_113 = arith.constant 0 : i32
        %dma_wait3A_114 = tpu.memref_slice %arg8[%add3A_71, %dma_wait3A_113] : memref<80x64xi32, #tpu.memory_space<vmem>> -> memref<1x64xi32, #tpu.memory_space<vmem>>
        %dma_wait3A_115 = tpu.memref_squeeze %dma_wait3A_114 : memref<1x64xi32, #tpu.memory_space<vmem>> -> memref<64xi32, #tpu.memory_space<vmem>>
        %dma_wait3A_116 = arith.constant 0 : i32
        %dma_wait3A_117 = arith.constant 0 : i32
        %dma_wait3A_118 = tpu.memref_slice %arg11[%dma_wait3A_116, %dma_wait3A_117] : memref<10112x128xf32, #tpu.memory_space<vmem_shared>> -> memref<10112x128xf32, #tpu.memory_space<vmem_shared>>
        tpu.wait_indirect_dma semaphore(%run_scoped3A : memref<!tpu.dma_semaphore, #tpu.memory_space<semaphore_mem>>) src(%arg9 : memref<64x128xf32, #tpu.memory_space<vmem>>) dst(%dma_wait3A_118 : memref<10112x128xf32, #tpu.memory_space<vmem_shared>>)
        tpu.yield
      }) : () -> ()
      %add3A_79 = arith.constant 2 : i32
      %add3A_80 = arith.addi %add3A_71, %add3A_79 : i32
      %min3A = arith.constant 79 : i32
      %min3A_81 = arith.minsi %add3A_80, %min3A : i32
      %dma_start3A_82 = arith.constant 0 : i32
      %dma_start3A_83 = tpu.memref_slice %arg7[%min3A_81, %dma_start3A_82] : memref<80x64xi32, #tpu.memory_space<vmem>> -> memref<1x64xi32, #tpu.memory_space<vmem>>
      %dma_start3A_84 = tpu.memref_squeeze %dma_start3A_83 : memref<1x64xi32, #tpu.memory_space<vmem>> -> memref<64xi32, #tpu.memory_space<vmem>>
      %dma_start3A_85 = arith.constant 0 : i32
      %dma_start3A_86 = arith.constant 0 : i32
      %dma_start3A_87 = tpu.memref_slice %arg2[%dma_start3A_85, %dma_start3A_86] : memref<10000x128xf32, #tpu.memory_space<hbm>> -> memref<10000x128xf32, #tpu.memory_space<hbm>>
      tpu.enqueue_indirect_dma source(%dma_start3A_87 : memref<10000x128xf32, #tpu.memory_space<hbm>>) target(%arg9 : memref<64x128xf32, #tpu.memory_space<vmem>>) offsets(%dma_start3A_84 : memref<64xi32, #tpu.memory_space<vmem>>) semaphore(%arg12 : memref<!tpu.dma_semaphore, #tpu.memory_space<semaphore_mem>>)
      %dma_wait3A_88 = arith.constant 0 : i32
      %dma_wait3A_89 = arith.constant 0 : i32
      %dma_wait3A_90 = tpu.memref_slice %arg7[%dma_wait3A_88, %dma_wait3A_89] : memref<80x64xi32, #tpu.memory_space<vmem>> -> memref<1x64xi32, #tpu.memory_space<vmem>>
      %dma_wait3A_91 = tpu.memref_squeeze %dma_wait3A_90 : memref<1x64xi32, #tpu.memory_space<vmem>> -> memref<64xi32, #tpu.memory_space<vmem>>
      %dma_wait3A_92 = arith.constant 0 : i32
      %dma_wait3A_93 = arith.constant 0 : i32
      %dma_wait3A_94 = tpu.memref_slice %arg2[%dma_wait3A_92, %dma_wait3A_93] : memref<10000x128xf32, #tpu.memory_space<hbm>> -> memref<10000x128xf32, #tpu.memory_space<hbm>>
      tpu.wait_indirect_dma semaphore(%arg13 : memref<!tpu.dma_semaphore, #tpu.memory_space<semaphore_mem>>) src(%dma_wait3A_94 : memref<10000x128xf32, #tpu.memory_space<hbm>>) dst(%arg10 : memref<64x128xf32, #tpu.memory_space<vmem>>)
      %add3A_95 = arith.constant 1 : i32
      %add3A_96 = arith.addi %add3A_71, %add3A_95 : i32
      "tpu.region"() ({
        %run_scoped3A = tpu.sem_alloc : memref<!tpu.dma_semaphore, #tpu.memory_space<semaphore_mem>>
        %dma_start3A_107 = arith.constant 0 : i32
        %dma_start3A_108 = tpu.memref_slice %arg8[%add3A_96, %dma_start3A_107] : memref<80x64xi32, #tpu.memory_space<vmem>> -> memref<1x64xi32, #tpu.memory_space<vmem>>
        %dma_start3A_109 = tpu.memref_squeeze %dma_start3A_108 : memref<1x64xi32, #tpu.memory_space<vmem>> -> memref<64xi32, #tpu.memory_space<vmem>>
        %dma_start3A_110 = arith.constant 0 : i32
        %dma_start3A_111 = arith.constant 0 : i32
        %dma_start3A_112 = tpu.memref_slice %arg11[%dma_start3A_110, %dma_start3A_111] : memref<10112x128xf32, #tpu.memory_space<vmem_shared>> -> memref<10112x128xf32, #tpu.memory_space<vmem_shared>>
        tpu.enqueue_indirect_dma source(%arg10 : memref<64x128xf32, #tpu.memory_space<vmem>>) target(%dma_start3A_112 : memref<10112x128xf32, #tpu.memory_space<vmem_shared>>) offsets(%dma_start3A_109 : memref<64xi32, #tpu.memory_space<vmem>>) semaphore(%run_scoped3A : memref<!tpu.dma_semaphore, #tpu.memory_space<semaphore_mem>>) {add = true}
        %dma_wait3A_113 = arith.constant 0 : i32
        %dma_wait3A_114 = tpu.memref_slice %arg8[%add3A_96, %dma_wait3A_113] : memref<80x64xi32, #tpu.memory_space<vmem>> -> memref<1x64xi32, #tpu.memory_space<vmem>>
        %dma_wait3A_115 = tpu.memref_squeeze %dma_wait3A_114 : memref<1x64xi32, #tpu.memory_space<vmem>> -> memref<64xi32, #tpu.memory_space<vmem>>
        %dma_wait3A_116 = arith.constant 0 : i32
        %dma_wait3A_117 = arith.constant 0 : i32
        %dma_wait3A_118 = tpu.memref_slice %arg11[%dma_wait3A_116, %dma_wait3A_117] : memref<10112x128xf32, #tpu.memory_space<vmem_shared>> -> memref<10112x128xf32, #tpu.memory_space<vmem_shared>>
        tpu.wait_indirect_dma semaphore(%run_scoped3A : memref<!tpu.dma_semaphore, #tpu.memory_space<semaphore_mem>>) src(%arg10 : memref<64x128xf32, #tpu.memory_space<vmem>>) dst(%dma_wait3A_118 : memref<10112x128xf32, #tpu.memory_space<vmem_shared>>)
        tpu.yield
      }) : () -> ()
      %add3A_97 = arith.constant 3 : i32
      %add3A_98 = arith.addi %add3A_71, %add3A_97 : i32
      %min3A_99 = arith.constant 79 : i32
      %min3A_100 = arith.minsi %add3A_98, %min3A_99 : i32
      %dma_start3A_101 = arith.constant 0 : i32
      %dma_start3A_102 = tpu.memref_slice %arg7[%min3A_100, %dma_start3A_101] : memref<80x64xi32, #tpu.memory_space<vmem>> -> memref<1x64xi32, #tpu.memory_space<vmem>>
      %dma_start3A_103 = tpu.memref_squeeze %dma_start3A_102 : memref<1x64xi32, #tpu.memory_space<vmem>> -> memref<64xi32, #tpu.memory_space<vmem>>
      %dma_start3A_104 = arith.constant 0 : i32
      %dma_start3A_105 = arith.constant 0 : i32
      %dma_start3A_106 = tpu.memref_slice %arg2[%dma_start3A_104, %dma_start3A_105] : memref<10000x128xf32, #tpu.memory_space<hbm>> -> memref<10000x128xf32, #tpu.memory_space<hbm>>
      tpu.enqueue_indirect_dma source(%dma_start3A_106 : memref<10000x128xf32, #tpu.memory_space<hbm>>) target(%arg10 : memref<64x128xf32, #tpu.memory_space<vmem>>) offsets(%dma_start3A_103 : memref<64xi32, #tpu.memory_space<vmem>>) semaphore(%arg13 : memref<!tpu.dma_semaphore, #tpu.memory_space<semaphore_mem>>)
    }
    %scan3A_51 = arith.constant 40 : i32
    %dma_wait3A_52 = arith.constant 0 : i32
    %dma_wait3A_53 = arith.constant 0 : i32
    %dma_wait3A_54 = tpu.memref_slice %arg7[%dma_wait3A_52, %dma_wait3A_53] : memref<80x64xi32, #tpu.memory_space<vmem>> -> memref<1x64xi32, #tpu.memory_space<vmem>>
    %dma_wait3A_55 = tpu.memref_squeeze %dma_wait3A_54 : memref<1x64xi32, #tpu.memory_space<vmem>> -> memref<64xi32, #tpu.memory_space<vmem>>
    %dma_wait3A_56 = arith.constant 0 : i32
    %dma_wait3A_57 = arith.constant 0 : i32
    %dma_wait3A_58 = tpu.memref_slice %arg2[%dma_wait3A_56, %dma_wait3A_57] : memref<10000x128xf32, #tpu.memory_space<hbm>> -> memref<10000x128xf32, #tpu.memory_space<hbm>>
    tpu.wait_indirect_dma semaphore(%arg12 : memref<!tpu.dma_semaphore, #tpu.memory_space<semaphore_mem>>) src(%dma_wait3A_58 : memref<10000x128xf32, #tpu.memory_space<hbm>>) dst(%arg9 : memref<64x128xf32, #tpu.memory_space<vmem>>)
    %dma_wait3A_59 = arith.constant 0 : i32
    %dma_wait3A_60 = arith.constant 0 : i32
    %dma_wait3A_61 = tpu.memref_slice %arg7[%dma_wait3A_59, %dma_wait3A_60] : memref<80x64xi32, #tpu.memory_space<vmem>> -> memref<1x64xi32, #tpu.memory_space<vmem>>
    %dma_wait3A_62 = tpu.memref_squeeze %dma_wait3A_61 : memref<1x64xi32, #tpu.memory_space<vmem>> -> memref<64xi32, #tpu.memory_space<vmem>>
    %dma_wait3A_63 = arith.constant 0 : i32
    %dma_wait3A_64 = arith.constant 0 : i32
    %dma_wait3A_65 = tpu.memref_slice %arg2[%dma_wait3A_63, %dma_wait3A_64] : memref<10000x128xf32, #tpu.memory_space<hbm>> -> memref<10000x128xf32, #tpu.memory_space<hbm>>
    tpu.wait_indirect_dma semaphore(%arg13 : memref<!tpu.dma_semaphore, #tpu.memory_space<semaphore_mem>>) src(%dma_wait3A_65 : memref<10000x128xf32, #tpu.memory_space<hbm>>) dst(%arg10 : memref<64x128xf32, #tpu.memory_space<vmem>>)
    %barrier3A_66 = arith.constant 0 : index
    tpu.barrier barrier_id(%barrier3A_66)
    "tpu.region"() ({
      %run_scoped3A = tpu.sem_alloc : memref<!tpu.dma_semaphore, #tpu.memory_space<semaphore_mem>>
      %dma_start3A_67 = arith.constant 0 : i32
      %dma_start3A_68 = tpu.memref_slice %arg6[%arg0, %mul3A_2, %dma_start3A_67] : memref<2x10112x128xf32, #tpu.memory_space<hbm>> -> memref<1x632x128xf32, #tpu.memory_space<hbm>>
      %dma_start3A_69 = tpu.memref_squeeze %dma_start3A_68 : memref<1x632x128xf32, #tpu.memory_space<hbm>> -> memref<632x128xf32, #tpu.memory_space<hbm>>
      %dma_start3A_70 = arith.constant 0 : i32
      %dma_start3A_71 = tpu.memref_slice %arg11[%mul3A_2, %dma_start3A_70] : memref<10112x128xf32, #tpu.memory_space<vmem_shared>> -> memref<632x128xf32, #tpu.memory_space<vmem_shared>>
      tpu.enqueue_dma source(%dma_start3A_71 : memref<632x128xf32, #tpu.memory_space<vmem_shared>>) target(%dma_start3A_69 : memref<632x128xf32, #tpu.memory_space<hbm>>) target_semaphore(%run_scoped3A : memref<!tpu.dma_semaphore, #tpu.memory_space<semaphore_mem>>)
      %dma_wait3A_72 = arith.constant 0 : i32
      %dma_wait3A_73 = tpu.memref_slice %arg6[%arg0, %mul3A_2, %dma_wait3A_72] : memref<2x10112x128xf32, #tpu.memory_space<hbm>> -> memref<1x632x128xf32, #tpu.memory_space<hbm>>
      %dma_wait3A_74 = tpu.memref_squeeze %dma_wait3A_73 : memref<1x632x128xf32, #tpu.memory_space<hbm>> -> memref<632x128xf32, #tpu.memory_space<hbm>>
      %dma_wait3A_75 = arith.constant 0 : i32
      %dma_wait3A_76 = tpu.memref_slice %arg11[%mul3A_2, %dma_wait3A_75] : memref<10112x128xf32, #tpu.memory_space<vmem_shared>> -> memref<632x128xf32, #tpu.memory_space<vmem_shared>>
      tpu.wait_dma2 semaphore(%run_scoped3A : memref<!tpu.dma_semaphore, #tpu.memory_space<semaphore_mem>>) src(%dma_wait3A_76 : memref<632x128xf32, #tpu.memory_space<vmem_shared>>) dst(%dma_wait3A_74 : memref<632x128xf32, #tpu.memory_space<hbm>>)
      tpu.yield
    }) : () -> ()
    return
  }
}

#map = affine_map<(d0, d1) -> (0, 0)>
#map1 = affine_map<(d0, d1) -> (0, 0, 0)>
module attributes {stable_mosaic.version = 14 : i64} {
  func.func @agg_kernel(%arg0: i32, %arg1: i32, %arg2: memref<10000x128xf32, #tpu.memory_space<hbm>>, %arg3: memref<32x160x64xi32, #tpu.memory_space<hbm>>, %arg4: memref<32x160x64xi32, #tpu.memory_space<hbm>>, %arg5: memref<10112x128xf32, #tpu.memory_space<hbm>>, %arg6: memref<2x10112x128xf32, #tpu.memory_space<hbm>>, %arg7: memref<80x64xi32, #tpu.memory_space<vmem>>, %arg8: memref<80x64xi32, #tpu.memory_space<vmem>>, %arg9: memref<64x128xf32, #tpu.memory_space<vmem>>, %arg10: memref<64x128xf32, #tpu.memory_space<vmem>>, %arg11: memref<10112x128xf32, #tpu.memory_space<vmem_shared>>, %arg12: memref<!tpu.dma_semaphore, #tpu.memory_space<semaphore_mem>>, %arg13: memref<!tpu.dma_semaphore, #tpu.memory_space<semaphore_mem>>) attributes {dimension_semantics = [#tpu.dimension_semantics<core_parallel>, #tpu.dimension_semantics<subcore_parallel>], iteration_bounds = array<i64: 2, 16>, scalar_prefetch = 0 : i64, scratch_operands = 7 : i64, tpu.core_type = #tpu.core_type<sc_vector_subcore>, window_params = [{transform_indices = #map}, {transform_indices = #map1}, {transform_indices = #map1}, {transform_indices = #map}, {transform_indices = #map1}]} {
    %mul3A = arith.constant 16 : i32
    %mul3A_0 = arith.muli %arg0, %mul3A : i32
    %add3A = arith.addi %mul3A_0, %arg1 : i32
    %mul3A_1 = arith.constant 632 : i32
    %mul3A_2 = arith.muli %arg1, %mul3A_1 : i32
    "tpu.region"() ({
      %run_scoped3A = tpu.sem_alloc : memref<!tpu.dma_semaphore, #tpu.memory_space<semaphore_mem>>
      %dma_start3A_67 = arith.constant 0 : i32
      %dma_start3A_68 = tpu.memref_slice %arg11[%mul3A_2, %dma_start3A_67] : memref<10112x128xf32, #tpu.memory_space<vmem_shared>> -> memref<632x128xf32, #tpu.memory_space<vmem_shared>>
      %dma_start3A_69 = arith.constant 0 : i32
      %dma_start3A_70 = tpu.memref_slice %arg5[%mul3A_2, %dma_start3A_69] : memref<10112x128xf32, #tpu.memory_space<hbm>> -> memref<632x128xf32, #tpu.memory_space<hbm>>
      tpu.enqueue_dma source(%dma_start3A_70 : memref<632x128xf32, #tpu.memory_space<hbm>>) target(%dma_start3A_68 : memref<632x128xf32, #tpu.memory_space<vmem_shared>>) target_semaphore(%run_scoped3A : memref<!tpu.dma_semaphore, #tpu.memory_space<semaphore_mem>>)
      %dma_wait3A_71 = arith.constant 0 : i32
      %dma_wait3A_72 = tpu.memref_slice %arg11[%mul3A_2, %dma_wait3A_71] : memref<10112x128xf32, #tpu.memory_space<vmem_shared>> -> memref<632x128xf32, #tpu.memory_space<vmem_shared>>
      %dma_wait3A_73 = arith.constant 0 : i32
      %dma_wait3A_74 = tpu.memref_slice %arg5[%mul3A_2, %dma_wait3A_73] : memref<10112x128xf32, #tpu.memory_space<hbm>> -> memref<632x128xf32, #tpu.memory_space<hbm>>
      tpu.wait_dma2 semaphore(%run_scoped3A : memref<!tpu.dma_semaphore, #tpu.memory_space<semaphore_mem>>) src(%dma_wait3A_74 : memref<632x128xf32, #tpu.memory_space<hbm>>) dst(%dma_wait3A_72 : memref<632x128xf32, #tpu.memory_space<vmem_shared>>)
      tpu.yield
    }) : () -> ()
    %barrier3A = arith.constant 0 : index
    tpu.barrier barrier_id(%barrier3A)
    "tpu.region"() ({
      %run_scoped3A = tpu.sem_alloc : memref<!tpu.dma_semaphore, #tpu.memory_space<semaphore_mem>>
      %dma_start3A_67 = arith.constant 0 : i32
      %dma_start3A_68 = arith.constant 0 : i32
      %dma_start3A_69 = tpu.memref_slice %arg3[%add3A, %dma_start3A_67, %dma_start3A_68] : memref<32x160x64xi32, #tpu.memory_space<hbm>> -> memref<1x80x64xi32, #tpu.memory_space<hbm>>
      %dma_start3A_70 = tpu.memref_squeeze %dma_start3A_69 : memref<1x80x64xi32, #tpu.memory_space<hbm>> -> memref<80x64xi32, #tpu.memory_space<hbm>>
      %dma_start3A_71 = arith.constant 0 : i32
      %dma_start3A_72 = arith.constant 0 : i32
      %dma_start3A_73 = tpu.memref_slice %arg3[%add3A, %dma_start3A_71, %dma_start3A_72] : memref<32x160x64xi32, #tpu.memory_space<hbm>> -> memref<1x80x64xi32, #tpu.memory_space<hbm>>
      %dma_start3A_74 = tpu.memref_squeeze %dma_start3A_73 : memref<1x80x64xi32, #tpu.memory_space<hbm>> -> memref<80x64xi32, #tpu.memory_space<hbm>>
      tpu.enqueue_dma source(%dma_start3A_74 : memref<80x64xi32, #tpu.memory_space<hbm>>) target(%arg7 : memref<80x64xi32, #tpu.memory_space<vmem>>) target_semaphore(%run_scoped3A : memref<!tpu.dma_semaphore, #tpu.memory_space<semaphore_mem>>)
      %dma_wait3A_75 = arith.constant 0 : i32
      %dma_wait3A_76 = arith.constant 0 : i32
      %dma_wait3A_77 = tpu.memref_slice %arg3[%add3A, %dma_wait3A_75, %dma_wait3A_76] : memref<32x160x64xi32, #tpu.memory_space<hbm>> -> memref<1x80x64xi32, #tpu.memory_space<hbm>>
      %dma_wait3A_78 = tpu.memref_squeeze %dma_wait3A_77 : memref<1x80x64xi32, #tpu.memory_space<hbm>> -> memref<80x64xi32, #tpu.memory_space<hbm>>
      %dma_wait3A_79 = arith.constant 0 : i32
      %dma_wait3A_80 = arith.constant 0 : i32
      %dma_wait3A_81 = tpu.memref_slice %arg3[%add3A, %dma_wait3A_79, %dma_wait3A_80] : memref<32x160x64xi32, #tpu.memory_space<hbm>> -> memref<1x80x64xi32, #tpu.memory_space<hbm>>
      %dma_wait3A_82 = tpu.memref_squeeze %dma_wait3A_81 : memref<1x80x64xi32, #tpu.memory_space<hbm>> -> memref<80x64xi32, #tpu.memory_space<hbm>>
      tpu.wait_dma2 semaphore(%run_scoped3A : memref<!tpu.dma_semaphore, #tpu.memory_space<semaphore_mem>>) src(%dma_wait3A_82 : memref<80x64xi32, #tpu.memory_space<hbm>>) dst(%arg7 : memref<80x64xi32, #tpu.memory_space<vmem>>)
      tpu.yield
    }) : () -> ()
    "tpu.region"() ({
      %run_scoped3A = tpu.sem_alloc : memref<!tpu.dma_semaphore, #tpu.memory_space<semaphore_mem>>
      %dma_start3A_67 = arith.constant 0 : i32
      %dma_start3A_68 = arith.constant 0 : i32
      %dma_start3A_69 = tpu.memref_slice %arg4[%add3A, %dma_start3A_67, %dma_start3A_68] : memref<32x160x64xi32, #tpu.memory_space<hbm>> -> memref<1x80x64xi32, #tpu.memory_space<hbm>>
      %dma_start3A_70 = tpu.memref_squeeze %dma_start3A_69 : memref<1x80x64xi32, #tpu.memory_space<hbm>> -> memref<80x64xi32, #tpu.memory_space<hbm>>
      %dma_start3A_71 = arith.constant 0 : i32
      %dma_start3A_72 = arith.constant 0 : i32
      %dma_start3A_73 = tpu.memref_slice %arg4[%add3A, %dma_start3A_71, %dma_start3A_72] : memref<32x160x64xi32, #tpu.memory_space<hbm>> -> memref<1x80x64xi32, #tpu.memory_space<hbm>>
      %dma_start3A_74 = tpu.memref_squeeze %dma_start3A_73 : memref<1x80x64xi32, #tpu.memory_space<hbm>> -> memref<80x64xi32, #tpu.memory_space<hbm>>
      tpu.enqueue_dma source(%dma_start3A_74 : memref<80x64xi32, #tpu.memory_space<hbm>>) target(%arg8 : memref<80x64xi32, #tpu.memory_space<vmem>>) target_semaphore(%run_scoped3A : memref<!tpu.dma_semaphore, #tpu.memory_space<semaphore_mem>>)
      %dma_wait3A_75 = arith.constant 0 : i32
      %dma_wait3A_76 = arith.constant 0 : i32
      %dma_wait3A_77 = tpu.memref_slice %arg4[%add3A, %dma_wait3A_75, %dma_wait3A_76] : memref<32x160x64xi32, #tpu.memory_space<hbm>> -> memref<1x80x64xi32, #tpu.memory_space<hbm>>
      %dma_wait3A_78 = tpu.memref_squeeze %dma_wait3A_77 : memref<1x80x64xi32, #tpu.memory_space<hbm>> -> memref<80x64xi32, #tpu.memory_space<hbm>>
      %dma_wait3A_79 = arith.constant 0 : i32
      %dma_wait3A_80 = arith.constant 0 : i32
      %dma_wait3A_81 = tpu.memref_slice %arg4[%add3A, %dma_wait3A_79, %dma_wait3A_80] : memref<32x160x64xi32, #tpu.memory_space<hbm>> -> memref<1x80x64xi32, #tpu.memory_space<hbm>>
      %dma_wait3A_82 = tpu.memref_squeeze %dma_wait3A_81 : memref<1x80x64xi32, #tpu.memory_space<hbm>> -> memref<80x64xi32, #tpu.memory_space<hbm>>
      tpu.wait_dma2 semaphore(%run_scoped3A : memref<!tpu.dma_semaphore, #tpu.memory_space<semaphore_mem>>) src(%dma_wait3A_82 : memref<80x64xi32, #tpu.memory_space<hbm>>) dst(%arg8 : memref<80x64xi32, #tpu.memory_space<vmem>>)
      tpu.yield
    }) : () -> ()
    %dma_start3A = arith.constant 0 : i32
    %dma_start3A_3 = arith.constant 0 : i32
    %dma_start3A_4 = tpu.memref_slice %arg7[%dma_start3A, %dma_start3A_3] : memref<80x64xi32, #tpu.memory_space<vmem>> -> memref<1x64xi32, #tpu.memory_space<vmem>>
    %dma_start3A_5 = tpu.memref_squeeze %dma_start3A_4 : memref<1x64xi32, #tpu.memory_space<vmem>> -> memref<64xi32, #tpu.memory_space<vmem>>
    %dma_start3A_6 = arith.constant 0 : i32
    %dma_start3A_7 = arith.constant 0 : i32
    %dma_start3A_8 = tpu.memref_slice %arg2[%dma_start3A_6, %dma_start3A_7] : memref<10000x128xf32, #tpu.memory_space<hbm>> -> memref<10000x128xf32, #tpu.memory_space<hbm>>
    tpu.enqueue_indirect_dma source(%dma_start3A_8 : memref<10000x128xf32, #tpu.memory_space<hbm>>) target(%arg9 : memref<64x128xf32, #tpu.memory_space<vmem>>) offsets(%dma_start3A_5 : memref<64xi32, #tpu.memory_space<vmem>>) semaphore(%arg12 : memref<!tpu.dma_semaphore, #tpu.memory_space<semaphore_mem>>)
    %dma_start3A_9 = arith.constant 1 : i32
    %dma_start3A_10 = arith.constant 0 : i32
    %dma_start3A_11 = tpu.memref_slice %arg7[%dma_start3A_9, %dma_start3A_10] : memref<80x64xi32, #tpu.memory_space<vmem>> -> memref<1x64xi32, #tpu.memory_space<vmem>>
    %dma_start3A_12 = tpu.memref_squeeze %dma_start3A_11 : memref<1x64xi32, #tpu.memory_space<vmem>> -> memref<64xi32, #tpu.memory_space<vmem>>
    %dma_start3A_13 = arith.constant 0 : i32
    %dma_start3A_14 = arith.constant 0 : i32
    %dma_start3A_15 = tpu.memref_slice %arg2[%dma_start3A_13, %dma_start3A_14] : memref<10000x128xf32, #tpu.memory_space<hbm>> -> memref<10000x128xf32, #tpu.memory_space<hbm>>
    tpu.enqueue_indirect_dma source(%dma_start3A_15 : memref<10000x128xf32, #tpu.memory_space<hbm>>) target(%arg10 : memref<64x128xf32, #tpu.memory_space<vmem>>) offsets(%dma_start3A_12 : memref<64xi32, #tpu.memory_space<vmem>>) semaphore(%arg13 : memref<!tpu.dma_semaphore, #tpu.memory_space<semaphore_mem>>)
    %scan3A = arith.constant 0 : i32
    %scan3A_16 = arith.constant 40 : i32
    %scan3A_17 = arith.addi %scan3A, %scan3A_16 : i32
    %scan3A_18 = arith.constant 1 : i32
    scf.for %scan3A_67 = %scan3A to %scan3A_17 step %scan3A_18  : i32 {
      %mul3A_68 = arith.constant 2 : i32
      %mul3A_69 = arith.muli %scan3A_67, %mul3A_68 : i32
      %add3A_70 = arith.constant 0 : i32
      %add3A_71 = arith.addi %add3A_70, %mul3A_69 : i32
      %dma_wait3A_72 = arith.constant 0 : i32
      %dma_wait3A_73 = arith.constant 0 : i32
      %dma_wait3A_74 = tpu.memref_slice %arg7[%dma_wait3A_72, %dma_wait3A_73] : memref<80x64xi32, #tpu.memory_space<vmem>> -> memref<1x64xi32, #tpu.memory_space<vmem>>
      %dma_wait3A_75 = tpu.memref_squeeze %dma_wait3A_74 : memref<1x64xi32, #tpu.memory_space<vmem>> -> memref<64xi32, #tpu.memory_space<vmem>>
      %dma_wait3A_76 = arith.constant 0 : i32
      %dma_wait3A_77 = arith.constant 0 : i32
      %dma_wait3A_78 = tpu.memref_slice %arg2[%dma_wait3A_76, %dma_wait3A_77] : memref<10000x128xf32, #tpu.memory_space<hbm>> -> memref<10000x128xf32, #tpu.memory_space<hbm>>
      tpu.wait_indirect_dma semaphore(%arg12 : memref<!tpu.dma_semaphore, #tpu.memory_space<semaphore_mem>>) src(%dma_wait3A_78 : memref<10000x128xf32, #tpu.memory_space<hbm>>) dst(%arg9 : memref<64x128xf32, #tpu.memory_space<vmem>>)
      "tpu.region"() ({
        %run_scoped3A = tpu.sem_alloc : memref<!tpu.dma_semaphore, #tpu.memory_space<semaphore_mem>>
        %dma_start3A_107 = arith.constant 0 : i32
        %dma_start3A_108 = tpu.memref_slice %arg8[%add3A_71, %dma_start3A_107] : memref<80x64xi32, #tpu.memory_space<vmem>> -> memref<1x64xi32, #tpu.memory_space<vmem>>
        %dma_start3A_109 = tpu.memref_squeeze %dma_start3A_108 : memref<1x64xi32, #tpu.memory_space<vmem>> -> memref<64xi32, #tpu.memory_space<vmem>>
        %dma_start3A_110 = arith.constant 0 : i32
        %dma_start3A_111 = arith.constant 0 : i32
        %dma_start3A_112 = tpu.memref_slice %arg11[%dma_start3A_110, %dma_start3A_111] : memref<10112x128xf32, #tpu.memory_space<vmem_shared>> -> memref<10112x128xf32, #tpu.memory_space<vmem_shared>>
        tpu.enqueue_indirect_dma source(%arg9 : memref<64x128xf32, #tpu.memory_space<vmem>>) target(%dma_start3A_112 : memref<10112x128xf32, #tpu.memory_space<vmem_shared>>) offsets(%dma_start3A_109 : memref<64xi32, #tpu.memory_space<vmem>>) semaphore(%run_scoped3A : memref<!tpu.dma_semaphore, #tpu.memory_space<semaphore_mem>>) {add = true}
        %dma_wait3A_113 = arith.constant 0 : i32
        %dma_wait3A_114 = tpu.memref_slice %arg8[%add3A_71, %dma_wait3A_113] : memref<80x64xi32, #tpu.memory_space<vmem>> -> memref<1x64xi32, #tpu.memory_space<vmem>>
        %dma_wait3A_115 = tpu.memref_squeeze %dma_wait3A_114 : memref<1x64xi32, #tpu.memory_space<vmem>> -> memref<64xi32, #tpu.memory_space<vmem>>
        %dma_wait3A_116 = arith.constant 0 : i32
        %dma_wait3A_117 = arith.constant 0 : i32
        %dma_wait3A_118 = tpu.memref_slice %arg11[%dma_wait3A_116, %dma_wait3A_117] : memref<10112x128xf32, #tpu.memory_space<vmem_shared>> -> memref<10112x128xf32, #tpu.memory_space<vmem_shared>>
        tpu.wait_indirect_dma semaphore(%run_scoped3A : memref<!tpu.dma_semaphore, #tpu.memory_space<semaphore_mem>>) src(%arg9 : memref<64x128xf32, #tpu.memory_space<vmem>>) dst(%dma_wait3A_118 : memref<10112x128xf32, #tpu.memory_space<vmem_shared>>)
        tpu.yield
      }) : () -> ()
      %add3A_79 = arith.constant 2 : i32
      %add3A_80 = arith.addi %add3A_71, %add3A_79 : i32
      %min3A = arith.constant 79 : i32
      %min3A_81 = arith.minsi %add3A_80, %min3A : i32
      %dma_start3A_82 = arith.constant 0 : i32
      %dma_start3A_83 = tpu.memref_slice %arg7[%min3A_81, %dma_start3A_82] : memref<80x64xi32, #tpu.memory_space<vmem>> -> memref<1x64xi32, #tpu.memory_space<vmem>>
      %dma_start3A_84 = tpu.memref_squeeze %dma_start3A_83 : memref<1x64xi32, #tpu.memory_space<vmem>> -> memref<64xi32, #tpu.memory_space<vmem>>
      %dma_start3A_85 = arith.constant 0 : i32
      %dma_start3A_86 = arith.constant 0 : i32
      %dma_start3A_87 = tpu.memref_slice %arg2[%dma_start3A_85, %dma_start3A_86] : memref<10000x128xf32, #tpu.memory_space<hbm>> -> memref<10000x128xf32, #tpu.memory_space<hbm>>
      tpu.enqueue_indirect_dma source(%dma_start3A_87 : memref<10000x128xf32, #tpu.memory_space<hbm>>) target(%arg9 : memref<64x128xf32, #tpu.memory_space<vmem>>) offsets(%dma_start3A_84 : memref<64xi32, #tpu.memory_space<vmem>>) semaphore(%arg12 : memref<!tpu.dma_semaphore, #tpu.memory_space<semaphore_mem>>)
      %dma_wait3A_88 = arith.constant 0 : i32
      %dma_wait3A_89 = arith.constant 0 : i32
      %dma_wait3A_90 = tpu.memref_slice %arg7[%dma_wait3A_88, %dma_wait3A_89] : memref<80x64xi32, #tpu.memory_space<vmem>> -> memref<1x64xi32, #tpu.memory_space<vmem>>
      %dma_wait3A_91 = tpu.memref_squeeze %dma_wait3A_90 : memref<1x64xi32, #tpu.memory_space<vmem>> -> memref<64xi32, #tpu.memory_space<vmem>>
      %dma_wait3A_92 = arith.constant 0 : i32
      %dma_wait3A_93 = arith.constant 0 : i32
      %dma_wait3A_94 = tpu.memref_slice %arg2[%dma_wait3A_92, %dma_wait3A_93] : memref<10000x128xf32, #tpu.memory_space<hbm>> -> memref<10000x128xf32, #tpu.memory_space<hbm>>
      tpu.wait_indirect_dma semaphore(%arg13 : memref<!tpu.dma_semaphore, #tpu.memory_space<semaphore_mem>>) src(%dma_wait3A_94 : memref<10000x128xf32, #tpu.memory_space<hbm>>) dst(%arg10 : memref<64x128xf32, #tpu.memory_space<vmem>>)
      %add3A_95 = arith.constant 1 : i32
      %add3A_96 = arith.addi %add3A_71, %add3A_95 : i32
      "tpu.region"() ({
        %run_scoped3A = tpu.sem_alloc : memref<!tpu.dma_semaphore, #tpu.memory_space<semaphore_mem>>
        %dma_start3A_107 = arith.constant 0 : i32
        %dma_start3A_108 = tpu.memref_slice %arg8[%add3A_96, %dma_start3A_107] : memref<80x64xi32, #tpu.memory_space<vmem>> -> memref<1x64xi32, #tpu.memory_space<vmem>>
        %dma_start3A_109 = tpu.memref_squeeze %dma_start3A_108 : memref<1x64xi32, #tpu.memory_space<vmem>> -> memref<64xi32, #tpu.memory_space<vmem>>
        %dma_start3A_110 = arith.constant 0 : i32
        %dma_start3A_111 = arith.constant 0 : i32
        %dma_start3A_112 = tpu.memref_slice %arg11[%dma_start3A_110, %dma_start3A_111] : memref<10112x128xf32, #tpu.memory_space<vmem_shared>> -> memref<10112x128xf32, #tpu.memory_space<vmem_shared>>
        tpu.enqueue_indirect_dma source(%arg10 : memref<64x128xf32, #tpu.memory_space<vmem>>) target(%dma_start3A_112 : memref<10112x128xf32, #tpu.memory_space<vmem_shared>>) offsets(%dma_start3A_109 : memref<64xi32, #tpu.memory_space<vmem>>) semaphore(%run_scoped3A : memref<!tpu.dma_semaphore, #tpu.memory_space<semaphore_mem>>) {add = true}
        %dma_wait3A_113 = arith.constant 0 : i32
        %dma_wait3A_114 = tpu.memref_slice %arg8[%add3A_96, %dma_wait3A_113] : memref<80x64xi32, #tpu.memory_space<vmem>> -> memref<1x64xi32, #tpu.memory_space<vmem>>
        %dma_wait3A_115 = tpu.memref_squeeze %dma_wait3A_114 : memref<1x64xi32, #tpu.memory_space<vmem>> -> memref<64xi32, #tpu.memory_space<vmem>>
        %dma_wait3A_116 = arith.constant 0 : i32
        %dma_wait3A_117 = arith.constant 0 : i32
        %dma_wait3A_118 = tpu.memref_slice %arg11[%dma_wait3A_116, %dma_wait3A_117] : memref<10112x128xf32, #tpu.memory_space<vmem_shared>> -> memref<10112x128xf32, #tpu.memory_space<vmem_shared>>
        tpu.wait_indirect_dma semaphore(%run_scoped3A : memref<!tpu.dma_semaphore, #tpu.memory_space<semaphore_mem>>) src(%arg10 : memref<64x128xf32, #tpu.memory_space<vmem>>) dst(%dma_wait3A_118 : memref<10112x128xf32, #tpu.memory_space<vmem_shared>>)
        tpu.yield
      }) : () -> ()
      %add3A_97 = arith.constant 3 : i32
      %add3A_98 = arith.addi %add3A_71, %add3A_97 : i32
      %min3A_99 = arith.constant 79 : i32
      %min3A_100 = arith.minsi %add3A_98, %min3A_99 : i32
      %dma_start3A_101 = arith.constant 0 : i32
      %dma_start3A_102 = tpu.memref_slice %arg7[%min3A_100, %dma_start3A_101] : memref<80x64xi32, #tpu.memory_space<vmem>> -> memref<1x64xi32, #tpu.memory_space<vmem>>
      %dma_start3A_103 = tpu.memref_squeeze %dma_start3A_102 : memref<1x64xi32, #tpu.memory_space<vmem>> -> memref<64xi32, #tpu.memory_space<vmem>>
      %dma_start3A_104 = arith.constant 0 : i32
      %dma_start3A_105 = arith.constant 0 : i32
      %dma_start3A_106 = tpu.memref_slice %arg2[%dma_start3A_104, %dma_start3A_105] : memref<10000x128xf32, #tpu.memory_space<hbm>> -> memref<10000x128xf32, #tpu.memory_space<hbm>>
      tpu.enqueue_indirect_dma source(%dma_start3A_106 : memref<10000x128xf32, #tpu.memory_space<hbm>>) target(%arg10 : memref<64x128xf32, #tpu.memory_space<vmem>>) offsets(%dma_start3A_103 : memref<64xi32, #tpu.memory_space<vmem>>) semaphore(%arg13 : memref<!tpu.dma_semaphore, #tpu.memory_space<semaphore_mem>>)
    }
    %scan3A_19 = arith.constant 40 : i32
    %dma_wait3A = arith.constant 0 : i32
    %dma_wait3A_20 = arith.constant 0 : i32
    %dma_wait3A_21 = tpu.memref_slice %arg7[%dma_wait3A, %dma_wait3A_20] : memref<80x64xi32, #tpu.memory_space<vmem>> -> memref<1x64xi32, #tpu.memory_space<vmem>>
    %dma_wait3A_22 = tpu.memref_squeeze %dma_wait3A_21 : memref<1x64xi32, #tpu.memory_space<vmem>> -> memref<64xi32, #tpu.memory_space<vmem>>
    %dma_wait3A_23 = arith.constant 0 : i32
    %dma_wait3A_24 = arith.constant 0 : i32
    %dma_wait3A_25 = tpu.memref_slice %arg2[%dma_wait3A_23, %dma_wait3A_24] : memref<10000x128xf32, #tpu.memory_space<hbm>> -> memref<10000x128xf32, #tpu.memory_space<hbm>>
    tpu.wait_indirect_dma semaphore(%arg12 : memref<!tpu.dma_semaphore, #tpu.memory_space<semaphore_mem>>) src(%dma_wait3A_25 : memref<10000x128xf32, #tpu.memory_space<hbm>>) dst(%arg9 : memref<64x128xf32, #tpu.memory_space<vmem>>)
    %dma_wait3A_26 = arith.constant 0 : i32
    %dma_wait3A_27 = arith.constant 0 : i32
    %dma_wait3A_28 = tpu.memref_slice %arg7[%dma_wait3A_26, %dma_wait3A_27] : memref<80x64xi32, #tpu.memory_space<vmem>> -> memref<1x64xi32, #tpu.memory_space<vmem>>
    %dma_wait3A_29 = tpu.memref_squeeze %dma_wait3A_28 : memref<1x64xi32, #tpu.memory_space<vmem>> -> memref<64xi32, #tpu.memory_space<vmem>>
    %dma_wait3A_30 = arith.constant 0 : i32
    %dma_wait3A_31 = arith.constant 0 : i32
    %dma_wait3A_32 = tpu.memref_slice %arg2[%dma_wait3A_30, %dma_wait3A_31] : memref<10000x128xf32, #tpu.memory_space<hbm>> -> memref<10000x128xf32, #tpu.memory_space<hbm>>
    tpu.wait_indirect_dma semaphore(%arg13 : memref<!tpu.dma_semaphore, #tpu.memory_space<semaphore_mem>>) src(%dma_wait3A_32 : memref<10000x128xf32, #tpu.memory_space<hbm>>) dst(%arg10 : memref<64x128xf32, #tpu.memory_space<vmem>>)
    "tpu.region"() ({
      %run_scoped3A = tpu.sem_alloc : memref<!tpu.dma_semaphore, #tpu.memory_space<semaphore_mem>>
      %dma_start3A_67 = arith.constant 80 : i32
      %dma_start3A_68 = arith.constant 0 : i32
      %dma_start3A_69 = tpu.memref_slice %arg3[%add3A, %dma_start3A_67, %dma_start3A_68] : memref<32x160x64xi32, #tpu.memory_space<hbm>> -> memref<1x80x64xi32, #tpu.memory_space<hbm>>
      %dma_start3A_70 = tpu.memref_squeeze %dma_start3A_69 : memref<1x80x64xi32, #tpu.memory_space<hbm>> -> memref<80x64xi32, #tpu.memory_space<hbm>>
      %dma_start3A_71 = arith.constant 80 : i32
      %dma_start3A_72 = arith.constant 0 : i32
      %dma_start3A_73 = tpu.memref_slice %arg3[%add3A, %dma_start3A_71, %dma_start3A_72] : memref<32x160x64xi32, #tpu.memory_space<hbm>> -> memref<1x80x64xi32, #tpu.memory_space<hbm>>
      %dma_start3A_74 = tpu.memref_squeeze %dma_start3A_73 : memref<1x80x64xi32, #tpu.memory_space<hbm>> -> memref<80x64xi32, #tpu.memory_space<hbm>>
      tpu.enqueue_dma source(%dma_start3A_74 : memref<80x64xi32, #tpu.memory_space<hbm>>) target(%arg7 : memref<80x64xi32, #tpu.memory_space<vmem>>) target_semaphore(%run_scoped3A : memref<!tpu.dma_semaphore, #tpu.memory_space<semaphore_mem>>)
      %dma_wait3A_75 = arith.constant 80 : i32
      %dma_wait3A_76 = arith.constant 0 : i32
      %dma_wait3A_77 = tpu.memref_slice %arg3[%add3A, %dma_wait3A_75, %dma_wait3A_76] : memref<32x160x64xi32, #tpu.memory_space<hbm>> -> memref<1x80x64xi32, #tpu.memory_space<hbm>>
      %dma_wait3A_78 = tpu.memref_squeeze %dma_wait3A_77 : memref<1x80x64xi32, #tpu.memory_space<hbm>> -> memref<80x64xi32, #tpu.memory_space<hbm>>
      %dma_wait3A_79 = arith.constant 80 : i32
      %dma_wait3A_80 = arith.constant 0 : i32
      %dma_wait3A_81 = tpu.memref_slice %arg3[%add3A, %dma_wait3A_79, %dma_wait3A_80] : memref<32x160x64xi32, #tpu.memory_space<hbm>> -> memref<1x80x64xi32, #tpu.memory_space<hbm>>
      %dma_wait3A_82 = tpu.memref_squeeze %dma_wait3A_81 : memref<1x80x64xi32, #tpu.memory_space<hbm>> -> memref<80x64xi32, #tpu.memory_space<hbm>>
      tpu.wait_dma2 semaphore(%run_scoped3A : memref<!tpu.dma_semaphore, #tpu.memory_space<semaphore_mem>>) src(%dma_wait3A_82 : memref<80x64xi32, #tpu.memory_space<hbm>>) dst(%arg7 : memref<80x64xi32, #tpu.memory_space<vmem>>)
      tpu.yield
    }) : () -> ()
    "tpu.region"() ({
      %run_scoped3A = tpu.sem_alloc : memref<!tpu.dma_semaphore, #tpu.memory_space<semaphore_mem>>
      %dma_start3A_67 = arith.constant 80 : i32
      %dma_start3A_68 = arith.constant 0 : i32
      %dma_start3A_69 = tpu.memref_slice %arg4[%add3A, %dma_start3A_67, %dma_start3A_68] : memref<32x160x64xi32, #tpu.memory_space<hbm>> -> memref<1x80x64xi32, #tpu.memory_space<hbm>>
      %dma_start3A_70 = tpu.memref_squeeze %dma_start3A_69 : memref<1x80x64xi32, #tpu.memory_space<hbm>> -> memref<80x64xi32, #tpu.memory_space<hbm>>
      %dma_start3A_71 = arith.constant 80 : i32
      %dma_start3A_72 = arith.constant 0 : i32
      %dma_start3A_73 = tpu.memref_slice %arg4[%add3A, %dma_start3A_71, %dma_start3A_72] : memref<32x160x64xi32, #tpu.memory_space<hbm>> -> memref<1x80x64xi32, #tpu.memory_space<hbm>>
      %dma_start3A_74 = tpu.memref_squeeze %dma_start3A_73 : memref<1x80x64xi32, #tpu.memory_space<hbm>> -> memref<80x64xi32, #tpu.memory_space<hbm>>
      tpu.enqueue_dma source(%dma_start3A_74 : memref<80x64xi32, #tpu.memory_space<hbm>>) target(%arg8 : memref<80x64xi32, #tpu.memory_space<vmem>>) target_semaphore(%run_scoped3A : memref<!tpu.dma_semaphore, #tpu.memory_space<semaphore_mem>>)
      %dma_wait3A_75 = arith.constant 80 : i32
      %dma_wait3A_76 = arith.constant 0 : i32
      %dma_wait3A_77 = tpu.memref_slice %arg4[%add3A, %dma_wait3A_75, %dma_wait3A_76] : memref<32x160x64xi32, #tpu.memory_space<hbm>> -> memref<1x80x64xi32, #tpu.memory_space<hbm>>
      %dma_wait3A_78 = tpu.memref_squeeze %dma_wait3A_77 : memref<1x80x64xi32, #tpu.memory_space<hbm>> -> memref<80x64xi32, #tpu.memory_space<hbm>>
      %dma_wait3A_79 = arith.constant 80 : i32
      %dma_wait3A_80 = arith.constant 0 : i32
      %dma_wait3A_81 = tpu.memref_slice %arg4[%add3A, %dma_wait3A_79, %dma_wait3A_80] : memref<32x160x64xi32, #tpu.memory_space<hbm>> -> memref<1x80x64xi32, #tpu.memory_space<hbm>>
      %dma_wait3A_82 = tpu.memref_squeeze %dma_wait3A_81 : memref<1x80x64xi32, #tpu.memory_space<hbm>> -> memref<80x64xi32, #tpu.memory_space<hbm>>
      tpu.wait_dma2 semaphore(%run_scoped3A : memref<!tpu.dma_semaphore, #tpu.memory_space<semaphore_mem>>) src(%dma_wait3A_82 : memref<80x64xi32, #tpu.memory_space<hbm>>) dst(%arg8 : memref<80x64xi32, #tpu.memory_space<vmem>>)
      tpu.yield
    }) : () -> ()
    %dma_start3A_33 = arith.constant 0 : i32
    %dma_start3A_34 = arith.constant 0 : i32
    %dma_start3A_35 = tpu.memref_slice %arg7[%dma_start3A_33, %dma_start3A_34] : memref<80x64xi32, #tpu.memory_space<vmem>> -> memref<1x64xi32, #tpu.memory_space<vmem>>
    %dma_start3A_36 = tpu.memref_squeeze %dma_start3A_35 : memref<1x64xi32, #tpu.memory_space<vmem>> -> memref<64xi32, #tpu.memory_space<vmem>>
    %dma_start3A_37 = arith.constant 0 : i32
    %dma_start3A_38 = arith.constant 0 : i32
    %dma_start3A_39 = tpu.memref_slice %arg2[%dma_start3A_37, %dma_start3A_38] : memref<10000x128xf32, #tpu.memory_space<hbm>> -> memref<10000x128xf32, #tpu.memory_space<hbm>>
    tpu.enqueue_indirect_dma source(%dma_start3A_39 : memref<10000x128xf32, #tpu.memory_space<hbm>>) target(%arg9 : memref<64x128xf32, #tpu.memory_space<vmem>>) offsets(%dma_start3A_36 : memref<64xi32, #tpu.memory_space<vmem>>) semaphore(%arg12 : memref<!tpu.dma_semaphore, #tpu.memory_space<semaphore_mem>>)
    %dma_start3A_40 = arith.constant 1 : i32
    %dma_start3A_41 = arith.constant 0 : i32
    %dma_start3A_42 = tpu.memref_slice %arg7[%dma_start3A_40, %dma_start3A_41] : memref<80x64xi32, #tpu.memory_space<vmem>> -> memref<1x64xi32, #tpu.memory_space<vmem>>
    %dma_start3A_43 = tpu.memref_squeeze %dma_start3A_42 : memref<1x64xi32, #tpu.memory_space<vmem>> -> memref<64xi32, #tpu.memory_space<vmem>>
    %dma_start3A_44 = arith.constant 0 : i32
    %dma_start3A_45 = arith.constant 0 : i32
    %dma_start3A_46 = tpu.memref_slice %arg2[%dma_start3A_44, %dma_start3A_45] : memref<10000x128xf32, #tpu.memory_space<hbm>> -> memref<10000x128xf32, #tpu.memory_space<hbm>>
    tpu.enqueue_indirect_dma source(%dma_start3A_46 : memref<10000x128xf32, #tpu.memory_space<hbm>>) target(%arg10 : memref<64x128xf32, #tpu.memory_space<vmem>>) offsets(%dma_start3A_43 : memref<64xi32, #tpu.memory_space<vmem>>) semaphore(%arg13 : memref<!tpu.dma_semaphore, #tpu.memory_space<semaphore_mem>>)
    %scan3A_47 = arith.constant 0 : i32
    %scan3A_48 = arith.constant 40 : i32
    %scan3A_49 = arith.addi %scan3A_47, %scan3A_48 : i32
    %scan3A_50 = arith.constant 1 : i32
    scf.for %scan3A_67 = %scan3A_47 to %scan3A_49 step %scan3A_50  : i32 {
      %mul3A_68 = arith.constant 2 : i32
      %mul3A_69 = arith.muli %scan3A_67, %mul3A_68 : i32
      %add3A_70 = arith.constant 0 : i32
      %add3A_71 = arith.addi %add3A_70, %mul3A_69 : i32
      %dma_wait3A_72 = arith.constant 0 : i32
      %dma_wait3A_73 = arith.constant 0 : i32
      %dma_wait3A_74 = tpu.memref_slice %arg7[%dma_wait3A_72, %dma_wait3A_73] : memref<80x64xi32, #tpu.memory_space<vmem>> -> memref<1x64xi32, #tpu.memory_space<vmem>>
      %dma_wait3A_75 = tpu.memref_squeeze %dma_wait3A_74 : memref<1x64xi32, #tpu.memory_space<vmem>> -> memref<64xi32, #tpu.memory_space<vmem>>
      %dma_wait3A_76 = arith.constant 0 : i32
      %dma_wait3A_77 = arith.constant 0 : i32
      %dma_wait3A_78 = tpu.memref_slice %arg2[%dma_wait3A_76, %dma_wait3A_77] : memref<10000x128xf32, #tpu.memory_space<hbm>> -> memref<10000x128xf32, #tpu.memory_space<hbm>>
      tpu.wait_indirect_dma semaphore(%arg12 : memref<!tpu.dma_semaphore, #tpu.memory_space<semaphore_mem>>) src(%dma_wait3A_78 : memref<10000x128xf32, #tpu.memory_space<hbm>>) dst(%arg9 : memref<64x128xf32, #tpu.memory_space<vmem>>)
      "tpu.region"() ({
        %run_scoped3A = tpu.sem_alloc : memref<!tpu.dma_semaphore, #tpu.memory_space<semaphore_mem>>
        %dma_start3A_107 = arith.constant 0 : i32
        %dma_start3A_108 = tpu.memref_slice %arg8[%add3A_71, %dma_start3A_107] : memref<80x64xi32, #tpu.memory_space<vmem>> -> memref<1x64xi32, #tpu.memory_space<vmem>>
        %dma_start3A_109 = tpu.memref_squeeze %dma_start3A_108 : memref<1x64xi32, #tpu.memory_space<vmem>> -> memref<64xi32, #tpu.memory_space<vmem>>
        %dma_start3A_110 = arith.constant 0 : i32
        %dma_start3A_111 = arith.constant 0 : i32
        %dma_start3A_112 = tpu.memref_slice %arg11[%dma_start3A_110, %dma_start3A_111] : memref<10112x128xf32, #tpu.memory_space<vmem_shared>> -> memref<10112x128xf32, #tpu.memory_space<vmem_shared>>
        tpu.enqueue_indirect_dma source(%arg9 : memref<64x128xf32, #tpu.memory_space<vmem>>) target(%dma_start3A_112 : memref<10112x128xf32, #tpu.memory_space<vmem_shared>>) offsets(%dma_start3A_109 : memref<64xi32, #tpu.memory_space<vmem>>) semaphore(%run_scoped3A : memref<!tpu.dma_semaphore, #tpu.memory_space<semaphore_mem>>) {add = true}
        %dma_wait3A_113 = arith.constant 0 : i32
        %dma_wait3A_114 = tpu.memref_slice %arg8[%add3A_71, %dma_wait3A_113] : memref<80x64xi32, #tpu.memory_space<vmem>> -> memref<1x64xi32, #tpu.memory_space<vmem>>
        %dma_wait3A_115 = tpu.memref_squeeze %dma_wait3A_114 : memref<1x64xi32, #tpu.memory_space<vmem>> -> memref<64xi32, #tpu.memory_space<vmem>>
        %dma_wait3A_116 = arith.constant 0 : i32
        %dma_wait3A_117 = arith.constant 0 : i32
        %dma_wait3A_118 = tpu.memref_slice %arg11[%dma_wait3A_116, %dma_wait3A_117] : memref<10112x128xf32, #tpu.memory_space<vmem_shared>> -> memref<10112x128xf32, #tpu.memory_space<vmem_shared>>
        tpu.wait_indirect_dma semaphore(%run_scoped3A : memref<!tpu.dma_semaphore, #tpu.memory_space<semaphore_mem>>) src(%arg9 : memref<64x128xf32, #tpu.memory_space<vmem>>) dst(%dma_wait3A_118 : memref<10112x128xf32, #tpu.memory_space<vmem_shared>>)
        tpu.yield
      }) : () -> ()
      %add3A_79 = arith.constant 2 : i32
      %add3A_80 = arith.addi %add3A_71, %add3A_79 : i32
      %min3A = arith.constant 79 : i32
      %min3A_81 = arith.minsi %add3A_80, %min3A : i32
      %dma_start3A_82 = arith.constant 0 : i32
      %dma_start3A_83 = tpu.memref_slice %arg7[%min3A_81, %dma_start3A_82] : memref<80x64xi32, #tpu.memory_space<vmem>> -> memref<1x64xi32, #tpu.memory_space<vmem>>
      %dma_start3A_84 = tpu.memref_squeeze %dma_start3A_83 : memref<1x64xi32, #tpu.memory_space<vmem>> -> memref<64xi32, #tpu.memory_space<vmem>>
      %dma_start3A_85 = arith.constant 0 : i32
      %dma_start3A_86 = arith.constant 0 : i32
      %dma_start3A_87 = tpu.memref_slice %arg2[%dma_start3A_85, %dma_start3A_86] : memref<10000x128xf32, #tpu.memory_space<hbm>> -> memref<10000x128xf32, #tpu.memory_space<hbm>>
      tpu.enqueue_indirect_dma source(%dma_start3A_87 : memref<10000x128xf32, #tpu.memory_space<hbm>>) target(%arg9 : memref<64x128xf32, #tpu.memory_space<vmem>>) offsets(%dma_start3A_84 : memref<64xi32, #tpu.memory_space<vmem>>) semaphore(%arg12 : memref<!tpu.dma_semaphore, #tpu.memory_space<semaphore_mem>>)
      %dma_wait3A_88 = arith.constant 0 : i32
      %dma_wait3A_89 = arith.constant 0 : i32
      %dma_wait3A_90 = tpu.memref_slice %arg7[%dma_wait3A_88, %dma_wait3A_89] : memref<80x64xi32, #tpu.memory_space<vmem>> -> memref<1x64xi32, #tpu.memory_space<vmem>>
      %dma_wait3A_91 = tpu.memref_squeeze %dma_wait3A_90 : memref<1x64xi32, #tpu.memory_space<vmem>> -> memref<64xi32, #tpu.memory_space<vmem>>
      %dma_wait3A_92 = arith.constant 0 : i32
      %dma_wait3A_93 = arith.constant 0 : i32
      %dma_wait3A_94 = tpu.memref_slice %arg2[%dma_wait3A_92, %dma_wait3A_93] : memref<10000x128xf32, #tpu.memory_space<hbm>> -> memref<10000x128xf32, #tpu.memory_space<hbm>>
      tpu.wait_indirect_dma semaphore(%arg13 : memref<!tpu.dma_semaphore, #tpu.memory_space<semaphore_mem>>) src(%dma_wait3A_94 : memref<10000x128xf32, #tpu.memory_space<hbm>>) dst(%arg10 : memref<64x128xf32, #tpu.memory_space<vmem>>)
      %add3A_95 = arith.constant 1 : i32
      %add3A_96 = arith.addi %add3A_71, %add3A_95 : i32
      "tpu.region"() ({
        %run_scoped3A = tpu.sem_alloc : memref<!tpu.dma_semaphore, #tpu.memory_space<semaphore_mem>>
        %dma_start3A_107 = arith.constant 0 : i32
        %dma_start3A_108 = tpu.memref_slice %arg8[%add3A_96, %dma_start3A_107] : memref<80x64xi32, #tpu.memory_space<vmem>> -> memref<1x64xi32, #tpu.memory_space<vmem>>
        %dma_start3A_109 = tpu.memref_squeeze %dma_start3A_108 : memref<1x64xi32, #tpu.memory_space<vmem>> -> memref<64xi32, #tpu.memory_space<vmem>>
        %dma_start3A_110 = arith.constant 0 : i32
        %dma_start3A_111 = arith.constant 0 : i32
        %dma_start3A_112 = tpu.memref_slice %arg11[%dma_start3A_110, %dma_start3A_111] : memref<10112x128xf32, #tpu.memory_space<vmem_shared>> -> memref<10112x128xf32, #tpu.memory_space<vmem_shared>>
        tpu.enqueue_indirect_dma source(%arg10 : memref<64x128xf32, #tpu.memory_space<vmem>>) target(%dma_start3A_112 : memref<10112x128xf32, #tpu.memory_space<vmem_shared>>) offsets(%dma_start3A_109 : memref<64xi32, #tpu.memory_space<vmem>>) semaphore(%run_scoped3A : memref<!tpu.dma_semaphore, #tpu.memory_space<semaphore_mem>>) {add = true}
        %dma_wait3A_113 = arith.constant 0 : i32
        %dma_wait3A_114 = tpu.memref_slice %arg8[%add3A_96, %dma_wait3A_113] : memref<80x64xi32, #tpu.memory_space<vmem>> -> memref<1x64xi32, #tpu.memory_space<vmem>>
        %dma_wait3A_115 = tpu.memref_squeeze %dma_wait3A_114 : memref<1x64xi32, #tpu.memory_space<vmem>> -> memref<64xi32, #tpu.memory_space<vmem>>
        %dma_wait3A_116 = arith.constant 0 : i32
        %dma_wait3A_117 = arith.constant 0 : i32
        %dma_wait3A_118 = tpu.memref_slice %arg11[%dma_wait3A_116, %dma_wait3A_117] : memref<10112x128xf32, #tpu.memory_space<vmem_shared>> -> memref<10112x128xf32, #tpu.memory_space<vmem_shared>>
        tpu.wait_indirect_dma semaphore(%run_scoped3A : memref<!tpu.dma_semaphore, #tpu.memory_space<semaphore_mem>>) src(%arg10 : memref<64x128xf32, #tpu.memory_space<vmem>>) dst(%dma_wait3A_118 : memref<10112x128xf32, #tpu.memory_space<vmem_shared>>)
        tpu.yield
      }) : () -> ()
      %add3A_97 = arith.constant 3 : i32
      %add3A_98 = arith.addi %add3A_71, %add3A_97 : i32
      %min3A_99 = arith.constant 79 : i32
      %min3A_100 = arith.minsi %add3A_98, %min3A_99 : i32
      %dma_start3A_101 = arith.constant 0 : i32
      %dma_start3A_102 = tpu.memref_slice %arg7[%min3A_100, %dma_start3A_101] : memref<80x64xi32, #tpu.memory_space<vmem>> -> memref<1x64xi32, #tpu.memory_space<vmem>>
      %dma_start3A_103 = tpu.memref_squeeze %dma_start3A_102 : memref<1x64xi32, #tpu.memory_space<vmem>> -> memref<64xi32, #tpu.memory_space<vmem>>
      %dma_start3A_104 = arith.constant 0 : i32
      %dma_start3A_105 = arith.constant 0 : i32
      %dma_start3A_106 = tpu.memref_slice %arg2[%dma_start3A_104, %dma_start3A_105] : memref<10000x128xf32, #tpu.memory_space<hbm>> -> memref<10000x128xf32, #tpu.memory_space<hbm>>
      tpu.enqueue_indirect_dma source(%dma_start3A_106 : memref<10000x128xf32, #tpu.memory_space<hbm>>) target(%arg10 : memref<64x128xf32, #tpu.memory_space<vmem>>) offsets(%dma_start3A_103 : memref<64xi32, #tpu.memory_space<vmem>>) semaphore(%arg13 : memref<!tpu.dma_semaphore, #tpu.memory_space<semaphore_mem>>)
    }
    %scan3A_51 = arith.constant 40 : i32
    %dma_wait3A_52 = arith.constant 0 : i32
    %dma_wait3A_53 = arith.constant 0 : i32
    %dma_wait3A_54 = tpu.memref_slice %arg7[%dma_wait3A_52, %dma_wait3A_53] : memref<80x64xi32, #tpu.memory_space<vmem>> -> memref<1x64xi32, #tpu.memory_space<vmem>>
    %dma_wait3A_55 = tpu.memref_squeeze %dma_wait3A_54 : memref<1x64xi32, #tpu.memory_space<vmem>> -> memref<64xi32, #tpu.memory_space<vmem>>
    %dma_wait3A_56 = arith.constant 0 : i32
    %dma_wait3A_57 = arith.constant 0 : i32
    %dma_wait3A_58 = tpu.memref_slice %arg2[%dma_wait3A_56, %dma_wait3A_57] : memref<10000x128xf32, #tpu.memory_space<hbm>> -> memref<10000x128xf32, #tpu.memory_space<hbm>>
    tpu.wait_indirect_dma semaphore(%arg12 : memref<!tpu.dma_semaphore, #tpu.memory_space<semaphore_mem>>) src(%dma_wait3A_58 : memref<10000x128xf32, #tpu.memory_space<hbm>>) dst(%arg9 : memref<64x128xf32, #tpu.memory_space<vmem>>)
    %dma_wait3A_59 = arith.constant 0 : i32
    %dma_wait3A_60 = arith.constant 0 : i32
    %dma_wait3A_61 = tpu.memref_slice %arg7[%dma_wait3A_59, %dma_wait3A_60] : memref<80x64xi32, #tpu.memory_space<vmem>> -> memref<1x64xi32, #tpu.memory_space<vmem>>
    %dma_wait3A_62 = tpu.memref_squeeze %dma_wait3A_61 : memref<1x64xi32, #tpu.memory_space<vmem>> -> memref<64xi32, #tpu.memory_space<vmem>>
    %dma_wait3A_63 = arith.constant 0 : i32
    %dma_wait3A_64 = arith.constant 0 : i32
    %dma_wait3A_65 = tpu.memref_slice %arg2[%dma_wait3A_63, %dma_wait3A_64] : memref<10000x128xf32, #tpu.memory_space<hbm>> -> memref<10000x128xf32, #tpu.memory_space<hbm>>
    tpu.wait_indirect_dma semaphore(%arg13 : memref<!tpu.dma_semaphore, #tpu.memory_space<semaphore_mem>>) src(%dma_wait3A_65 : memref<10000x128xf32, #tpu.memory_space<hbm>>) dst(%arg10 : memref<64x128xf32, #tpu.memory_space<vmem>>)
    %barrier3A_66 = arith.constant 0 : index
    tpu.barrier barrier_id(%barrier3A_66)
    "tpu.region"() ({
      %run_scoped3A = tpu.sem_alloc : memref<!tpu.dma_semaphore, #tpu.memory_space<semaphore_mem>>
      %dma_start3A_67 = arith.constant 0 : i32
      %dma_start3A_68 = tpu.memref_slice %arg6[%arg0, %mul3A_2, %dma_start3A_67] : memref<2x10112x128xf32, #tpu.memory_space<hbm>> -> memref<1x632x128xf32, #tpu.memory_space<hbm>>
      %dma_start3A_69 = tpu.memref_squeeze %dma_start3A_68 : memref<1x632x128xf32, #tpu.memory_space<hbm>> -> memref<632x128xf32, #tpu.memory_space<hbm>>
      %dma_start3A_70 = arith.constant 0 : i32
      %dma_start3A_71 = tpu.memref_slice %arg11[%mul3A_2, %dma_start3A_70] : memref<10112x128xf32, #tpu.memory_space<vmem_shared>> -> memref<632x128xf32, #tpu.memory_space<vmem_shared>>
      tpu.enqueue_dma source(%dma_start3A_71 : memref<632x128xf32, #tpu.memory_space<vmem_shared>>) target(%dma_start3A_69 : memref<632x128xf32, #tpu.memory_space<hbm>>) target_semaphore(%run_scoped3A : memref<!tpu.dma_semaphore, #tpu.memory_space<semaphore_mem>>)
      %dma_wait3A_72 = arith.constant 0 : i32
      %dma_wait3A_73 = tpu.memref_slice %arg6[%arg0, %mul3A_2, %dma_wait3A_72] : memref<2x10112x128xf32, #tpu.memory_space<hbm>> -> memref<1x632x128xf32, #tpu.memory_space<hbm>>
      %dma_wait3A_74 = tpu.memref_squeeze %dma_wait3A_73 : memref<1x632x128xf32, #tpu.memory_space<hbm>> -> memref<632x128xf32, #tpu.memory_space<hbm>>
      %dma_wait3A_75 = arith.constant 0 : i32
      %dma_wait3A_76 = tpu.memref_slice %arg11[%mul3A_2, %dma_wait3A_75] : memref<10112x128xf32, #tpu.memory_space<vmem_shared>> -> memref<632x128xf32, #tpu.memory_space<vmem_shared>>
      tpu.wait_dma2 semaphore(%run_scoped3A : memref<!tpu.dma_semaphore, #tpu.memory_space<semaphore_mem>>) src(%dma_wait3A_76 : memref<632x128xf32, #tpu.memory_space<vmem_shared>>) dst(%dma_wait3A_74 : memref<632x128xf32, #tpu.memory_space<hbm>>)
      tpu.yield
    }) : () -> ()
    return
  }
}

#map = affine_map<(d0, d1) -> (0, 0, 0)>
#map1 = affine_map<(d0, d1) -> (0, 0)>
module attributes {stable_mosaic.version = 14 : i64} {
  func.func @deg_kernel(%arg0: i32, %arg1: i32, %arg2: memref<32x160x64xi32, #tpu.memory_space<hbm>>, %arg3: memref<64x128xf32, #tpu.memory_space<hbm>>, %arg4: memref<10112x128xf32, #tpu.memory_space<hbm>>, %arg5: memref<2x10112x128xf32, #tpu.memory_space<hbm>>, %arg6: memref<80x64xi32, #tpu.memory_space<vmem>>, %arg7: memref<64x128xf32, #tpu.memory_space<vmem>>, %arg8: memref<10112x128xf32, #tpu.memory_space<vmem_shared>>, %arg9: memref<!tpu.dma_semaphore, #tpu.memory_space<semaphore_mem>>) attributes {dimension_semantics = [#tpu.dimension_semantics<core_parallel>, #tpu.dimension_semantics<subcore_parallel>], iteration_bounds = array<i64: 2, 16>, scalar_prefetch = 0 : i64, scratch_operands = 4 : i64, tpu.core_type = #tpu.core_type<sc_vector_subcore>, window_params = [{transform_indices = #map}, {transform_indices = #map1}, {transform_indices = #map1}, {transform_indices = #map}]} {
    %mul3A = arith.constant 16 : i32
    %mul3A_0 = arith.muli %arg0, %mul3A : i32
    %add3A = arith.addi %mul3A_0, %arg1 : i32
    %mul3A_1 = arith.constant 632 : i32
    %mul3A_2 = arith.muli %arg1, %mul3A_1 : i32
    "tpu.region"() ({
      %run_scoped3A = tpu.sem_alloc : memref<!tpu.dma_semaphore, #tpu.memory_space<semaphore_mem>>
      tpu.enqueue_dma source(%arg3 : memref<64x128xf32, #tpu.memory_space<hbm>>) target(%arg7 : memref<64x128xf32, #tpu.memory_space<vmem>>) target_semaphore(%run_scoped3A : memref<!tpu.dma_semaphore, #tpu.memory_space<semaphore_mem>>)
      tpu.wait_dma2 semaphore(%run_scoped3A : memref<!tpu.dma_semaphore, #tpu.memory_space<semaphore_mem>>) src(%arg3 : memref<64x128xf32, #tpu.memory_space<hbm>>) dst(%arg7 : memref<64x128xf32, #tpu.memory_space<vmem>>)
      tpu.yield
    }) : () -> ()
    "tpu.region"() ({
      %run_scoped3A = tpu.sem_alloc : memref<!tpu.dma_semaphore, #tpu.memory_space<semaphore_mem>>
      %dma_start3A = arith.constant 0 : i32
      %dma_start3A_13 = tpu.memref_slice %arg8[%mul3A_2, %dma_start3A] : memref<10112x128xf32, #tpu.memory_space<vmem_shared>> -> memref<632x128xf32, #tpu.memory_space<vmem_shared>>
      %dma_start3A_14 = arith.constant 0 : i32
      %dma_start3A_15 = tpu.memref_slice %arg4[%mul3A_2, %dma_start3A_14] : memref<10112x128xf32, #tpu.memory_space<hbm>> -> memref<632x128xf32, #tpu.memory_space<hbm>>
      tpu.enqueue_dma source(%dma_start3A_15 : memref<632x128xf32, #tpu.memory_space<hbm>>) target(%dma_start3A_13 : memref<632x128xf32, #tpu.memory_space<vmem_shared>>) target_semaphore(%run_scoped3A : memref<!tpu.dma_semaphore, #tpu.memory_space<semaphore_mem>>)
      %dma_wait3A = arith.constant 0 : i32
      %dma_wait3A_16 = tpu.memref_slice %arg8[%mul3A_2, %dma_wait3A] : memref<10112x128xf32, #tpu.memory_space<vmem_shared>> -> memref<632x128xf32, #tpu.memory_space<vmem_shared>>
      %dma_wait3A_17 = arith.constant 0 : i32
      %dma_wait3A_18 = tpu.memref_slice %arg4[%mul3A_2, %dma_wait3A_17] : memref<10112x128xf32, #tpu.memory_space<hbm>> -> memref<632x128xf32, #tpu.memory_space<hbm>>
      tpu.wait_dma2 semaphore(%run_scoped3A : memref<!tpu.dma_semaphore, #tpu.memory_space<semaphore_mem>>) src(%dma_wait3A_18 : memref<632x128xf32, #tpu.memory_space<hbm>>) dst(%dma_wait3A_16 : memref<632x128xf32, #tpu.memory_space<vmem_shared>>)
      tpu.yield
    }) : () -> ()
    %barrier3A = arith.constant 0 : index
    tpu.barrier barrier_id(%barrier3A)
    "tpu.region"() ({
      %run_scoped3A = tpu.sem_alloc : memref<!tpu.dma_semaphore, #tpu.memory_space<semaphore_mem>>
      %dma_start3A = arith.constant 0 : i32
      %dma_start3A_13 = arith.constant 0 : i32
      %dma_start3A_14 = tpu.memref_slice %arg2[%add3A, %dma_start3A, %dma_start3A_13] : memref<32x160x64xi32, #tpu.memory_space<hbm>> -> memref<1x80x64xi32, #tpu.memory_space<hbm>>
      %dma_start3A_15 = tpu.memref_squeeze %dma_start3A_14 : memref<1x80x64xi32, #tpu.memory_space<hbm>> -> memref<80x64xi32, #tpu.memory_space<hbm>>
      %dma_start3A_16 = arith.constant 0 : i32
      %dma_start3A_17 = arith.constant 0 : i32
      %dma_start3A_18 = tpu.memref_slice %arg2[%add3A, %dma_start3A_16, %dma_start3A_17] : memref<32x160x64xi32, #tpu.memory_space<hbm>> -> memref<1x80x64xi32, #tpu.memory_space<hbm>>
      %dma_start3A_19 = tpu.memref_squeeze %dma_start3A_18 : memref<1x80x64xi32, #tpu.memory_space<hbm>> -> memref<80x64xi32, #tpu.memory_space<hbm>>
      tpu.enqueue_dma source(%dma_start3A_19 : memref<80x64xi32, #tpu.memory_space<hbm>>) target(%arg6 : memref<80x64xi32, #tpu.memory_space<vmem>>) target_semaphore(%run_scoped3A : memref<!tpu.dma_semaphore, #tpu.memory_space<semaphore_mem>>)
      %dma_wait3A = arith.constant 0 : i32
      %dma_wait3A_20 = arith.constant 0 : i32
      %dma_wait3A_21 = tpu.memref_slice %arg2[%add3A, %dma_wait3A, %dma_wait3A_20] : memref<32x160x64xi32, #tpu.memory_space<hbm>> -> memref<1x80x64xi32, #tpu.memory_space<hbm>>
      %dma_wait3A_22 = tpu.memref_squeeze %dma_wait3A_21 : memref<1x80x64xi32, #tpu.memory_space<hbm>> -> memref<80x64xi32, #tpu.memory_space<hbm>>
      %dma_wait3A_23 = arith.constant 0 : i32
      %dma_wait3A_24 = arith.constant 0 : i32
      %dma_wait3A_25 = tpu.memref_slice %arg2[%add3A, %dma_wait3A_23, %dma_wait3A_24] : memref<32x160x64xi32, #tpu.memory_space<hbm>> -> memref<1x80x64xi32, #tpu.memory_space<hbm>>
      %dma_wait3A_26 = tpu.memref_squeeze %dma_wait3A_25 : memref<1x80x64xi32, #tpu.memory_space<hbm>> -> memref<80x64xi32, #tpu.memory_space<hbm>>
      tpu.wait_dma2 semaphore(%run_scoped3A : memref<!tpu.dma_semaphore, #tpu.memory_space<semaphore_mem>>) src(%dma_wait3A_26 : memref<80x64xi32, #tpu.memory_space<hbm>>) dst(%arg6 : memref<80x64xi32, #tpu.memory_space<vmem>>)
      tpu.yield
    }) : () -> ()
    %scan3A = arith.constant 0 : i32
    %scan3A_3 = arith.constant 10 : i32
    %scan3A_4 = arith.addi %scan3A, %scan3A_3 : i32
    %scan3A_5 = arith.constant 1 : i32
    scf.for %scan3A_13 = %scan3A to %scan3A_4 step %scan3A_5  : i32 {
      %mul3A_14 = arith.constant 8 : i32
      %mul3A_15 = arith.muli %scan3A_13, %mul3A_14 : i32
      %add3A_16 = arith.constant 0 : i32
      %add3A_17 = arith.addi %add3A_16, %mul3A_15 : i32
      %add3A_18 = arith.constant 0 : i32
      %add3A_19 = arith.addi %add3A_17, %add3A_18 : i32
      %dma_start3A = arith.constant 0 : i32
      %dma_start3A_20 = tpu.memref_slice %arg6[%add3A_19, %dma_start3A] : memref<80x64xi32, #tpu.memory_space<vmem>> -> memref<1x64xi32, #tpu.memory_space<vmem>>
      %dma_start3A_21 = tpu.memref_squeeze %dma_start3A_20 : memref<1x64xi32, #tpu.memory_space<vmem>> -> memref<64xi32, #tpu.memory_space<vmem>>
      %dma_start3A_22 = arith.constant 0 : i32
      %dma_start3A_23 = arith.constant 0 : i32
      %dma_start3A_24 = tpu.memref_slice %arg8[%dma_start3A_22, %dma_start3A_23] : memref<10112x128xf32, #tpu.memory_space<vmem_shared>> -> memref<10112x128xf32, #tpu.memory_space<vmem_shared>>
      tpu.enqueue_indirect_dma source(%arg7 : memref<64x128xf32, #tpu.memory_space<vmem>>) target(%dma_start3A_24 : memref<10112x128xf32, #tpu.memory_space<vmem_shared>>) offsets(%dma_start3A_21 : memref<64xi32, #tpu.memory_space<vmem>>) semaphore(%arg9 : memref<!tpu.dma_semaphore, #tpu.memory_space<semaphore_mem>>) {add = true}
      %add3A_25 = arith.constant 1 : i32
      %add3A_26 = arith.addi %add3A_17, %add3A_25 : i32
      %dma_start3A_27 = arith.constant 0 : i32
      %dma_start3A_28 = tpu.memref_slice %arg6[%add3A_26, %dma_start3A_27] : memref<80x64xi32, #tpu.memory_space<vmem>> -> memref<1x64xi32, #tpu.memory_space<vmem>>
      %dma_start3A_29 = tpu.memref_squeeze %dma_start3A_28 : memref<1x64xi32, #tpu.memory_space<vmem>> -> memref<64xi32, #tpu.memory_space<vmem>>
      %dma_start3A_30 = arith.constant 0 : i32
      %dma_start3A_31 = arith.constant 0 : i32
      %dma_start3A_32 = tpu.memref_slice %arg8[%dma_start3A_30, %dma_start3A_31] : memref<10112x128xf32, #tpu.memory_space<vmem_shared>> -> memref<10112x128xf32, #tpu.memory_space<vmem_shared>>
      tpu.enqueue_indirect_dma source(%arg7 : memref<64x128xf32, #tpu.memory_space<vmem>>) target(%dma_start3A_32 : memref<10112x128xf32, #tpu.memory_space<vmem_shared>>) offsets(%dma_start3A_29 : memref<64xi32, #tpu.memory_space<vmem>>) semaphore(%arg9 : memref<!tpu.dma_semaphore, #tpu.memory_space<semaphore_mem>>) {add = true}
      %add3A_33 = arith.constant 2 : i32
      %add3A_34 = arith.addi %add3A_17, %add3A_33 : i32
      %dma_start3A_35 = arith.constant 0 : i32
      %dma_start3A_36 = tpu.memref_slice %arg6[%add3A_34, %dma_start3A_35] : memref<80x64xi32, #tpu.memory_space<vmem>> -> memref<1x64xi32, #tpu.memory_space<vmem>>
      %dma_start3A_37 = tpu.memref_squeeze %dma_start3A_36 : memref<1x64xi32, #tpu.memory_space<vmem>> -> memref<64xi32, #tpu.memory_space<vmem>>
      %dma_start3A_38 = arith.constant 0 : i32
      %dma_start3A_39 = arith.constant 0 : i32
      %dma_start3A_40 = tpu.memref_slice %arg8[%dma_start3A_38, %dma_start3A_39] : memref<10112x128xf32, #tpu.memory_space<vmem_shared>> -> memref<10112x128xf32, #tpu.memory_space<vmem_shared>>
      tpu.enqueue_indirect_dma source(%arg7 : memref<64x128xf32, #tpu.memory_space<vmem>>) target(%dma_start3A_40 : memref<10112x128xf32, #tpu.memory_space<vmem_shared>>) offsets(%dma_start3A_37 : memref<64xi32, #tpu.memory_space<vmem>>) semaphore(%arg9 : memref<!tpu.dma_semaphore, #tpu.memory_space<semaphore_mem>>) {add = true}
      %add3A_41 = arith.constant 3 : i32
      %add3A_42 = arith.addi %add3A_17, %add3A_41 : i32
      %dma_start3A_43 = arith.constant 0 : i32
      %dma_start3A_44 = tpu.memref_slice %arg6[%add3A_42, %dma_start3A_43] : memref<80x64xi32, #tpu.memory_space<vmem>> -> memref<1x64xi32, #tpu.memory_space<vmem>>
      %dma_start3A_45 = tpu.memref_squeeze %dma_start3A_44 : memref<1x64xi32, #tpu.memory_space<vmem>> -> memref<64xi32, #tpu.memory_space<vmem>>
      %dma_start3A_46 = arith.constant 0 : i32
      %dma_start3A_47 = arith.constant 0 : i32
      %dma_start3A_48 = tpu.memref_slice %arg8[%dma_start3A_46, %dma_start3A_47] : memref<10112x128xf32, #tpu.memory_space<vmem_shared>> -> memref<10112x128xf32, #tpu.memory_space<vmem_shared>>
      tpu.enqueue_indirect_dma source(%arg7 : memref<64x128xf32, #tpu.memory_space<vmem>>) target(%dma_start3A_48 : memref<10112x128xf32, #tpu.memory_space<vmem_shared>>) offsets(%dma_start3A_45 : memref<64xi32, #tpu.memory_space<vmem>>) semaphore(%arg9 : memref<!tpu.dma_semaphore, #tpu.memory_space<semaphore_mem>>) {add = true}
      %add3A_49 = arith.constant 4 : i32
      %add3A_50 = arith.addi %add3A_17, %add3A_49 : i32
      %dma_start3A_51 = arith.constant 0 : i32
      %dma_start3A_52 = tpu.memref_slice %arg6[%add3A_50, %dma_start3A_51] : memref<80x64xi32, #tpu.memory_space<vmem>> -> memref<1x64xi32, #tpu.memory_space<vmem>>
      %dma_start3A_53 = tpu.memref_squeeze %dma_start3A_52 : memref<1x64xi32, #tpu.memory_space<vmem>> -> memref<64xi32, #tpu.memory_space<vmem>>
      %dma_start3A_54 = arith.constant 0 : i32
      %dma_start3A_55 = arith.constant 0 : i32
      %dma_start3A_56 = tpu.memref_slice %arg8[%dma_start3A_54, %dma_start3A_55] : memref<10112x128xf32, #tpu.memory_space<vmem_shared>> -> memref<10112x128xf32, #tpu.memory_space<vmem_shared>>
      tpu.enqueue_indirect_dma source(%arg7 : memref<64x128xf32, #tpu.memory_space<vmem>>) target(%dma_start3A_56 : memref<10112x128xf32, #tpu.memory_space<vmem_shared>>) offsets(%dma_start3A_53 : memref<64xi32, #tpu.memory_space<vmem>>) semaphore(%arg9 : memref<!tpu.dma_semaphore, #tpu.memory_space<semaphore_mem>>) {add = true}
      %add3A_57 = arith.constant 5 : i32
      %add3A_58 = arith.addi %add3A_17, %add3A_57 : i32
      %dma_start3A_59 = arith.constant 0 : i32
      %dma_start3A_60 = tpu.memref_slice %arg6[%add3A_58, %dma_start3A_59] : memref<80x64xi32, #tpu.memory_space<vmem>> -> memref<1x64xi32, #tpu.memory_space<vmem>>
      %dma_start3A_61 = tpu.memref_squeeze %dma_start3A_60 : memref<1x64xi32, #tpu.memory_space<vmem>> -> memref<64xi32, #tpu.memory_space<vmem>>
      %dma_start3A_62 = arith.constant 0 : i32
      %dma_start3A_63 = arith.constant 0 : i32
      %dma_start3A_64 = tpu.memref_slice %arg8[%dma_start3A_62, %dma_start3A_63] : memref<10112x128xf32, #tpu.memory_space<vmem_shared>> -> memref<10112x128xf32, #tpu.memory_space<vmem_shared>>
      tpu.enqueue_indirect_dma source(%arg7 : memref<64x128xf32, #tpu.memory_space<vmem>>) target(%dma_start3A_64 : memref<10112x128xf32, #tpu.memory_space<vmem_shared>>) offsets(%dma_start3A_61 : memref<64xi32, #tpu.memory_space<vmem>>) semaphore(%arg9 : memref<!tpu.dma_semaphore, #tpu.memory_space<semaphore_mem>>) {add = true}
      %add3A_65 = arith.constant 6 : i32
      %add3A_66 = arith.addi %add3A_17, %add3A_65 : i32
      %dma_start3A_67 = arith.constant 0 : i32
      %dma_start3A_68 = tpu.memref_slice %arg6[%add3A_66, %dma_start3A_67] : memref<80x64xi32, #tpu.memory_space<vmem>> -> memref<1x64xi32, #tpu.memory_space<vmem>>
      %dma_start3A_69 = tpu.memref_squeeze %dma_start3A_68 : memref<1x64xi32, #tpu.memory_space<vmem>> -> memref<64xi32, #tpu.memory_space<vmem>>
      %dma_start3A_70 = arith.constant 0 : i32
      %dma_start3A_71 = arith.constant 0 : i32
      %dma_start3A_72 = tpu.memref_slice %arg8[%dma_start3A_70, %dma_start3A_71] : memref<10112x128xf32, #tpu.memory_space<vmem_shared>> -> memref<10112x128xf32, #tpu.memory_space<vmem_shared>>
      tpu.enqueue_indirect_dma source(%arg7 : memref<64x128xf32, #tpu.memory_space<vmem>>) target(%dma_start3A_72 : memref<10112x128xf32, #tpu.memory_space<vmem_shared>>) offsets(%dma_start3A_69 : memref<64xi32, #tpu.memory_space<vmem>>) semaphore(%arg9 : memref<!tpu.dma_semaphore, #tpu.memory_space<semaphore_mem>>) {add = true}
      %add3A_73 = arith.constant 7 : i32
      %add3A_74 = arith.addi %add3A_17, %add3A_73 : i32
      %dma_start3A_75 = arith.constant 0 : i32
      %dma_start3A_76 = tpu.memref_slice %arg6[%add3A_74, %dma_start3A_75] : memref<80x64xi32, #tpu.memory_space<vmem>> -> memref<1x64xi32, #tpu.memory_space<vmem>>
      %dma_start3A_77 = tpu.memref_squeeze %dma_start3A_76 : memref<1x64xi32, #tpu.memory_space<vmem>> -> memref<64xi32, #tpu.memory_space<vmem>>
      %dma_start3A_78 = arith.constant 0 : i32
      %dma_start3A_79 = arith.constant 0 : i32
      %dma_start3A_80 = tpu.memref_slice %arg8[%dma_start3A_78, %dma_start3A_79] : memref<10112x128xf32, #tpu.memory_space<vmem_shared>> -> memref<10112x128xf32, #tpu.memory_space<vmem_shared>>
      tpu.enqueue_indirect_dma source(%arg7 : memref<64x128xf32, #tpu.memory_space<vmem>>) target(%dma_start3A_80 : memref<10112x128xf32, #tpu.memory_space<vmem_shared>>) offsets(%dma_start3A_77 : memref<64xi32, #tpu.memory_space<vmem>>) semaphore(%arg9 : memref<!tpu.dma_semaphore, #tpu.memory_space<semaphore_mem>>) {add = true}
      %dma_wait3A = arith.constant 0 : i32
      %dma_wait3A_81 = tpu.memref_slice %arg6[%add3A_17, %dma_wait3A] : memref<80x64xi32, #tpu.memory_space<vmem>> -> memref<1x64xi32, #tpu.memory_space<vmem>>
      %dma_wait3A_82 = tpu.memref_squeeze %dma_wait3A_81 : memref<1x64xi32, #tpu.memory_space<vmem>> -> memref<64xi32, #tpu.memory_space<vmem>>
      %dma_wait3A_83 = arith.constant 0 : i32
      %dma_wait3A_84 = arith.constant 0 : i32
      %dma_wait3A_85 = tpu.memref_slice %arg8[%dma_wait3A_83, %dma_wait3A_84] : memref<10112x128xf32, #tpu.memory_space<vmem_shared>> -> memref<10112x128xf32, #tpu.memory_space<vmem_shared>>
      tpu.wait_indirect_dma semaphore(%arg9 : memref<!tpu.dma_semaphore, #tpu.memory_space<semaphore_mem>>) src(%arg7 : memref<64x128xf32, #tpu.memory_space<vmem>>) dst(%dma_wait3A_85 : memref<10112x128xf32, #tpu.memory_space<vmem_shared>>)
      %dma_wait3A_86 = arith.constant 0 : i32
      %dma_wait3A_87 = tpu.memref_slice %arg6[%add3A_17, %dma_wait3A_86] : memref<80x64xi32, #tpu.memory_space<vmem>> -> memref<1x64xi32, #tpu.memory_space<vmem>>
      %dma_wait3A_88 = tpu.memref_squeeze %dma_wait3A_87 : memref<1x64xi32, #tpu.memory_space<vmem>> -> memref<64xi32, #tpu.memory_space<vmem>>
      %dma_wait3A_89 = arith.constant 0 : i32
      %dma_wait3A_90 = arith.constant 0 : i32
      %dma_wait3A_91 = tpu.memref_slice %arg8[%dma_wait3A_89, %dma_wait3A_90] : memref<10112x128xf32, #tpu.memory_space<vmem_shared>> -> memref<10112x128xf32, #tpu.memory_space<vmem_shared>>
      tpu.wait_indirect_dma semaphore(%arg9 : memref<!tpu.dma_semaphore, #tpu.memory_space<semaphore_mem>>) src(%arg7 : memref<64x128xf32, #tpu.memory_space<vmem>>) dst(%dma_wait3A_91 : memref<10112x128xf32, #tpu.memory_space<vmem_shared>>)
      %dma_wait3A_92 = arith.constant 0 : i32
      %dma_wait3A_93 = tpu.memref_slice %arg6[%add3A_17, %dma_wait3A_92] : memref<80x64xi32, #tpu.memory_space<vmem>> -> memref<1x64xi32, #tpu.memory_space<vmem>>
      %dma_wait3A_94 = tpu.memref_squeeze %dma_wait3A_93 : memref<1x64xi32, #tpu.memory_space<vmem>> -> memref<64xi32, #tpu.memory_space<vmem>>
      %dma_wait3A_95 = arith.constant 0 : i32
      %dma_wait3A_96 = arith.constant 0 : i32
      %dma_wait3A_97 = tpu.memref_slice %arg8[%dma_wait3A_95, %dma_wait3A_96] : memref<10112x128xf32, #tpu.memory_space<vmem_shared>> -> memref<10112x128xf32, #tpu.memory_space<vmem_shared>>
      tpu.wait_indirect_dma semaphore(%arg9 : memref<!tpu.dma_semaphore, #tpu.memory_space<semaphore_mem>>) src(%arg7 : memref<64x128xf32, #tpu.memory_space<vmem>>) dst(%dma_wait3A_97 : memref<10112x128xf32, #tpu.memory_space<vmem_shared>>)
      %dma_wait3A_98 = arith.constant 0 : i32
      %dma_wait3A_99 = tpu.memref_slice %arg6[%add3A_17, %dma_wait3A_98] : memref<80x64xi32, #tpu.memory_space<vmem>> -> memref<1x64xi32, #tpu.memory_space<vmem>>
      %dma_wait3A_100 = tpu.memref_squeeze %dma_wait3A_99 : memref<1x64xi32, #tpu.memory_space<vmem>> -> memref<64xi32, #tpu.memory_space<vmem>>
      %dma_wait3A_101 = arith.constant 0 : i32
      %dma_wait3A_102 = arith.constant 0 : i32
      %dma_wait3A_103 = tpu.memref_slice %arg8[%dma_wait3A_101, %dma_wait3A_102] : memref<10112x128xf32, #tpu.memory_space<vmem_shared>> -> memref<10112x128xf32, #tpu.memory_space<vmem_shared>>
      tpu.wait_indirect_dma semaphore(%arg9 : memref<!tpu.dma_semaphore, #tpu.memory_space<semaphore_mem>>) src(%arg7 : memref<64x128xf32, #tpu.memory_space<vmem>>) dst(%dma_wait3A_103 : memref<10112x128xf32, #tpu.memory_space<vmem_shared>>)
      %dma_wait3A_104 = arith.constant 0 : i32
      %dma_wait3A_105 = tpu.memref_slice %arg6[%add3A_17, %dma_wait3A_104] : memref<80x64xi32, #tpu.memory_space<vmem>> -> memref<1x64xi32, #tpu.memory_space<vmem>>
      %dma_wait3A_106 = tpu.memref_squeeze %dma_wait3A_105 : memref<1x64xi32, #tpu.memory_space<vmem>> -> memref<64xi32, #tpu.memory_space<vmem>>
      %dma_wait3A_107 = arith.constant 0 : i32
      %dma_wait3A_108 = arith.constant 0 : i32
      %dma_wait3A_109 = tpu.memref_slice %arg8[%dma_wait3A_107, %dma_wait3A_108] : memref<10112x128xf32, #tpu.memory_space<vmem_shared>> -> memref<10112x128xf32, #tpu.memory_space<vmem_shared>>
      tpu.wait_indirect_dma semaphore(%arg9 : memref<!tpu.dma_semaphore, #tpu.memory_space<semaphore_mem>>) src(%arg7 : memref<64x128xf32, #tpu.memory_space<vmem>>) dst(%dma_wait3A_109 : memref<10112x128xf32, #tpu.memory_space<vmem_shared>>)
      %dma_wait3A_110 = arith.constant 0 : i32
      %dma_wait3A_111 = tpu.memref_slice %arg6[%add3A_17, %dma_wait3A_110] : memref<80x64xi32, #tpu.memory_space<vmem>> -> memref<1x64xi32, #tpu.memory_space<vmem>>
      %dma_wait3A_112 = tpu.memref_squeeze %dma_wait3A_111 : memref<1x64xi32, #tpu.memory_space<vmem>> -> memref<64xi32, #tpu.memory_space<vmem>>
      %dma_wait3A_113 = arith.constant 0 : i32
      %dma_wait3A_114 = arith.constant 0 : i32
      %dma_wait3A_115 = tpu.memref_slice %arg8[%dma_wait3A_113, %dma_wait3A_114] : memref<10112x128xf32, #tpu.memory_space<vmem_shared>> -> memref<10112x128xf32, #tpu.memory_space<vmem_shared>>
      tpu.wait_indirect_dma semaphore(%arg9 : memref<!tpu.dma_semaphore, #tpu.memory_space<semaphore_mem>>) src(%arg7 : memref<64x128xf32, #tpu.memory_space<vmem>>) dst(%dma_wait3A_115 : memref<10112x128xf32, #tpu.memory_space<vmem_shared>>)
      %dma_wait3A_116 = arith.constant 0 : i32
      %dma_wait3A_117 = tpu.memref_slice %arg6[%add3A_17, %dma_wait3A_116] : memref<80x64xi32, #tpu.memory_space<vmem>> -> memref<1x64xi32, #tpu.memory_space<vmem>>
      %dma_wait3A_118 = tpu.memref_squeeze %dma_wait3A_117 : memref<1x64xi32, #tpu.memory_space<vmem>> -> memref<64xi32, #tpu.memory_space<vmem>>
      %dma_wait3A_119 = arith.constant 0 : i32
      %dma_wait3A_120 = arith.constant 0 : i32
      %dma_wait3A_121 = tpu.memref_slice %arg8[%dma_wait3A_119, %dma_wait3A_120] : memref<10112x128xf32, #tpu.memory_space<vmem_shared>> -> memref<10112x128xf32, #tpu.memory_space<vmem_shared>>
      tpu.wait_indirect_dma semaphore(%arg9 : memref<!tpu.dma_semaphore, #tpu.memory_space<semaphore_mem>>) src(%arg7 : memref<64x128xf32, #tpu.memory_space<vmem>>) dst(%dma_wait3A_121 : memref<10112x128xf32, #tpu.memory_space<vmem_shared>>)
      %dma_wait3A_122 = arith.constant 0 : i32
      %dma_wait3A_123 = tpu.memref_slice %arg6[%add3A_17, %dma_wait3A_122] : memref<80x64xi32, #tpu.memory_space<vmem>> -> memref<1x64xi32, #tpu.memory_space<vmem>>
      %dma_wait3A_124 = tpu.memref_squeeze %dma_wait3A_123 : memref<1x64xi32, #tpu.memory_space<vmem>> -> memref<64xi32, #tpu.memory_space<vmem>>
      %dma_wait3A_125 = arith.constant 0 : i32
      %dma_wait3A_126 = arith.constant 0 : i32
      %dma_wait3A_127 = tpu.memref_slice %arg8[%dma_wait3A_125, %dma_wait3A_126] : memref<10112x128xf32, #tpu.memory_space<vmem_shared>> -> memref<10112x128xf32, #tpu.memory_space<vmem_shared>>
      tpu.wait_indirect_dma semaphore(%arg9 : memref<!tpu.dma_semaphore, #tpu.memory_space<semaphore_mem>>) src(%arg7 : memref<64x128xf32, #tpu.memory_space<vmem>>) dst(%dma_wait3A_127 : memref<10112x128xf32, #tpu.memory_space<vmem_shared>>)
    }
    %scan3A_6 = arith.constant 10 : i32
    "tpu.region"() ({
      %run_scoped3A = tpu.sem_alloc : memref<!tpu.dma_semaphore, #tpu.memory_space<semaphore_mem>>
      %dma_start3A = arith.constant 80 : i32
      %dma_start3A_13 = arith.constant 0 : i32
      %dma_start3A_14 = tpu.memref_slice %arg2[%add3A, %dma_start3A, %dma_start3A_13] : memref<32x160x64xi32, #tpu.memory_space<hbm>> -> memref<1x80x64xi32, #tpu.memory_space<hbm>>
      %dma_start3A_15 = tpu.memref_squeeze %dma_start3A_14 : memref<1x80x64xi32, #tpu.memory_space<hbm>> -> memref<80x64xi32, #tpu.memory_space<hbm>>
      %dma_start3A_16 = arith.constant 80 : i32
      %dma_start3A_17 = arith.constant 0 : i32
      %dma_start3A_18 = tpu.memref_slice %arg2[%add3A, %dma_start3A_16, %dma_start3A_17] : memref<32x160x64xi32, #tpu.memory_space<hbm>> -> memref<1x80x64xi32, #tpu.memory_space<hbm>>
      %dma_start3A_19 = tpu.memref_squeeze %dma_start3A_18 : memref<1x80x64xi32, #tpu.memory_space<hbm>> -> memref<80x64xi32, #tpu.memory_space<hbm>>
      tpu.enqueue_dma source(%dma_start3A_19 : memref<80x64xi32, #tpu.memory_space<hbm>>) target(%arg6 : memref<80x64xi32, #tpu.memory_space<vmem>>) target_semaphore(%run_scoped3A : memref<!tpu.dma_semaphore, #tpu.memory_space<semaphore_mem>>)
      %dma_wait3A = arith.constant 80 : i32
      %dma_wait3A_20 = arith.constant 0 : i32
      %dma_wait3A_21 = tpu.memref_slice %arg2[%add3A, %dma_wait3A, %dma_wait3A_20] : memref<32x160x64xi32, #tpu.memory_space<hbm>> -> memref<1x80x64xi32, #tpu.memory_space<hbm>>
      %dma_wait3A_22 = tpu.memref_squeeze %dma_wait3A_21 : memref<1x80x64xi32, #tpu.memory_space<hbm>> -> memref<80x64xi32, #tpu.memory_space<hbm>>
      %dma_wait3A_23 = arith.constant 80 : i32
      %dma_wait3A_24 = arith.constant 0 : i32
      %dma_wait3A_25 = tpu.memref_slice %arg2[%add3A, %dma_wait3A_23, %dma_wait3A_24] : memref<32x160x64xi32, #tpu.memory_space<hbm>> -> memref<1x80x64xi32, #tpu.memory_space<hbm>>
      %dma_wait3A_26 = tpu.memref_squeeze %dma_wait3A_25 : memref<1x80x64xi32, #tpu.memory_space<hbm>> -> memref<80x64xi32, #tpu.memory_space<hbm>>
      tpu.wait_dma2 semaphore(%run_scoped3A : memref<!tpu.dma_semaphore, #tpu.memory_space<semaphore_mem>>) src(%dma_wait3A_26 : memref<80x64xi32, #tpu.memory_space<hbm>>) dst(%arg6 : memref<80x64xi32, #tpu.memory_space<vmem>>)
      tpu.yield
    }) : () -> ()
    %scan3A_7 = arith.constant 0 : i32
    %scan3A_8 = arith.constant 10 : i32
    %scan3A_9 = arith.addi %scan3A_7, %scan3A_8 : i32
    %scan3A_10 = arith.constant 1 : i32
    scf.for %scan3A_13 = %scan3A_7 to %scan3A_9 step %scan3A_10  : i32 {
      %mul3A_14 = arith.constant 8 : i32
      %mul3A_15 = arith.muli %scan3A_13, %mul3A_14 : i32
      %add3A_16 = arith.constant 0 : i32
      %add3A_17 = arith.addi %add3A_16, %mul3A_15 : i32
      %add3A_18 = arith.constant 0 : i32
      %add3A_19 = arith.addi %add3A_17, %add3A_18 : i32
      %dma_start3A = arith.constant 0 : i32
      %dma_start3A_20 = tpu.memref_slice %arg6[%add3A_19, %dma_start3A] : memref<80x64xi32, #tpu.memory_space<vmem>> -> memref<1x64xi32, #tpu.memory_space<vmem>>
      %dma_start3A_21 = tpu.memref_squeeze %dma_start3A_20 : memref<1x64xi32, #tpu.memory_space<vmem>> -> memref<64xi32, #tpu.memory_space<vmem>>
      %dma_start3A_22 = arith.constant 0 : i32
      %dma_start3A_23 = arith.constant 0 : i32
      %dma_start3A_24 = tpu.memref_slice %arg8[%dma_start3A_22, %dma_start3A_23] : memref<10112x128xf32, #tpu.memory_space<vmem_shared>> -> memref<10112x128xf32, #tpu.memory_space<vmem_shared>>
      tpu.enqueue_indirect_dma source(%arg7 : memref<64x128xf32, #tpu.memory_space<vmem>>) target(%dma_start3A_24 : memref<10112x128xf32, #tpu.memory_space<vmem_shared>>) offsets(%dma_start3A_21 : memref<64xi32, #tpu.memory_space<vmem>>) semaphore(%arg9 : memref<!tpu.dma_semaphore, #tpu.memory_space<semaphore_mem>>) {add = true}
      %add3A_25 = arith.constant 1 : i32
      %add3A_26 = arith.addi %add3A_17, %add3A_25 : i32
      %dma_start3A_27 = arith.constant 0 : i32
      %dma_start3A_28 = tpu.memref_slice %arg6[%add3A_26, %dma_start3A_27] : memref<80x64xi32, #tpu.memory_space<vmem>> -> memref<1x64xi32, #tpu.memory_space<vmem>>
      %dma_start3A_29 = tpu.memref_squeeze %dma_start3A_28 : memref<1x64xi32, #tpu.memory_space<vmem>> -> memref<64xi32, #tpu.memory_space<vmem>>
      %dma_start3A_30 = arith.constant 0 : i32
      %dma_start3A_31 = arith.constant 0 : i32
      %dma_start3A_32 = tpu.memref_slice %arg8[%dma_start3A_30, %dma_start3A_31] : memref<10112x128xf32, #tpu.memory_space<vmem_shared>> -> memref<10112x128xf32, #tpu.memory_space<vmem_shared>>
      tpu.enqueue_indirect_dma source(%arg7 : memref<64x128xf32, #tpu.memory_space<vmem>>) target(%dma_start3A_32 : memref<10112x128xf32, #tpu.memory_space<vmem_shared>>) offsets(%dma_start3A_29 : memref<64xi32, #tpu.memory_space<vmem>>) semaphore(%arg9 : memref<!tpu.dma_semaphore, #tpu.memory_space<semaphore_mem>>) {add = true}
      %add3A_33 = arith.constant 2 : i32
      %add3A_34 = arith.addi %add3A_17, %add3A_33 : i32
      %dma_start3A_35 = arith.constant 0 : i32
      %dma_start3A_36 = tpu.memref_slice %arg6[%add3A_34, %dma_start3A_35] : memref<80x64xi32, #tpu.memory_space<vmem>> -> memref<1x64xi32, #tpu.memory_space<vmem>>
      %dma_start3A_37 = tpu.memref_squeeze %dma_start3A_36 : memref<1x64xi32, #tpu.memory_space<vmem>> -> memref<64xi32, #tpu.memory_space<vmem>>
      %dma_start3A_38 = arith.constant 0 : i32
      %dma_start3A_39 = arith.constant 0 : i32
      %dma_start3A_40 = tpu.memref_slice %arg8[%dma_start3A_38, %dma_start3A_39] : memref<10112x128xf32, #tpu.memory_space<vmem_shared>> -> memref<10112x128xf32, #tpu.memory_space<vmem_shared>>
      tpu.enqueue_indirect_dma source(%arg7 : memref<64x128xf32, #tpu.memory_space<vmem>>) target(%dma_start3A_40 : memref<10112x128xf32, #tpu.memory_space<vmem_shared>>) offsets(%dma_start3A_37 : memref<64xi32, #tpu.memory_space<vmem>>) semaphore(%arg9 : memref<!tpu.dma_semaphore, #tpu.memory_space<semaphore_mem>>) {add = true}
      %add3A_41 = arith.constant 3 : i32
      %add3A_42 = arith.addi %add3A_17, %add3A_41 : i32
      %dma_start3A_43 = arith.constant 0 : i32
      %dma_start3A_44 = tpu.memref_slice %arg6[%add3A_42, %dma_start3A_43] : memref<80x64xi32, #tpu.memory_space<vmem>> -> memref<1x64xi32, #tpu.memory_space<vmem>>
      %dma_start3A_45 = tpu.memref_squeeze %dma_start3A_44 : memref<1x64xi32, #tpu.memory_space<vmem>> -> memref<64xi32, #tpu.memory_space<vmem>>
      %dma_start3A_46 = arith.constant 0 : i32
      %dma_start3A_47 = arith.constant 0 : i32
      %dma_start3A_48 = tpu.memref_slice %arg8[%dma_start3A_46, %dma_start3A_47] : memref<10112x128xf32, #tpu.memory_space<vmem_shared>> -> memref<10112x128xf32, #tpu.memory_space<vmem_shared>>
      tpu.enqueue_indirect_dma source(%arg7 : memref<64x128xf32, #tpu.memory_space<vmem>>) target(%dma_start3A_48 : memref<10112x128xf32, #tpu.memory_space<vmem_shared>>) offsets(%dma_start3A_45 : memref<64xi32, #tpu.memory_space<vmem>>) semaphore(%arg9 : memref<!tpu.dma_semaphore, #tpu.memory_space<semaphore_mem>>) {add = true}
      %add3A_49 = arith.constant 4 : i32
      %add3A_50 = arith.addi %add3A_17, %add3A_49 : i32
      %dma_start3A_51 = arith.constant 0 : i32
      %dma_start3A_52 = tpu.memref_slice %arg6[%add3A_50, %dma_start3A_51] : memref<80x64xi32, #tpu.memory_space<vmem>> -> memref<1x64xi32, #tpu.memory_space<vmem>>
      %dma_start3A_53 = tpu.memref_squeeze %dma_start3A_52 : memref<1x64xi32, #tpu.memory_space<vmem>> -> memref<64xi32, #tpu.memory_space<vmem>>
      %dma_start3A_54 = arith.constant 0 : i32
      %dma_start3A_55 = arith.constant 0 : i32
      %dma_start3A_56 = tpu.memref_slice %arg8[%dma_start3A_54, %dma_start3A_55] : memref<10112x128xf32, #tpu.memory_space<vmem_shared>> -> memref<10112x128xf32, #tpu.memory_space<vmem_shared>>
      tpu.enqueue_indirect_dma source(%arg7 : memref<64x128xf32, #tpu.memory_space<vmem>>) target(%dma_start3A_56 : memref<10112x128xf32, #tpu.memory_space<vmem_shared>>) offsets(%dma_start3A_53 : memref<64xi32, #tpu.memory_space<vmem>>) semaphore(%arg9 : memref<!tpu.dma_semaphore, #tpu.memory_space<semaphore_mem>>) {add = true}
      %add3A_57 = arith.constant 5 : i32
      %add3A_58 = arith.addi %add3A_17, %add3A_57 : i32
      %dma_start3A_59 = arith.constant 0 : i32
      %dma_start3A_60 = tpu.memref_slice %arg6[%add3A_58, %dma_start3A_59] : memref<80x64xi32, #tpu.memory_space<vmem>> -> memref<1x64xi32, #tpu.memory_space<vmem>>
      %dma_start3A_61 = tpu.memref_squeeze %dma_start3A_60 : memref<1x64xi32, #tpu.memory_space<vmem>> -> memref<64xi32, #tpu.memory_space<vmem>>
      %dma_start3A_62 = arith.constant 0 : i32
      %dma_start3A_63 = arith.constant 0 : i32
      %dma_start3A_64 = tpu.memref_slice %arg8[%dma_start3A_62, %dma_start3A_63] : memref<10112x128xf32, #tpu.memory_space<vmem_shared>> -> memref<10112x128xf32, #tpu.memory_space<vmem_shared>>
      tpu.enqueue_indirect_dma source(%arg7 : memref<64x128xf32, #tpu.memory_space<vmem>>) target(%dma_start3A_64 : memref<10112x128xf32, #tpu.memory_space<vmem_shared>>) offsets(%dma_start3A_61 : memref<64xi32, #tpu.memory_space<vmem>>) semaphore(%arg9 : memref<!tpu.dma_semaphore, #tpu.memory_space<semaphore_mem>>) {add = true}
      %add3A_65 = arith.constant 6 : i32
      %add3A_66 = arith.addi %add3A_17, %add3A_65 : i32
      %dma_start3A_67 = arith.constant 0 : i32
      %dma_start3A_68 = tpu.memref_slice %arg6[%add3A_66, %dma_start3A_67] : memref<80x64xi32, #tpu.memory_space<vmem>> -> memref<1x64xi32, #tpu.memory_space<vmem>>
      %dma_start3A_69 = tpu.memref_squeeze %dma_start3A_68 : memref<1x64xi32, #tpu.memory_space<vmem>> -> memref<64xi32, #tpu.memory_space<vmem>>
      %dma_start3A_70 = arith.constant 0 : i32
      %dma_start3A_71 = arith.constant 0 : i32
      %dma_start3A_72 = tpu.memref_slice %arg8[%dma_start3A_70, %dma_start3A_71] : memref<10112x128xf32, #tpu.memory_space<vmem_shared>> -> memref<10112x128xf32, #tpu.memory_space<vmem_shared>>
      tpu.enqueue_indirect_dma source(%arg7 : memref<64x128xf32, #tpu.memory_space<vmem>>) target(%dma_start3A_72 : memref<10112x128xf32, #tpu.memory_space<vmem_shared>>) offsets(%dma_start3A_69 : memref<64xi32, #tpu.memory_space<vmem>>) semaphore(%arg9 : memref<!tpu.dma_semaphore, #tpu.memory_space<semaphore_mem>>) {add = true}
      %add3A_73 = arith.constant 7 : i32
      %add3A_74 = arith.addi %add3A_17, %add3A_73 : i32
      %dma_start3A_75 = arith.constant 0 : i32
      %dma_start3A_76 = tpu.memref_slice %arg6[%add3A_74, %dma_start3A_75] : memref<80x64xi32, #tpu.memory_space<vmem>> -> memref<1x64xi32, #tpu.memory_space<vmem>>
      %dma_start3A_77 = tpu.memref_squeeze %dma_start3A_76 : memref<1x64xi32, #tpu.memory_space<vmem>> -> memref<64xi32, #tpu.memory_space<vmem>>
      %dma_start3A_78 = arith.constant 0 : i32
      %dma_start3A_79 = arith.constant 0 : i32
      %dma_start3A_80 = tpu.memref_slice %arg8[%dma_start3A_78, %dma_start3A_79] : memref<10112x128xf32, #tpu.memory_space<vmem_shared>> -> memref<10112x128xf32, #tpu.memory_space<vmem_shared>>
      tpu.enqueue_indirect_dma source(%arg7 : memref<64x128xf32, #tpu.memory_space<vmem>>) target(%dma_start3A_80 : memref<10112x128xf32, #tpu.memory_space<vmem_shared>>) offsets(%dma_start3A_77 : memref<64xi32, #tpu.memory_space<vmem>>) semaphore(%arg9 : memref<!tpu.dma_semaphore, #tpu.memory_space<semaphore_mem>>) {add = true}
      %dma_wait3A = arith.constant 0 : i32
      %dma_wait3A_81 = tpu.memref_slice %arg6[%add3A_17, %dma_wait3A] : memref<80x64xi32, #tpu.memory_space<vmem>> -> memref<1x64xi32, #tpu.memory_space<vmem>>
      %dma_wait3A_82 = tpu.memref_squeeze %dma_wait3A_81 : memref<1x64xi32, #tpu.memory_space<vmem>> -> memref<64xi32, #tpu.memory_space<vmem>>
      %dma_wait3A_83 = arith.constant 0 : i32
      %dma_wait3A_84 = arith.constant 0 : i32
      %dma_wait3A_85 = tpu.memref_slice %arg8[%dma_wait3A_83, %dma_wait3A_84] : memref<10112x128xf32, #tpu.memory_space<vmem_shared>> -> memref<10112x128xf32, #tpu.memory_space<vmem_shared>>
      tpu.wait_indirect_dma semaphore(%arg9 : memref<!tpu.dma_semaphore, #tpu.memory_space<semaphore_mem>>) src(%arg7 : memref<64x128xf32, #tpu.memory_space<vmem>>) dst(%dma_wait3A_85 : memref<10112x128xf32, #tpu.memory_space<vmem_shared>>)
      %dma_wait3A_86 = arith.constant 0 : i32
      %dma_wait3A_87 = tpu.memref_slice %arg6[%add3A_17, %dma_wait3A_86] : memref<80x64xi32, #tpu.memory_space<vmem>> -> memref<1x64xi32, #tpu.memory_space<vmem>>
      %dma_wait3A_88 = tpu.memref_squeeze %dma_wait3A_87 : memref<1x64xi32, #tpu.memory_space<vmem>> -> memref<64xi32, #tpu.memory_space<vmem>>
      %dma_wait3A_89 = arith.constant 0 : i32
      %dma_wait3A_90 = arith.constant 0 : i32
      %dma_wait3A_91 = tpu.memref_slice %arg8[%dma_wait3A_89, %dma_wait3A_90] : memref<10112x128xf32, #tpu.memory_space<vmem_shared>> -> memref<10112x128xf32, #tpu.memory_space<vmem_shared>>
      tpu.wait_indirect_dma semaphore(%arg9 : memref<!tpu.dma_semaphore, #tpu.memory_space<semaphore_mem>>) src(%arg7 : memref<64x128xf32, #tpu.memory_space<vmem>>) dst(%dma_wait3A_91 : memref<10112x128xf32, #tpu.memory_space<vmem_shared>>)
      %dma_wait3A_92 = arith.constant 0 : i32
      %dma_wait3A_93 = tpu.memref_slice %arg6[%add3A_17, %dma_wait3A_92] : memref<80x64xi32, #tpu.memory_space<vmem>> -> memref<1x64xi32, #tpu.memory_space<vmem>>
      %dma_wait3A_94 = tpu.memref_squeeze %dma_wait3A_93 : memref<1x64xi32, #tpu.memory_space<vmem>> -> memref<64xi32, #tpu.memory_space<vmem>>
      %dma_wait3A_95 = arith.constant 0 : i32
      %dma_wait3A_96 = arith.constant 0 : i32
      %dma_wait3A_97 = tpu.memref_slice %arg8[%dma_wait3A_95, %dma_wait3A_96] : memref<10112x128xf32, #tpu.memory_space<vmem_shared>> -> memref<10112x128xf32, #tpu.memory_space<vmem_shared>>
      tpu.wait_indirect_dma semaphore(%arg9 : memref<!tpu.dma_semaphore, #tpu.memory_space<semaphore_mem>>) src(%arg7 : memref<64x128xf32, #tpu.memory_space<vmem>>) dst(%dma_wait3A_97 : memref<10112x128xf32, #tpu.memory_space<vmem_shared>>)
      %dma_wait3A_98 = arith.constant 0 : i32
      %dma_wait3A_99 = tpu.memref_slice %arg6[%add3A_17, %dma_wait3A_98] : memref<80x64xi32, #tpu.memory_space<vmem>> -> memref<1x64xi32, #tpu.memory_space<vmem>>
      %dma_wait3A_100 = tpu.memref_squeeze %dma_wait3A_99 : memref<1x64xi32, #tpu.memory_space<vmem>> -> memref<64xi32, #tpu.memory_space<vmem>>
      %dma_wait3A_101 = arith.constant 0 : i32
      %dma_wait3A_102 = arith.constant 0 : i32
      %dma_wait3A_103 = tpu.memref_slice %arg8[%dma_wait3A_101, %dma_wait3A_102] : memref<10112x128xf32, #tpu.memory_space<vmem_shared>> -> memref<10112x128xf32, #tpu.memory_space<vmem_shared>>
      tpu.wait_indirect_dma semaphore(%arg9 : memref<!tpu.dma_semaphore, #tpu.memory_space<semaphore_mem>>) src(%arg7 : memref<64x128xf32, #tpu.memory_space<vmem>>) dst(%dma_wait3A_103 : memref<10112x128xf32, #tpu.memory_space<vmem_shared>>)
      %dma_wait3A_104 = arith.constant 0 : i32
      %dma_wait3A_105 = tpu.memref_slice %arg6[%add3A_17, %dma_wait3A_104] : memref<80x64xi32, #tpu.memory_space<vmem>> -> memref<1x64xi32, #tpu.memory_space<vmem>>
      %dma_wait3A_106 = tpu.memref_squeeze %dma_wait3A_105 : memref<1x64xi32, #tpu.memory_space<vmem>> -> memref<64xi32, #tpu.memory_space<vmem>>
      %dma_wait3A_107 = arith.constant 0 : i32
      %dma_wait3A_108 = arith.constant 0 : i32
      %dma_wait3A_109 = tpu.memref_slice %arg8[%dma_wait3A_107, %dma_wait3A_108] : memref<10112x128xf32, #tpu.memory_space<vmem_shared>> -> memref<10112x128xf32, #tpu.memory_space<vmem_shared>>
      tpu.wait_indirect_dma semaphore(%arg9 : memref<!tpu.dma_semaphore, #tpu.memory_space<semaphore_mem>>) src(%arg7 : memref<64x128xf32, #tpu.memory_space<vmem>>) dst(%dma_wait3A_109 : memref<10112x128xf32, #tpu.memory_space<vmem_shared>>)
      %dma_wait3A_110 = arith.constant 0 : i32
      %dma_wait3A_111 = tpu.memref_slice %arg6[%add3A_17, %dma_wait3A_110] : memref<80x64xi32, #tpu.memory_space<vmem>> -> memref<1x64xi32, #tpu.memory_space<vmem>>
      %dma_wait3A_112 = tpu.memref_squeeze %dma_wait3A_111 : memref<1x64xi32, #tpu.memory_space<vmem>> -> memref<64xi32, #tpu.memory_space<vmem>>
      %dma_wait3A_113 = arith.constant 0 : i32
      %dma_wait3A_114 = arith.constant 0 : i32
      %dma_wait3A_115 = tpu.memref_slice %arg8[%dma_wait3A_113, %dma_wait3A_114] : memref<10112x128xf32, #tpu.memory_space<vmem_shared>> -> memref<10112x128xf32, #tpu.memory_space<vmem_shared>>
      tpu.wait_indirect_dma semaphore(%arg9 : memref<!tpu.dma_semaphore, #tpu.memory_space<semaphore_mem>>) src(%arg7 : memref<64x128xf32, #tpu.memory_space<vmem>>) dst(%dma_wait3A_115 : memref<10112x128xf32, #tpu.memory_space<vmem_shared>>)
      %dma_wait3A_116 = arith.constant 0 : i32
      %dma_wait3A_117 = tpu.memref_slice %arg6[%add3A_17, %dma_wait3A_116] : memref<80x64xi32, #tpu.memory_space<vmem>> -> memref<1x64xi32, #tpu.memory_space<vmem>>
      %dma_wait3A_118 = tpu.memref_squeeze %dma_wait3A_117 : memref<1x64xi32, #tpu.memory_space<vmem>> -> memref<64xi32, #tpu.memory_space<vmem>>
      %dma_wait3A_119 = arith.constant 0 : i32
      %dma_wait3A_120 = arith.constant 0 : i32
      %dma_wait3A_121 = tpu.memref_slice %arg8[%dma_wait3A_119, %dma_wait3A_120] : memref<10112x128xf32, #tpu.memory_space<vmem_shared>> -> memref<10112x128xf32, #tpu.memory_space<vmem_shared>>
      tpu.wait_indirect_dma semaphore(%arg9 : memref<!tpu.dma_semaphore, #tpu.memory_space<semaphore_mem>>) src(%arg7 : memref<64x128xf32, #tpu.memory_space<vmem>>) dst(%dma_wait3A_121 : memref<10112x128xf32, #tpu.memory_space<vmem_shared>>)
      %dma_wait3A_122 = arith.constant 0 : i32
      %dma_wait3A_123 = tpu.memref_slice %arg6[%add3A_17, %dma_wait3A_122] : memref<80x64xi32, #tpu.memory_space<vmem>> -> memref<1x64xi32, #tpu.memory_space<vmem>>
      %dma_wait3A_124 = tpu.memref_squeeze %dma_wait3A_123 : memref<1x64xi32, #tpu.memory_space<vmem>> -> memref<64xi32, #tpu.memory_space<vmem>>
      %dma_wait3A_125 = arith.constant 0 : i32
      %dma_wait3A_126 = arith.constant 0 : i32
      %dma_wait3A_127 = tpu.memref_slice %arg8[%dma_wait3A_125, %dma_wait3A_126] : memref<10112x128xf32, #tpu.memory_space<vmem_shared>> -> memref<10112x128xf32, #tpu.memory_space<vmem_shared>>
      tpu.wait_indirect_dma semaphore(%arg9 : memref<!tpu.dma_semaphore, #tpu.memory_space<semaphore_mem>>) src(%arg7 : memref<64x128xf32, #tpu.memory_space<vmem>>) dst(%dma_wait3A_127 : memref<10112x128xf32, #tpu.memory_space<vmem_shared>>)
    }
    %scan3A_11 = arith.constant 10 : i32
    %barrier3A_12 = arith.constant 0 : index
    tpu.barrier barrier_id(%barrier3A_12)
    "tpu.region"() ({
      %run_scoped3A = tpu.sem_alloc : memref<!tpu.dma_semaphore, #tpu.memory_space<semaphore_mem>>
      %dma_start3A = arith.constant 0 : i32
      %dma_start3A_13 = tpu.memref_slice %arg5[%arg0, %mul3A_2, %dma_start3A] : memref<2x10112x128xf32, #tpu.memory_space<hbm>> -> memref<1x632x128xf32, #tpu.memory_space<hbm>>
      %dma_start3A_14 = tpu.memref_squeeze %dma_start3A_13 : memref<1x632x128xf32, #tpu.memory_space<hbm>> -> memref<632x128xf32, #tpu.memory_space<hbm>>
      %dma_start3A_15 = arith.constant 0 : i32
      %dma_start3A_16 = tpu.memref_slice %arg8[%mul3A_2, %dma_start3A_15] : memref<10112x128xf32, #tpu.memory_space<vmem_shared>> -> memref<632x128xf32, #tpu.memory_space<vmem_shared>>
      tpu.enqueue_dma source(%dma_start3A_16 : memref<632x128xf32, #tpu.memory_space<vmem_shared>>) target(%dma_start3A_14 : memref<632x128xf32, #tpu.memory_space<hbm>>) target_semaphore(%run_scoped3A : memref<!tpu.dma_semaphore, #tpu.memory_space<semaphore_mem>>)
      %dma_wait3A = arith.constant 0 : i32
      %dma_wait3A_17 = tpu.memref_slice %arg5[%arg0, %mul3A_2, %dma_wait3A] : memref<2x10112x128xf32, #tpu.memory_space<hbm>> -> memref<1x632x128xf32, #tpu.memory_space<hbm>>
      %dma_wait3A_18 = tpu.memref_squeeze %dma_wait3A_17 : memref<1x632x128xf32, #tpu.memory_space<hbm>> -> memref<632x128xf32, #tpu.memory_space<hbm>>
      %dma_wait3A_19 = arith.constant 0 : i32
      %dma_wait3A_20 = tpu.memref_slice %arg8[%mul3A_2, %dma_wait3A_19] : memref<10112x128xf32, #tpu.memory_space<vmem_shared>> -> memref<632x128xf32, #tpu.memory_space<vmem_shared>>
      tpu.wait_dma2 semaphore(%run_scoped3A : memref<!tpu.dma_semaphore, #tpu.memory_space<semaphore_mem>>) src(%dma_wait3A_20 : memref<632x128xf32, #tpu.memory_space<vmem_shared>>) dst(%dma_wait3A_18 : memref<632x128xf32, #tpu.memory_space<hbm>>)
      tpu.yield
    }) : () -> ()
    return
  }
}

module attributes {stable_mosaic.version = 14 : i64} {
  func.func @body(%arg0: i32, %arg1: memref<2x1000x128xf32, #tpu.memory_space<vmem>>, %arg2: memref<2x1000x128xf32, #tpu.memory_space<vmem>>, %arg3: memref<1000x128xf32, #tpu.memory_space<vmem>>, %arg4: memref<128x128xf32, #tpu.memory_space<vmem>>, %arg5: memref<128x128xf32, #tpu.memory_space<vmem>>, %arg6: memref<1x128xf32, #tpu.memory_space<vmem>>, %arg7: memref<1000x128xf32, #tpu.memory_space<vmem>>) attributes {dimension_semantics = [#tpu.dimension_semantics<arbitrary>], iteration_bounds = array<i64: 10>, scalar_prefetch = 0 : i64, scratch_operands = 0 : i64, tpu.core_type = #tpu.core_type<tc>, window_params = [{transform_indices = @transform_0, window_bounds = array<i64: 2, 1000, 128>}, {transform_indices = @transform_1, window_bounds = array<i64: 2, 1000, 128>}, {transform_indices = @transform_2, window_bounds = array<i64: 1000, 128>}, {pipeline_mode = #tpu.pipeline_mode<synchronous>, transform_indices = @transform_3, window_bounds = array<i64: 128, 128>}, {pipeline_mode = #tpu.pipeline_mode<synchronous>, transform_indices = @transform_4, window_bounds = array<i64: 128, 128>}, {pipeline_mode = #tpu.pipeline_mode<synchronous>, transform_indices = @transform_5, window_bounds = array<i64: 1, 128>}, {transform_indices = @transform_6, window_bounds = array<i64: 1000, 128>}]} {
    %get3A = arith.constant 0 : index
    %get3A_0 = arith.constant 0 : index
    %get3A_1 = arith.constant 0 : index
    %get3A_2 = vector.load %arg1[%get3A, %get3A_0, %get3A_1] : memref<2x1000x128xf32, #tpu.memory_space<vmem>>, vector<1x1000x128xf32>
    %get3A_3 = vector.shape_cast %get3A_2 : vector<1x1000x128xf32> to vector<1000x128xf32>
    %get3A_4 = arith.constant 1 : index
    %get3A_5 = arith.constant 0 : index
    %get3A_6 = arith.constant 0 : index
    %get3A_7 = vector.load %arg1[%get3A_4, %get3A_5, %get3A_6] : memref<2x1000x128xf32, #tpu.memory_space<vmem>>, vector<1x1000x128xf32>
    %get3A_8 = vector.shape_cast %get3A_7 : vector<1x1000x128xf32> to vector<1000x128xf32>
    %add3A = arith.addf %get3A_3, %get3A_8 : vector<1000x128xf32>
    %get3A_9 = arith.constant 0 : index
    %get3A_10 = arith.constant 0 : index
    %get3A_11 = arith.constant 0 : index
    %get3A_12 = vector.load %arg2[%get3A_9, %get3A_10, %get3A_11] : memref<2x1000x128xf32, #tpu.memory_space<vmem>>, vector<1x1000x128xf32>
    %get3A_13 = vector.shape_cast %get3A_12 : vector<1x1000x128xf32> to vector<1000x128xf32>
    %slice3A = vector.extract_strided_slice %get3A_13 {offsets = [0, 0], sizes = [1000, 1], strides = [1, 1]} : vector<1000x128xf32> to vector<1000x1xf32>
    %get3A_14 = arith.constant 1 : index
    %get3A_15 = arith.constant 0 : index
    %get3A_16 = arith.constant 0 : index
    %get3A_17 = vector.load %arg2[%get3A_14, %get3A_15, %get3A_16] : memref<2x1000x128xf32, #tpu.memory_space<vmem>>, vector<1x1000x128xf32>
    %get3A_18 = vector.shape_cast %get3A_17 : vector<1x1000x128xf32> to vector<1000x128xf32>
    %slice3A_19 = vector.extract_strided_slice %get3A_18 {offsets = [0, 0], sizes = [1000, 1], strides = [1, 1]} : vector<1000x128xf32> to vector<1000x1xf32>
    %add3A_20 = arith.addf %slice3A, %slice3A_19 : vector<1000x1xf32>
    %max3A = arith.constant 1.000000e+00 : f32
    %max3A_21 = vector.broadcast %max3A : f32 to vector<1000x1xf32>
    %max3A_22 = arith.maximumf %add3A_20, %max3A_21 : vector<1000x1xf32>
    %div3A = vector.broadcast %max3A_22 : vector<1000x1xf32> to vector<1000x128xf32>
    %div3A_23 = arith.divf %add3A, %div3A : vector<1000x128xf32>
    %get3A_24 = arith.constant 0 : index
    %get3A_25 = arith.constant 0 : index
    %get3A_26 = vector.load %arg4[%get3A_24, %get3A_25] : memref<128x128xf32, #tpu.memory_space<vmem>>, vector<128x128xf32>
    %dot_general3A = arith.constant dense<0.000000e+00> : vector<1000x128xf32>
    %dot_general3A_27 = tpu.matmul %div3A_23, %get3A_26, %dot_general3A {dimension_numbers = #tpu.dot_dimension_numbers<[1], [0], [0], [1], [0, 0, 1, 1], [], []>, precision = #tpu.contract_precision<fp32>, transpose_lhs_hint = false} : vector<1000x128xf32>, vector<128x128xf32>, vector<1000x128xf32> -> vector<1000x128xf32>
    %get3A_28 = arith.constant 0 : index
    %get3A_29 = arith.constant 0 : index
    %get3A_30 = vector.load %arg3[%get3A_28, %get3A_29] : memref<1000x128xf32, #tpu.memory_space<vmem>>, vector<1000x128xf32>
    %get3A_31 = arith.constant 0 : index
    %get3A_32 = arith.constant 0 : index
    %get3A_33 = vector.load %arg5[%get3A_31, %get3A_32] : memref<128x128xf32, #tpu.memory_space<vmem>>, vector<128x128xf32>
    %dot_general3A_34 = arith.constant dense<0.000000e+00> : vector<1000x128xf32>
    %dot_general3A_35 = tpu.matmul %get3A_30, %get3A_33, %dot_general3A_34 {dimension_numbers = #tpu.dot_dimension_numbers<[1], [0], [0], [1], [0, 0, 1, 1], [], []>, precision = #tpu.contract_precision<fp32>, transpose_lhs_hint = false} : vector<1000x128xf32>, vector<128x128xf32>, vector<1000x128xf32> -> vector<1000x128xf32>
    %add3A_36 = arith.addf %dot_general3A_27, %dot_general3A_35 : vector<1000x128xf32>
    %get3A_37 = arith.constant 0 : index
    %get3A_38 = arith.constant 0 : index
    %get3A_39 = vector.load %arg6[%get3A_37, %get3A_38] : memref<1x128xf32, #tpu.memory_space<vmem>>, vector<1x128xf32>
    %add3A_40 = vector.broadcast %get3A_39 : vector<1x128xf32> to vector<1000x128xf32>
    %add3A_41 = arith.addf %add3A_36, %add3A_40 : vector<1000x128xf32>
    %max3A_42 = arith.constant 0.000000e+00 : f32
    %max3A_43 = vector.broadcast %max3A_42 : f32 to vector<1000x128xf32>
    %max3A_44 = arith.maximumf %add3A_41, %max3A_43 : vector<1000x128xf32>
    %swap3A = arith.constant 0 : index
    %swap3A_45 = arith.constant 0 : index
    %swap3A_46 = vector.load %arg7[%swap3A, %swap3A_45] : memref<1000x128xf32, #tpu.memory_space<vmem>>, vector<1000x128xf32>
    tpu.vector_store %arg7[%swap3A, %swap3A_45], %max3A_44 {strides = array<i32>} : memref<1000x128xf32, #tpu.memory_space<vmem>>, vector<1000x128xf32>,
    return
  }
  func.func @transform_0(%arg0: i32) -> (i32, i32, i32) {
    %c0_i32 = arith.constant 0 : i32
    %c0_i32_0 = arith.constant 0 : i32
    %c0_i32_1 = arith.constant 0 : i32
    return %c0_i32, %arg0, %c0_i32_0 : i32, i32, i32
  }
  func.func @transform_1(%arg0: i32) -> (i32, i32, i32) {
    %c0_i32 = arith.constant 0 : i32
    %c0_i32_0 = arith.constant 0 : i32
    %c0_i32_1 = arith.constant 0 : i32
    return %c0_i32, %arg0, %c0_i32_0 : i32, i32, i32
  }
  func.func @transform_2(%arg0: i32) -> (i32, i32) {
    %c0_i32 = arith.constant 0 : i32
    %c0_i32_0 = arith.constant 0 : i32
    return %arg0, %c0_i32 : i32, i32
  }
  func.func @transform_3(%arg0: i32) -> (i32, i32) {
    %c0_i32 = arith.constant 0 : i32
    %c0_i32_0 = arith.constant 0 : i32
    %c0_i32_1 = arith.constant 0 : i32
    return %c0_i32, %c0_i32_0 : i32, i32
  }
  func.func @transform_4(%arg0: i32) -> (i32, i32) {
    %c0_i32 = arith.constant 0 : i32
    %c0_i32_0 = arith.constant 0 : i32
    %c0_i32_1 = arith.constant 0 : i32
    return %c0_i32, %c0_i32_0 : i32, i32
  }
  func.func @transform_5(%arg0: i32) -> (i32, i32) {
    %c0_i32 = arith.constant 0 : i32
    %c0_i32_0 = arith.constant 0 : i32
    %c0_i32_1 = arith.constant 0 : i32
    return %c0_i32, %c0_i32_0 : i32, i32
  }
  func.func @transform_6(%arg0: i32) -> (i32, i32) {
    %c0_i32 = arith.constant 0 : i32
    %c0_i32_0 = arith.constant 0 : i32
    return %arg0, %c0_i32 : i32, i32
  }
}

module attributes {stable_mosaic.version = 14 : i64} {
  func.func @body(%arg0: i32, %arg1: memref<2x1000x128xf32, #tpu.memory_space<vmem>>, %arg2: memref<2x1000x128xf32, #tpu.memory_space<vmem>>, %arg3: memref<1000x128xf32, #tpu.memory_space<vmem>>, %arg4: memref<128x128xf32, #tpu.memory_space<vmem>>, %arg5: memref<128x128xf32, #tpu.memory_space<vmem>>, %arg6: memref<1x128xf32, #tpu.memory_space<vmem>>, %arg7: memref<1000x128xf32, #tpu.memory_space<vmem>>) attributes {dimension_semantics = [#tpu.dimension_semantics<arbitrary>], iteration_bounds = array<i64: 10>, scalar_prefetch = 0 : i64, scratch_operands = 0 : i64, tpu.core_type = #tpu.core_type<tc>, window_params = [{transform_indices = @transform_0, window_bounds = array<i64: 2, 1000, 128>}, {transform_indices = @transform_1, window_bounds = array<i64: 2, 1000, 128>}, {transform_indices = @transform_2, window_bounds = array<i64: 1000, 128>}, {pipeline_mode = #tpu.pipeline_mode<synchronous>, transform_indices = @transform_3, window_bounds = array<i64: 128, 128>}, {pipeline_mode = #tpu.pipeline_mode<synchronous>, transform_indices = @transform_4, window_bounds = array<i64: 128, 128>}, {pipeline_mode = #tpu.pipeline_mode<synchronous>, transform_indices = @transform_5, window_bounds = array<i64: 1, 128>}, {transform_indices = @transform_6, window_bounds = array<i64: 1000, 128>}]} {
    %get3A = arith.constant 0 : index
    %get3A_0 = arith.constant 0 : index
    %get3A_1 = arith.constant 0 : index
    %get3A_2 = vector.load %arg1[%get3A, %get3A_0, %get3A_1] : memref<2x1000x128xf32, #tpu.memory_space<vmem>>, vector<1x1000x128xf32>
    %get3A_3 = vector.shape_cast %get3A_2 : vector<1x1000x128xf32> to vector<1000x128xf32>
    %get3A_4 = arith.constant 1 : index
    %get3A_5 = arith.constant 0 : index
    %get3A_6 = arith.constant 0 : index
    %get3A_7 = vector.load %arg1[%get3A_4, %get3A_5, %get3A_6] : memref<2x1000x128xf32, #tpu.memory_space<vmem>>, vector<1x1000x128xf32>
    %get3A_8 = vector.shape_cast %get3A_7 : vector<1x1000x128xf32> to vector<1000x128xf32>
    %add3A = arith.addf %get3A_3, %get3A_8 : vector<1000x128xf32>
    %get3A_9 = arith.constant 0 : index
    %get3A_10 = arith.constant 0 : index
    %get3A_11 = arith.constant 0 : index
    %get3A_12 = vector.load %arg2[%get3A_9, %get3A_10, %get3A_11] : memref<2x1000x128xf32, #tpu.memory_space<vmem>>, vector<1x1000x128xf32>
    %get3A_13 = vector.shape_cast %get3A_12 : vector<1x1000x128xf32> to vector<1000x128xf32>
    %slice3A = vector.extract_strided_slice %get3A_13 {offsets = [0, 0], sizes = [1000, 1], strides = [1, 1]} : vector<1000x128xf32> to vector<1000x1xf32>
    %get3A_14 = arith.constant 1 : index
    %get3A_15 = arith.constant 0 : index
    %get3A_16 = arith.constant 0 : index
    %get3A_17 = vector.load %arg2[%get3A_14, %get3A_15, %get3A_16] : memref<2x1000x128xf32, #tpu.memory_space<vmem>>, vector<1x1000x128xf32>
    %get3A_18 = vector.shape_cast %get3A_17 : vector<1x1000x128xf32> to vector<1000x128xf32>
    %slice3A_19 = vector.extract_strided_slice %get3A_18 {offsets = [0, 0], sizes = [1000, 1], strides = [1, 1]} : vector<1000x128xf32> to vector<1000x1xf32>
    %add3A_20 = arith.addf %slice3A, %slice3A_19 : vector<1000x1xf32>
    %max3A = arith.constant 1.000000e+00 : f32
    %max3A_21 = vector.broadcast %max3A : f32 to vector<1000x1xf32>
    %max3A_22 = arith.maximumf %add3A_20, %max3A_21 : vector<1000x1xf32>
    %div3A = vector.broadcast %max3A_22 : vector<1000x1xf32> to vector<1000x128xf32>
    %div3A_23 = arith.divf %add3A, %div3A : vector<1000x128xf32>
    %get3A_24 = arith.constant 0 : index
    %get3A_25 = arith.constant 0 : index
    %get3A_26 = vector.load %arg4[%get3A_24, %get3A_25] : memref<128x128xf32, #tpu.memory_space<vmem>>, vector<128x128xf32>
    %dot_general3A = arith.constant dense<0.000000e+00> : vector<1000x128xf32>
    %dot_general3A_27 = tpu.matmul %div3A_23, %get3A_26, %dot_general3A {dimension_numbers = #tpu.dot_dimension_numbers<[1], [0], [0], [1], [0, 0, 1, 1], [], []>, precision = #tpu.contract_precision<fp32>, transpose_lhs_hint = false} : vector<1000x128xf32>, vector<128x128xf32>, vector<1000x128xf32> -> vector<1000x128xf32>
    %get3A_28 = arith.constant 0 : index
    %get3A_29 = arith.constant 0 : index
    %get3A_30 = vector.load %arg3[%get3A_28, %get3A_29] : memref<1000x128xf32, #tpu.memory_space<vmem>>, vector<1000x128xf32>
    %get3A_31 = arith.constant 0 : index
    %get3A_32 = arith.constant 0 : index
    %get3A_33 = vector.load %arg5[%get3A_31, %get3A_32] : memref<128x128xf32, #tpu.memory_space<vmem>>, vector<128x128xf32>
    %dot_general3A_34 = arith.constant dense<0.000000e+00> : vector<1000x128xf32>
    %dot_general3A_35 = tpu.matmul %get3A_30, %get3A_33, %dot_general3A_34 {dimension_numbers = #tpu.dot_dimension_numbers<[1], [0], [0], [1], [0, 0, 1, 1], [], []>, precision = #tpu.contract_precision<fp32>, transpose_lhs_hint = false} : vector<1000x128xf32>, vector<128x128xf32>, vector<1000x128xf32> -> vector<1000x128xf32>
    %add3A_36 = arith.addf %dot_general3A_27, %dot_general3A_35 : vector<1000x128xf32>
    %get3A_37 = arith.constant 0 : index
    %get3A_38 = arith.constant 0 : index
    %get3A_39 = vector.load %arg6[%get3A_37, %get3A_38] : memref<1x128xf32, #tpu.memory_space<vmem>>, vector<1x128xf32>
    %add3A_40 = vector.broadcast %get3A_39 : vector<1x128xf32> to vector<1000x128xf32>
    %add3A_41 = arith.addf %add3A_36, %add3A_40 : vector<1000x128xf32>
    %swap3A = arith.constant 0 : index
    %swap3A_42 = arith.constant 0 : index
    %swap3A_43 = vector.load %arg7[%swap3A, %swap3A_42] : memref<1000x128xf32, #tpu.memory_space<vmem>>, vector<1000x128xf32>
    tpu.vector_store %arg7[%swap3A, %swap3A_42], %add3A_41 {strides = array<i32>} : memref<1000x128xf32, #tpu.memory_space<vmem>>, vector<1000x128xf32>,
    return
  }
  func.func @transform_0(%arg0: i32) -> (i32, i32, i32) {
    %c0_i32 = arith.constant 0 : i32
    %c0_i32_0 = arith.constant 0 : i32
    %c0_i32_1 = arith.constant 0 : i32
    return %c0_i32, %arg0, %c0_i32_0 : i32, i32, i32
  }
  func.func @transform_1(%arg0: i32) -> (i32, i32, i32) {
    %c0_i32 = arith.constant 0 : i32
    %c0_i32_0 = arith.constant 0 : i32
    %c0_i32_1 = arith.constant 0 : i32
    return %c0_i32, %arg0, %c0_i32_0 : i32, i32, i32
  }
  func.func @transform_2(%arg0: i32) -> (i32, i32) {
    %c0_i32 = arith.constant 0 : i32
    %c0_i32_0 = arith.constant 0 : i32
    return %arg0, %c0_i32 : i32, i32
  }
  func.func @transform_3(%arg0: i32) -> (i32, i32) {
    %c0_i32 = arith.constant 0 : i32
    %c0_i32_0 = arith.constant 0 : i32
    %c0_i32_1 = arith.constant 0 : i32
    return %c0_i32, %c0_i32_0 : i32, i32
  }
  func.func @transform_4(%arg0: i32) -> (i32, i32) {
    %c0_i32 = arith.constant 0 : i32
    %c0_i32_0 = arith.constant 0 : i32
    %c0_i32_1 = arith.constant 0 : i32
    return %c0_i32, %c0_i32_0 : i32, i32
  }
  func.func @transform_5(%arg0: i32) -> (i32, i32) {
    %c0_i32 = arith.constant 0 : i32
    %c0_i32_0 = arith.constant 0 : i32
    %c0_i32_1 = arith.constant 0 : i32
    return %c0_i32, %c0_i32_0 : i32, i32
  }
  func.func @transform_6(%arg0: i32) -> (i32, i32) {
    %c0_i32 = arith.constant 0 : i32
    %c0_i32_0 = arith.constant 0 : i32
    return %arg0, %c0_i32 : i32, i32
  }
}

</mosaic_0001>

<sc_bundles>
// kernel: kernel.10.cloned.1.call-start
scs
__scs_entry_jumppad:
0x0: {  	(pc) =	sbr.rel $0x88, $3  }
0x1: {  	(tag) =	ssettag $0x0;
	lr =	simm.s32 $0x1  }
0x2: {  	[smem:$0x3F99] =	sst lr;
	_ =	strace $0xD0000000  }
0x3: {  	_ = 	snop  }
0x4: {  	_ = 	snop  }
0x5: {  	_ = 	snop  }
0x6: {  	_ = 	snop  }
0x7: {  	_ = 	snop  }
__scs_overlays_trampoline_lowered:
0x8: {  	[smem:$0x3FA8] =	sst s0  }
0x9: {  	[smem:$0x3FA9] =	sst s1  }
0xa: {  	[smem:$0x3FAA] =	sst s2  }
0xb: {  	[smem:$0x3FAB] =	sst s3  }
0xc: {  	[smem:$0x3FAC] =	sst s4  }
0xd: {  	[smem:$0x3FAD] =	sst s5  }
0xe: {  	[smem:$0x3FAE] =	sst s6  }
0xf: {  	[smem:$0x3FAF] =	sst s7  }
0x10: {  	[smem:$0x3FB0] =	sst s8  }
0x11: {  	[smem:$0x3FB1] =	sst s9;
	s0 =	simm.s32 @!p0 $0x0  }
0x12: {  	s1 =	sld [smem:$0x3F97];
	s0 =	simm.s32 @p0 $0x1  }
0x13: {  	[smem:$0x3FB2] =	sst s0;
	s0 =	simm.s32 @!p1 $0x0  }
0x14: {  	s2 =	sld [smem:$0x3F96];
	s0 =	simm.s32 @p1 $0x1  }
0x15: {  	[smem:$0x3FB3] =	sst s0;
	s0 =	simm.s32 @!p2 $0x0  }
0x16: {  	s3 =	sld [smem:$0x3FDB];
	s0 =	simm.s32 @p2 $0x1  }
0x17: {  	s4 =	simm.s32 $0x1BF5;
	[smem:$0x3FB5] =	sst s0  }
0x18: {  	s0 =	sld [smem:$0x3F98];
	_ =	swait.ge [sflag:s4], $0x0  }
0x19: {  	s7 =	sld [smem:$0x3F99]  }
0x1a: {  	s8 =	sadd.s32 $0xFFFFE003, lr  }
0x1b: {  	s9 =	sadd.s32 $0xFFFFFEF7, lr;
	s5 =	simm.s32 $0xFFFFFFFF;
	p2 =	slt.u32 s8, $0xFFFFF086  }
0x1c: {  	p1 =	slt.u32 s9, $0xF7A;
	s5 =	simm.s32 @!p2 $0x0  }
0x1d: {  	s5 =	simm.s32 @p1 $0x1;
	p0 =	seq.s32 s7, s2  }
0x1e: {  	s7 =	smul.u32 @!p0 $0xF7A, s2;
	p2 =	seq.s32 @!p0 s5, $0x0  }
0x1f: {  	s9 =	smul.u32 $0xF7A, s1;
	s8 =	simm.s32 @!p0 $0x1BF5;
	p2 =	por !p2, p0  }
0x20: {  	[sflag:s8] =	ssyncset.s32 @!p0 $0xFFFFF086;
	s6 =	sadd.s32 @!p0 s3, s7;
	s7 =	simm.s32 @!p0 $0x108  }
0x21: {  	s3 =	sadd.s32 s3, s9;
	s6 =	sadd.s32 @!p0 $0x88, s6;
	s7 =	simm.s32 @p2 $0x1082  }
0x22: {  	[simem:s7], [sflag:s8] =	dma.local @!p0 [hbm:s6], $0xF7A  }
0x23: {  	s9 =	sor.u32 $0xD0000000, s2;
	s6 =	simm.s32 $0x108;
	_ =	swait.ge @!p0 [sflag:s8], $0x0  }
0x24: {  	s3 =	sadd.s32 $0x88, s3;
	s6 =	simm.s32 @!p1 $0x1082;
	[sflag:s4] =	ssyncset.s32 $0xFFFFF086  }
0x25: {  	[simem:s6], [sflag:s4] =	dma.local [hbm:s3], $0xF7A  }
0x26: {  	[smem:$0x3F99] =	sst s1;
	(tag) =	ssettag s2;
	_ =	strace s9  }
0x27: {  	s1 =	sld [smem:$0x3FA9]  }
0x28: {  	s2 =	sld [smem:$0x3FAA]  }
0x29: {  	s4 =	sld [smem:$0x3FAC]  }
0x2a: {  	p0 =	seq.s32 s5, $0x0;
	s5 =	sld [smem:$0x3FAD]  }
0x2b: {  	s6 =	sld [smem:$0x3FAE]  }
0x2c: {  	s7 =	sld [smem:$0x3FAF]  }
0x2d: {  	s3 =	simm.s32 $0x108;
	s8 =	sld [smem:$0x3FB0]  }
0x2e: {  	s3 =	simm.s32 @!p0 $0x1082;
	s9 =	sld [smem:$0x3FB1]  }
0x2f: {  	lr =	sadd.s32 s0, s3;
	s0 =	sld [smem:$0x3FA8]  }
0x30: {  	s3 =	sld [smem:$0x3FAB]  }
0x31: {  	[smem:$0x3FB4] =	sst s10  }
0x32: {  	s10 =	sld [smem:$0x3FB2];
	_ =	sdelay $0x3  }
0x33: {  	p0 =	seq.s32 s10, $0x1;
	s10 =	sld [smem:$0x3FB4];
	_ =	sdelay $0x3  }
0x34: {  	[smem:$0x3FB4] =	sst s10  }
0x35: {  	s10 =	sld [smem:$0x3FB3];
	_ =	sdelay $0x3  }
0x36: {  	p1 =	seq.s32 s10, $0x1;
	s10 =	sld [smem:$0x3FB4];
	_ =	sdelay $0x3  }
0x37: {  	[smem:$0x3FB4] =	sst s10  }
0x38: {  	s10 =	sld [smem:$0x3FB5]  }
0x39: {  	_ = 	snop;
	(pc) =	sbr.ind lr, $3  }
0x3a: {  	_ = 	snop  }
0x3b: {  	_ = 	snop  }
0x3c: {  	p2 =	seq.s32 s10, $0x1;
	s10 =	sld [smem:$0x3FB4]  }
0x3d: {  	_ =	shalt  }
0x3e: {  	_ =	shalt  }
0x3f: {  	_ =	shalt  }
0x40: {  	_ =	shalt  }
0x41: {  	_ =	shalt  }
0x42: {  	_ =	shalt  }
0x43: {  	_ =	shalt  }
0x44: {  	_ =	shalt  }
0x45: {  	_ =	shalt  }
0x46: {  	_ =	shalt  }
0x47: {  	_ =	shalt  }
0x48: {  	_ =	shalt  }
0x49: {  	_ =	shalt  }
0x4a: {  	_ =	shalt  }
0x4b: {  	_ =	shalt  }
0x4c: {  	_ =	shalt  }
0x4d: {  	_ =	shalt  }
0x4e: {  	_ =	shalt  }
0x4f: {  	_ =	shalt  }
0x50: {  	_ =	shalt  }
0x51: {  	_ =	shalt  }
0x52: {  	_ =	shalt  }
0x53: {  	_ =	shalt  }
0x54: {  	_ =	shalt  }
0x55: {  	_ =	shalt  }
0x56: {  	_ =	shalt  }
0x57: {  	_ =	shalt  }
0x58: {  	_ =	shalt  }
0x59: {  	_ =	shalt  }
0x5a: {  	_ =	shalt  }
0x5b: {  	_ =	shalt  }
0x5c: {  	_ =	shalt  }
0x5d: {  	_ =	shalt  }
0x5e: {  	_ =	shalt  }
0x5f: {  	_ =	shalt  }
0x60: {  	_ =	shalt  }
0x61: {  	_ =	shalt  }
0x62: {  	_ =	shalt  }
0x63: {  	_ =	shalt  }
0x64: {  	_ =	shalt  }
0x65: {  	_ =	shalt  }
0x66: {  	_ =	shalt  }
0x67: {  	_ =	shalt  }
0x68: {  	_ =	shalt  }
0x69: {  	_ =	shalt  }
0x6a: {  	_ =	shalt  }
0x6b: {  	_ =	shalt  }
0x6c: {  	_ =	shalt  }
0x6d: {  	_ =	shalt  }
0x6e: {  	_ =	shalt  }
0x6f: {  	_ =	shalt  }
0x70: {  	_ =	shalt  }
0x71: {  	_ =	shalt  }
0x72: {  	_ =	shalt  }
0x73: {  	_ =	shalt  }
0x74: {  	_ =	shalt  }
0x75: {  	_ =	shalt  }
0x76: {  	_ =	shalt  }
0x77: {  	_ =	shalt  }
0x78: {  	_ =	shalt  }
0x79: {  	_ =	shalt  }
0x7a: {  	_ =	shalt  }
0x7b: {  	_ =	shalt  }
0x7c: {  	_ =	shalt  }
0x7d: {  	_ =	shalt  }
0x7e: {  	_ =	shalt  }
0x7f: {  	_ =	shalt  }
0x80: {  	_ =	shalt  }
0x81: {  	_ =	shalt  }
0x82: {  	_ =	shalt  }
0x83: {  	_ =	shalt  }
0x84: {  	_ =	shalt  }
0x85: {  	_ =	shalt  }
0x86: {  	_ =	shalt  }
0x87: {  	_ =	shalt  }
.Lfunc_end0:
.L_simem_size_0:
called_computation.1_lowered:
.L_overlay_start_0:
0x88: {  	s2 =	sld [smem:$0x3FD9]  }
0x89: {  	s3 =	sld [smem:$0x3FFE];
	_ =	sdelay $0x1  }
0x8a: {  	s1 =	srdreg.scid  }
0x8b: {  	s0 =	sand.u32 $0x1, s1  }
0x8c: {  	s17 =	sshll.u32 s0, $0xA;
	s2 =	sadd.s32 s3, s2  }
0x8d: {  	s2 =	sadd.s32 s2, s17  }
0x8e: {  	[smem:$0x3FC0] =	sst s2  }
0x8f: {  	_ = 	snop  }
0x90: {  	s18 =	sld [smem:$0x3FC9];
	(tm) =	ssettm $0x1  }
0x91: {  	s19 =	sld [smem:$0x3FFB];
	_ =	sdelay $0x3  }
0x92: {  	_ =	strace s19  }
0x93: {  	s2 =	sld [smem:$0x3FFC];
	_ =	sdelay $0x3  }
0x94: {  	_ =	strace s2  }
0x95: {  	s2 =	sld [smem:$0x3FFD];
	_ =	sdelay $0x3  }
0x96: {  	_ =	strace s2  }
0x97: {  	_ =	strace $0x8FFFFFFF  }
0x98: {  	s20 =	sld [smem:$0x3FDB];
	_ =	sdelay $0x1  }
0x99: {  	s4 =	simm.s32 $_scs_section_size  }
0x9a: {  	s5 =	simm.s32 $_size__tile_overlayer_lowered;
	s6 =	simm.s32 $_tile_overlayer_lowered  }
0x9b: {  	s7 =	simm.s32 $0x1BFF;
	s21 =	sshll.u32 s6, $0x1;
	s4 =	sadd.s32 s4, s20  }
0x9c: {  	s22 =	simm.s32 $0x0;
	s5 =	sshll.u32 s5, $0x1;
	s6 =	sadd.s32 s21, s4  }
0x9d: {  	[timem:s22], [sflag:s7] =	dma.local [hbm:s6], s5  }
0x9e: {  	_ =	swait.ge [sflag:s7], s5  }
0x9f: {  	s5 =	ssub.s32 $0x0, s5;
	[sflag:s7] =	ssyncset.done $0x0  }
0xa0: {  	[sflag:s7] =	ssyncadd.s32 s5;
	_ =	sdelay $0x1  }
0xa1: {  	s23 =	simm.s32 $0x1B8B  }
0xa2: {  	_ =	swait.ge [sflag:s23], $0x1  }
0xa3: {  	[sflag:s23] =	ssyncset.done $0x0  }
0xa4: {  	[sflag:s23] =	ssyncadd.s32 $0xFFFFFFFF  }
0xa5: {  	s5 =	sld [smem:$0x0]  }
0xa6: {  	s6 =	sand.u32 $0xFFFFFFFE, s1  }
0xa7: {  	p0 =	sne.s32 s1, s6  }
0xa8: {  	s6 =	sshll.u32 @p0 s6, $0xE  }
0xa9: {  	s6 =	sadd.s32 @p0 $0x11B8D, s6;
	s7 =	sshll.u32 @p0 s5, $0x11  }
0xaa: {  	s6 =	sor.u32 @p0 s7, s6  }
0xab: {  	[sflag:s6] =	ssyncadd.remote.s32 @p0 $0x1;
	_ =	sdelay $0x1  }
0xac: {  	s6 =	simm.s32 @p0 $0x1B8D  }
0xad: {  	_ =	swait.eq @p0 [sflag:s6], $0x1  }
0xae: {  	[sflag:s6] =	ssyncadd.s32 @p0 $0xFFFFFFFF  }
0xaf: {  	s7 =	sshll.u32 @!p0 s1, $0xE  }
0xb0: {  	s7 =	sor.u32 @!p0 $0x4000, s7;
	s6 =	simm.s32 @!p0 $0x1B8D  }
0xb1: {  	s5 =	sshll.u32 @!p0 s5, $0x11;
	s7 =	sadd.s32 @!p0 $0x11B8D, s7;
	_ =	swait.eq @!p0 [sflag:s6], $0x1  }
0xb2: {  	s5 =	sor.u32 @!p0 s5, s7;
	[sflag:s6] =	ssyncadd.s32 @!p0 $0xFFFFFFFF  }
0xb3: {  	s25 =	simm.s32 $0x1B8E;
	s24 =	sld [smem:$0x3FFE];
	[sflag:s5] =	ssyncadd.remote.s32 @!p0 $0x1  }
0xb4: {  	s26 =	simm.s32 $execute0_lowered;
	[smem:$0x3FD2] =	sst s25  }
0xb5: {  	s6 =	sshll.u32 s26, $0x1;
	_ =	strace $0x80000049;
	[dreg:$0x1] =	wrdreg $0xFFFFFFFF  }
0xb6: {  	s28 =	simm.s32 $_size_execute0_lowered;
	s4 =	sadd.s32 s4, s6;
	[dreg:$0x0] =	wrdreg $0x0  }
0xb7: {  	s6 =	sshll.u32 s28, $0x1;
	[dreg:$0x2] =	wrdreg s4  }
0xb8: {  	[dreg:$0x3] =	wrdreg s6  }
0xb9: {  	[dreg:$0x4] =	wrdreg $0xC0  }
0xba: {  	_ =	task [dreg:s22], $0x5FFFF  }
0xbb: {  	[dreg:$0x1] =	wrdreg $0xFFFFFFFF  }
0xbc: {  	[dreg:$0x0] =	wrdreg $0x60  }
0xbd: {  	[dreg:$0x2] =	wrdreg s18  }
0xbe: {  	[dreg:$0x3] =	wrdreg s24  }
0xbf: {  	[dreg:$0x4] =	wrdreg $0x90000  }
0xc0: {  	[dreg:$0x5] =	wrdreg $0xA  }
0xc1: {  	_ =	task.clear_ibuf [dreg:s22], $0x6FFFF;
	_ =	strace $0x90000049  }
0xc2: {  	s29 =	simm.s32 $0xA;
	_ =	strace $0x8000004B  }
0xc3: {  	_ =	swait.ge [sflag:s29], $0x1  }
0xc4: {  	[sflag:s29] =	ssyncadd.s32 $0xFFFFFFFF  }
0xc5: {  	_ =	strace $0x9000004B  }
0xc6: {  	_ =	sfence  }
0xc7: {  	s30 =	sld [smem:$0x0];
	_ =	sdelay $0x2  }
0xc8: {  	s31 =	sshll.u32 s1, $0xD;
	s1 =	sshrl.u32 s1, $0x2  }
0xc9: {  	s4 =	sand.u32 $0x4000, s31;
	s1 =	sadd.s32 s1, s30  }
0xca: {  	s0 =	sor.u32 s4, s0;
	s1 =	sshll.u32 s1, $0x11  }
0xcb: {  	s0 =	sor.u32 s1, s0  }
0xcc: {  	s0 =	sadd.s32 $0x8F2B, s0  }
0xcd: {  	[sflag:s0] =	ssyncadd.remote.s32 $0x1  }
0xce: {  	_ =	sfence.sel $0xFFFF  }
0xcf: {  	[dreg:$0x0] =	wrdreg $0xFFFFFFFF;
	(pc) =	sbr.abs _section_cstart, $3  }
0xd0: {  	[dreg:$0x1] =	wrdreg $0xFFFFFFFF  }
0xd1: {  	_ =	task.clear_ibuf [dreg:s22], $0x2FFFF;
	_ =	strace $0x9FFFFFFF  }
0xd2: {  	(tm) =	ssettm $0x7FFFFFFF  }
0xd3: {  	_ =	shalt  }
tec
execute0_lowered:
.L_overlay_start_1:
0x0: {  	(tag) =	ssettag $0x1  }
0x1: {  	s2 =	rddreg [dreg:$0x0]  }
0x2: {  	s5 =	rddreg [dreg:$0x1]  }
0x3: {  	s3 =	rddreg [dreg:$0x2]  }
0x4: {  	s1 =	stileid.u32;
	s4 =	simm.s32 $0x0;
	s7 =	srdreg.scid  }
0x5: {  	s16 =	simm.s32 $0x40;
	s17 =	simm.s32 $0x5000;
	s18 =	simm.s32 $0x80  }
0x6: {  	s19 =	simm.s32 $0x7000;
	s20 =	simm.s32 $0x1;
	s21 =	simm.s32 $0x2  }
0x7: {  	s22 =	simm.s32 $0x4E00;
	s23 =	simm.s32 $0x2700;
	s24 =	simm.s32 $0x4E80  }
0x8: {  	s25 =	simm.s32 $0x2780;
	s28 =	simm.s32 $0x4F80;
	s29 =	simm.s32 $0x0  }
0x9: {  	s6 =	smul.u32 $0x13C00, s1;
	[smem:$0x7FF] =	sst s4;
	s7 =	sand.u32 $0x1, s7  }
0xa: {  	s10 =	sadd.s32 $0x8C800, s5;
	s11 =	sadd.s32 $0x2000, s5;
	s26 =	smul.u32 $0x4F000, s1  }
0xb: {  	s30 =	sshll.u32 s1, $0x6;
	_ =	strace $0x8000004A;
	s9 =	smul.u32 $0x13C000, s7  }
0xc: {  	s12 =	sshll.u32 s7, $0x4;
	s7 =	ssub.s32 $0x2, s7;
	s8 =	sshrl.u32 s6, $0x3  }
0xd: {  	s12 =	sor.u32 s1, s12;
	s13 =	sshrl.u32 s7, $0x1;
	s8 =	sadd.s32 s8, s5  }
0xe: {  	s6 =	sadd.s32 s6, s9;
	s9 =	sshrl.u32 s26, $0x2;
	s12 =	smul.u32 $0x5000, s12  }
0xf: {  	s13 =	ssub.s32 s7, s13;
	s26 =	simm.s32 $0x4F00;
	s6 =	sshrl.u32 s6, $0x3  }
0x10: {  	s15 =	sadd.s32 s9, s3;
	s14 =	sadd.s32 s6, s5;
	s31 =	sshrl.u32 s12, $0x3  }
0x11: {  	s5 =	sadd.s32 $0x16000, s8;
	s6 =	sor.u32 $0x1C03, s30;
	s12 =	sadd.s32 $0x500, s31  }
0x12: {  	s7 =	sadd.s32 s10, s31;
	s8 =	sadd.s32 s11, s31;
	s9 =	sadd.s32 s10, s12  }
0x13: {  	s10 =	sadd.s32 s11, s12;
	s11 =	sadd.s32 $0xA0800, s14;
	s12 =	smax.u32 s13, $0x1  }
0x14: {  	s13 =	sshrl.u32 s15, $0x3;
	s14 =	simm.s32 $0x3;
	s15 =	simm.s32 $0x2800  }
.LBB2_1:
0x15: {  	[spmem:s13], [sflag:s6] =	dma.local [hbm:s5], $0x2780  }
0x16: {  	_ =	swait.ge [sflag:s14], $0x2780  }
0x17: {  	[sflag:s14] =	ssyncset.done $0x0  }
0x18: {  	[sflag:s14] =	ssyncadd.s32 $0xFFFFD880  }
0x19: {  	[bflag:$0x0] =	sbarrier.arrive $0xFFFF  }
0x1a: {  	[tilespmem:s4], [sflag:$0x3] =	stream.linear.gather [hbm4b:s7+s4], $0x2800, $0x38;
	[tilespmem:$0x1CC00] =	vst v63  }
0x1b: {  	_ =	swait.ge [sflag:s14], $0x2800  }
0x1c: {  	[sflag:s14] =	ssyncset.done $0x0  }
0x1d: {  	[sflag:s14] =	ssyncadd.s32 $0xFFFFD800  }
0x1e: {  	[tilespmem:s15], [sflag:$0x3] =	stream.linear.gather [hbm4b:s8+s4], $0x2800, $0x38;
	[tilespmem:$0x1CC00] =	vst v63  }
0x1f: {  	_ =	swait.ge [sflag:s14], $0x2800  }
0x20: {  	[sflag:s14] =	ssyncset.done $0x0  }
0x21: {  	[sflag:s14] =	ssyncadd.s32 $0xFFFFD800  }
0x22: {  	[tilespmem:s17], [sflag:$0x1] =	stream.indirect.gather [hbm4b:s2+s16], $0x80, s4, s16, $0xb8;
	[tilespmem:$0x1CC00] =	vst v63  }
0x23: {  	_ = 	snop  }
0x24: {  	[tilespmem:s19], [sflag:$0x2] =	stream.indirect.gather [hbm4b:s2+s16], $0x80, s18, s16, $0xb8;
	[tilespmem:$0x1CC00] =	vst v63  }
0x25: {  	_ =	swait.ge [sflag:s20], $0x2000  }
0x26: {  	[sflag:s20] =	ssyncset.done $0x0  }
0x27: {  	s30 =	simm.s32 $0x2800;
	[sflag:s20] =	ssyncadd.s32 $0xFFFFE000  }
0x28: {  	[spmem:s3] =	stream.indirect.scatter.add.f32 [tilespmem:s17], [sflag:$0x3], $0x80, s30, s16, $0xb8;
	[tilespmem:$0x1CC00] =	vst v63  }
0x29: {  	_ =	swait.ge [sflag:s14], $0x2000  }
0x2a: {  	[sflag:s14] =	ssyncset.done $0x0  }
0x2b: {  	s30 =	simm.s32 $0x100;
	[sflag:s14] =	ssyncadd.s32 $0xFFFFE000  }
0x2c: {  	[tilespmem:s17], [sflag:$0x1] =	stream.indirect.gather [hbm4b:s2+s16], $0x80, s30, s16, $0xb8;
	[tilespmem:$0x1CC00] =	vst v63  }
0x2d: {  	_ =	swait.ge [sflag:s21], $0x2000  }
0x2e: {  	[sflag:s21] =	ssyncset.done $0x0  }
0x2f: {  	s30 =	simm.s32 $0x2880;
	[sflag:s21] =	ssyncadd.s32 $0xFFFFE000  }
0x30: {  	[spmem:s3] =	stream.indirect.scatter.add.f32 [tilespmem:s19], [sflag:$0x3], $0x80, s30, s16, $0xb8;
	[tilespmem:$0x1CC00] =	vst v63  }
0x31: {  	_ =	swait.ge [sflag:s14], $0x2000  }
0x32: {  	[sflag:s14] =	ssyncset.done $0x0  }
0x33: {  	s31 =	simm.s32 $0x180;
	s30 =	simm.s32 $0x400;
	[sflag:s14] =	ssyncadd.s32 $0xFFFFE000  }
.LBB2_2:
0x34: {  	[tilespmem:s19], [sflag:$0x2] =	stream.indirect.gather [hbm4b:s2+s16], $0x80, s31, s16, $0xb8;
	[tilespmem:$0x1CC00] =	vst v63  }
0x35: {  	s31 =	smov.u32 s30  }
0x36: {  	p0 =	sne.s32 s30, $0x9400;
	s30 =	sadd.s32 $0x400, s30;
	_ =	swait.ge [sflag:s20], $0x2000  }
0x37: {  	s31 =	sshra.s32 s31, $0x2;
	[sflag:s20] =	ssyncset.done $0x0  }
0x38: {  	s0 =	sadd.s32 $0x2800, s31;
	[sflag:s20] =	ssyncadd.s32 $0xFFFFE000  }
0x39: {  	[spmem:s3] =	stream.indirect.scatter.add.f32 [tilespmem:s17], [sflag:$0x3], $0x80, s0, s16, $0xb8;
	[tilespmem:$0x1CC00] =	vst v63  }
0x3a: {  	_ =	swait.ge [sflag:s14], $0x2000  }
0x3b: {  	[sflag:s14] =	ssyncset.done $0x0  }
0x3c: {  	s0 =	sadd.s32 $0x100, s31;
	[sflag:s14] =	ssyncadd.s32 $0xFFFFE000  }
0x3d: {  	[tilespmem:s17], [sflag:$0x1] =	stream.indirect.gather [hbm4b:s2+s16], $0x80, s0, s16, $0xb8;
	[tilespmem:$0x1CC00] =	vst v63  }
0x3e: {  	_ =	swait.ge [sflag:s21], $0x2000  }
0x3f: {  	[sflag:s21] =	ssyncset.done $0x0  }
.Ltmp0:
0x40: {  	s0 =	sadd.s32 $0x2880, s31;
	[sflag:s21] =	ssyncadd.s32 $0xFFFFE000;
	(pc) =	sbr.rel @p0 .LBB2_2-.Ltmp0, $4  }
0x41: {  	[spmem:s3] =	stream.indirect.scatter.add.f32 [tilespmem:s19], [sflag:$0x3], $0x80, s0, s16, $0xb8;
	[tilespmem:$0x1CC00] =	vst v63  }
0x42: {  	_ =	swait.ge [sflag:s14], $0x2000  }
0x43: {  	[sflag:s14] =	ssyncset.done $0x0  }
0x44: {  	s31 =	sadd.s32 $0x180, s31;
	[sflag:s14] =	ssyncadd.s32 $0xFFFFE000  }
0x45: {  	[tilespmem:s19], [sflag:$0x2] =	stream.indirect.gather [hbm4b:s2+s16], $0x80, s31, s16, $0xb8;
	[tilespmem:$0x1CC00] =	vst v63  }
0x46: {  	_ =	swait.ge [sflag:s20], $0x2000  }
0x47: {  	[sflag:s20] =	ssyncset.done $0x0  }
0x48: {  	[sflag:s20] =	ssyncadd.s32 $0xFFFFE000  }
0x49: {  	[spmem:s3] =	stream.indirect.scatter.add.f32 [tilespmem:s17], [sflag:$0x3], $0x80, s22, s16, $0xb8;
	[tilespmem:$0x1CC00] =	vst v63  }
0x4a: {  	_ =	swait.ge [sflag:s14], $0x2000  }
0x4b: {  	[sflag:s14] =	ssyncset.done $0x0  }
0x4c: {  	[sflag:s14] =	ssyncadd.s32 $0xFFFFE000  }
0x4d: {  	[tilespmem:s17], [sflag:$0x1] =	stream.indirect.gather [hbm4b:s2+s16], $0x80, s23, s16, $0xb8;
	[tilespmem:$0x1CC00] =	vst v63  }
0x4e: {  	_ =	swait.ge [sflag:s21], $0x2000  }
0x4f: {  	[sflag:s21] =	ssyncset.done $0x0  }
0x50: {  	[sflag:s21] =	ssyncadd.s32 $0xFFFFE000  }
0x51: {  	[spmem:s3] =	stream.indirect.scatter.add.f32 [tilespmem:s19], [sflag:$0x3], $0x80, s24, s16, $0xb8;
	[tilespmem:$0x1CC00] =	vst v63  }
0x52: {  	_ =	swait.ge [sflag:s14], $0x2000  }
0x53: {  	[sflag:s14] =	ssyncset.done $0x0  }
0x54: {  	[sflag:s14] =	ssyncadd.s32 $0xFFFFE000  }
0x55: {  	[tilespmem:s19], [sflag:$0x2] =	stream.indirect.gather [hbm4b:s2+s16], $0x80, s25, s16, $0xb8;
	[tilespmem:$0x1CC00] =	vst v63  }
0x56: {  	_ =	swait.ge [sflag:s20], $0x2000  }
0x57: {  	[sflag:s20] =	ssyncset.done $0x0  }
0x58: {  	[sflag:s20] =	ssyncadd.s32 $0xFFFFE000  }
0x59: {  	[spmem:s3] =	stream.indirect.scatter.add.f32 [tilespmem:s17], [sflag:$0x3], $0x80, s26, s16, $0xb8;
	[tilespmem:$0x1CC00] =	vst v63  }
0x5a: {  	_ =	swait.ge [sflag:s14], $0x2000  }
0x5b: {  	[sflag:s14] =	ssyncset.done $0x0  }
0x5c: {  	[sflag:s14] =	ssyncadd.s32 $0xFFFFE000  }
0x5d: {  	[tilespmem:s17], [sflag:$0x1] =	stream.indirect.gather [hbm4b:s2+s16], $0x80, s25, s16, $0xb8;
	[tilespmem:$0x1CC00] =	vst v63  }
0x5e: {  	_ =	swait.ge [sflag:s21], $0x2000  }
0x5f: {  	[sflag:s21] =	ssyncset.done $0x0  }
0x60: {  	[sflag:s21] =	ssyncadd.s32 $0xFFFFE000  }
0x61: {  	[spmem:s3] =	stream.indirect.scatter.add.f32 [tilespmem:s19], [sflag:$0x3], $0x80, s28, s16, $0xb8;
	[tilespmem:$0x1CC00] =	vst v63  }
0x62: {  	_ =	swait.ge [sflag:s14], $0x2000  }
0x63: {  	[sflag:s14] =	ssyncset.done $0x0  }
0x64: {  	[sflag:s14] =	ssyncadd.s32 $0xFFFFE000  }
0x65: {  	[tilespmem:s19], [sflag:$0x2] =	stream.indirect.gather [hbm4b:s2+s16], $0x80, s25, s16, $0xb8;
	[tilespmem:$0x1CC00] =	vst v63  }
0x66: {  	_ =	swait.ge [sflag:s20], $0x2000  }
0x67: {  	[sflag:s20] =	ssyncset.done $0x0  }
0x68: {  	[sflag:s20] =	ssyncadd.s32 $0xFFFFE000  }
0x69: {  	_ =	swait.ge [sflag:s21], $0x2000  }
0x6a: {  	[sflag:s21] =	ssyncset.done $0x0  }
0x6b: {  	s0 =	simm.s32 $0x0;
	[sflag:s21] =	ssyncadd.s32 $0xFFFFE000  }
0x6c: {  	[tilespmem:s0], [sflag:$0x3] =	stream.linear.gather [hbm4b:s9+s0], $0x2800, $0x38;
	[tilespmem:$0x1CC00] =	vst v63  }
0x6d: {  	_ =	swait.ge [sflag:s14], $0x2800  }
0x6e: {  	[sflag:s14] =	ssyncset.done $0x0  }
0x6f: {  	[sflag:s14] =	ssyncadd.s32 $0xFFFFD800  }
0x70: {  	[tilespmem:s15], [sflag:$0x3] =	stream.linear.gather [hbm4b:s10+s0], $0x2800, $0x38;
	[tilespmem:$0x1CC00] =	vst v63  }
0x71: {  	_ =	swait.ge [sflag:s14], $0x2800  }
0x72: {  	[sflag:s14] =	ssyncset.done $0x0  }
0x73: {  	[sflag:s14] =	ssyncadd.s32 $0xFFFFD800  }
0x74: {  	[tilespmem:s17], [sflag:$0x1] =	stream.indirect.gather [hbm4b:s2+s16], $0x80, s0, s16, $0xb8;
	[tilespmem:$0x1CC00] =	vst v63  }
0x75: {  	_ = 	snop  }
0x76: {  	[tilespmem:s19], [sflag:$0x2] =	stream.indirect.gather [hbm4b:s2+s16], $0x80, s18, s16, $0xb8;
	[tilespmem:$0x1CC00] =	vst v63  }
0x77: {  	_ =	swait.ge [sflag:s20], $0x2000  }
0x78: {  	[sflag:s20] =	ssyncset.done $0x0  }
0x79: {  	s0 =	simm.s32 $0x2800;
	[sflag:s20] =	ssyncadd.s32 $0xFFFFE000  }
0x7a: {  	[spmem:s3] =	stream.indirect.scatter.add.f32 [tilespmem:s17], [sflag:$0x3], $0x80, s0, s16, $0xb8;
	[tilespmem:$0x1CC00] =	vst v63  }
0x7b: {  	_ =	swait.ge [sflag:s14], $0x2000  }
0x7c: {  	[sflag:s14] =	ssyncset.done $0x0  }
0x7d: {  	s0 =	simm.s32 $0x100;
	[sflag:s14] =	ssyncadd.s32 $0xFFFFE000  }
0x7e: {  	[tilespmem:s17], [sflag:$0x1] =	stream.indirect.gather [hbm4b:s2+s16], $0x80, s0, s16, $0xb8;
	[tilespmem:$0x1CC00] =	vst v63  }
0x7f: {  	_ =	swait.ge [sflag:s21], $0x2000  }
0x80: {  	[sflag:s21] =	ssyncset.done $0x0  }
0x81: {  	s0 =	simm.s32 $0x2880;
	[sflag:s21] =	ssyncadd.s32 $0xFFFFE000  }
0x82: {  	[spmem:s3] =	stream.indirect.scatter.add.f32 [tilespmem:s19], [sflag:$0x3], $0x80, s0, s16, $0xb8;
	[tilespmem:$0x1CC00] =	vst v63  }
0x83: {  	_ =	swait.ge [sflag:s14], $0x2000  }
0x84: {  	[sflag:s14] =	ssyncset.done $0x0  }
0x85: {  	s30 =	simm.s32 $0x400;
	s31 =	simm.s32 $0x180;
	[sflag:s14] =	ssyncadd.s32 $0xFFFFE000  }
.LBB2_4:
0x86: {  	[tilespmem:s19], [sflag:$0x2] =	stream.indirect.gather [hbm4b:s2+s16], $0x80, s31, s16, $0xb8;
	[tilespmem:$0x1CC00] =	vst v63  }
0x87: {  	s0 =	smov.u32 s30  }
0x88: {  	p0 =	sne.s32 s30, $0x9400;
	s30 =	sadd.s32 $0x400, s30;
	_ =	swait.ge [sflag:s20], $0x2000  }
0x89: {  	s0 =	sshra.s32 s0, $0x2;
	[sflag:s20] =	ssyncset.done $0x0  }
0x8a: {  	s31 =	sadd.s32 $0x2800, s0;
	[sflag:s20] =	ssyncadd.s32 $0xFFFFE000  }
0x8b: {  	[spmem:s3] =	stream.indirect.scatter.add.f32 [tilespmem:s17], [sflag:$0x3], $0x80, s31, s16, $0xb8;
	[tilespmem:$0x1CC00] =	vst v63  }
0x8c: {  	_ =	swait.ge [sflag:s14], $0x2000  }
0x8d: {  	[sflag:s14] =	ssyncset.done $0x0  }
0x8e: {  	s31 =	sadd.s32 $0x100, s0;
	[sflag:s14] =	ssyncadd.s32 $0xFFFFE000  }
0x8f: {  	[tilespmem:s17], [sflag:$0x1] =	stream.indirect.gather [hbm4b:s2+s16], $0x80, s31, s16, $0xb8;
	[tilespmem:$0x1CC00] =	vst v63  }
0x90: {  	_ =	swait.ge [sflag:s21], $0x2000  }
0x91: {  	[sflag:s21] =	ssyncset.done $0x0  }
.Ltmp1:
0x92: {  	s31 =	sadd.s32 $0x2880, s0;
	[sflag:s21] =	ssyncadd.s32 $0xFFFFE000;
	(pc) =	sbr.rel @p0 .LBB2_4-.Ltmp1, $4  }
0x93: {  	[spmem:s3] =	stream.indirect.scatter.add.f32 [tilespmem:s19], [sflag:$0x3], $0x80, s31, s16, $0xb8;
	[tilespmem:$0x1CC00] =	vst v63  }
0x94: {  	_ =	swait.ge [sflag:s14], $0x2000  }
0x95: {  	[sflag:s14] =	ssyncset.done $0x0  }
0x96: {  	s31 =	sadd.s32 $0x180, s0;
	[sflag:s14] =	ssyncadd.s32 $0xFFFFE000  }
0x97: {  	[tilespmem:s19], [sflag:$0x2] =	stream.indirect.gather [hbm4b:s2+s16], $0x80, s31, s16, $0xb8;
	[tilespmem:$0x1CC00] =	vst v63  }
0x98: {  	_ =	swait.ge [sflag:s20], $0x2000  }
0x99: {  	[sflag:s20] =	ssyncset.done $0x0  }
0x9a: {  	[sflag:s20] =	ssyncadd.s32 $0xFFFFE000  }
0x9b: {  	[spmem:s3] =	stream.indirect.scatter.add.f32 [tilespmem:s17], [sflag:$0x3], $0x80, s22, s16, $0xb8;
	[tilespmem:$0x1CC00] =	vst v63  }
0x9c: {  	_ =	swait.ge [sflag:s14], $0x2000  }
0x9d: {  	[sflag:s14] =	ssyncset.done $0x0  }
0x9e: {  	[sflag:s14] =	ssyncadd.s32 $0xFFFFE000  }
0x9f: {  	[tilespmem:s17], [sflag:$0x1] =	stream.indirect.gather [hbm4b:s2+s16], $0x80, s23, s16, $0xb8;
	[tilespmem:$0x1CC00] =	vst v63  }
0xa0: {  	_ =	swait.ge [sflag:s21], $0x2000  }
0xa1: {  	[sflag:s21] =	ssyncset.done $0x0  }
0xa2: {  	[sflag:s21] =	ssyncadd.s32 $0xFFFFE000  }
0xa3: {  	[spmem:s3] =	stream.indirect.scatter.add.f32 [tilespmem:s19], [sflag:$0x3], $0x80, s24, s16, $0xb8;
	[tilespmem:$0x1CC00] =	vst v63  }
0xa4: {  	_ =	swait.ge [sflag:s14], $0x2000  }
0xa5: {  	[sflag:s14] =	ssyncset.done $0x0  }
0xa6: {  	[sflag:s14] =	ssyncadd.s32 $0xFFFFE000  }
0xa7: {  	[tilespmem:s19], [sflag:$0x2] =	stream.indirect.gather [hbm4b:s2+s16], $0x80, s25, s16, $0xb8;
	[tilespmem:$0x1CC00] =	vst v63  }
0xa8: {  	_ =	swait.ge [sflag:s20], $0x2000  }
0xa9: {  	[sflag:s20] =	ssyncset.done $0x0  }
0xaa: {  	[sflag:s20] =	ssyncadd.s32 $0xFFFFE000  }
0xab: {  	[spmem:s3] =	stream.indirect.scatter.add.f32 [tilespmem:s17], [sflag:$0x3], $0x80, s26, s16, $0xb8;
	[tilespmem:$0x1CC00] =	vst v63  }
0xac: {  	_ =	swait.ge [sflag:s14], $0x2000  }
0xad: {  	[sflag:s14] =	ssyncset.done $0x0  }
0xae: {  	[sflag:s14] =	ssyncadd.s32 $0xFFFFE000  }
0xaf: {  	[tilespmem:s17], [sflag:$0x1] =	stream.indirect.gather [hbm4b:s2+s16], $0x80, s25, s16, $0xb8;
	[tilespmem:$0x1CC00] =	vst v63  }
0xb0: {  	_ =	swait.ge [sflag:s21], $0x2000  }
0xb1: {  	[sflag:s21] =	ssyncset.done $0x0  }
0xb2: {  	[sflag:s21] =	ssyncadd.s32 $0xFFFFE000  }
0xb3: {  	[spmem:s3] =	stream.indirect.scatter.add.f32 [tilespmem:s19], [sflag:$0x3], $0x80, s28, s16, $0xb8;
	[tilespmem:$0x1CC00] =	vst v63  }
0xb4: {  	_ =	swait.ge [sflag:s14], $0x2000  }
0xb5: {  	[sflag:s14] =	ssyncset.done $0x0  }
0xb6: {  	[sflag:s14] =	ssyncadd.s32 $0xFFFFE000  }
0xb7: {  	[tilespmem:s19], [sflag:$0x2] =	stream.indirect.gather [hbm4b:s2+s16], $0x80, s25, s16, $0xb8;
	[tilespmem:$0x1CC00] =	vst v63  }
0xb8: {  	_ =	swait.ge [sflag:s20], $0x2000  }
0xb9: {  	[sflag:s20] =	ssyncset.done $0x0  }
0xba: {  	[sflag:s20] =	ssyncadd.s32 $0xFFFFE000  }
0xbb: {  	_ =	swait.ge [sflag:s21], $0x2000  }
0xbc: {  	s29 =	sadd.s32 $0x1, s29;
	[sflag:s21] =	ssyncset.done $0x0  }
0xbd: {  	p0 =	sne.s32 s29, s12;
	[sflag:s21] =	ssyncadd.s32 $0xFFFFE000  }
.Ltmp2:
0xbe: {  	[bflag:$0x0] =	sbarrier.arrive $0xFFFF;
	(pc) =	sbr.rel @p0 .LBB2_1-.Ltmp2, $4  }
0xbf: {  	[hbm:s11], [sflag:s6] =	dma.local [spmem:s13], $0x2780  }
0xc0: {  	_ =	swait.ge [sflag:s14], $0x2780  }
0xc1: {  	[sflag:s14] =	ssyncset.done $0x0  }
0xc2: {  	[sflag:s14] =	ssyncadd.s32 $0xFFFFD880  }
0xc3: {  	_ =	sfence.sel $0x180000  }
0xc4: {  	[bflag:$0x0] =	sbarrier.arrive $0xFFFF  }
0xc5: {  	_ =	strace $0x9000004A  }
0xc6: {  	[bflag:$0x2] =	sbarrier.arrive $0xFFFF  }
0xc7: {  	p0 =	sne.s32 s1, $0x0;
	s0 =	rddreg [dreg:$0x3]  }
0xc8: {  	s0 =	sadd.s32 @!p0 $0x100000, s0  }
0xc9: {  	[sflag:s0] =	ssyncadd.tile.s32 @!p0 $0x1;
	_ =	shalt  }
.Lfunc_end2:
_tile_overlayer_lowered:
.L_overlay_start_2:
0xca: {  	(tag) =	ssettag $0x2  }
0xcb: {  	s0 =	rddreg [dreg:$0x0];
	s2 =	stileid.u32  }
0xcc: {  	s1 =	rddreg [dreg:$0x1];
	p0 =	sne.s32 s2, $0x0  }
0xcd: {  	s3 =	rddreg [dreg:$0x2];
	[bflag:$0x3] =	sbarrier.arrive $0xFFFF;
	s2 =	simm.s32 @!p0 $0x1C03  }
0xce: {  	[timem:s3], [sflag:s2] =	dma.local @!p0 [hbm:s0], s1  }
0xcf: {  	s0 =	simm.s32 @!p0 $0x3  }
0xd0: {  	_ =	swait.ge @!p0 [sflag:s0], s1  }
0xd1: {  	s1 =	ssub.s32 @!p0 $0x0, s1;
	[sflag:s0] =	ssyncset.done @!p0 $0x0  }
0xd2: {  	[sflag:s0] =	ssyncadd.s32 @!p0 s1  }
0xd3: {  	[bflag:$0x3] =	sbarrier.arrive $0xFFFF  }
0xd4: {  	_ =	shalt  }

// kernel: kernel.13.cloned.1.call-start
scs
__scs_entry_jumppad:
0x0: {  	(pc) =	sbr.rel $0x88, $3  }
0x1: {  	(tag) =	ssettag $0x0;
	lr =	simm.s32 $0x1  }
0x2: {  	[smem:$0x3F99] =	sst lr;
	_ =	strace $0xD0000000  }
0x3: {  	_ = 	snop  }
0x4: {  	_ = 	snop  }
0x5: {  	_ = 	snop  }
0x6: {  	_ = 	snop  }
0x7: {  	_ = 	snop  }
__scs_overlays_trampoline_lowered:
0x8: {  	[smem:$0x3FA8] =	sst s0  }
0x9: {  	[smem:$0x3FA9] =	sst s1  }
0xa: {  	[smem:$0x3FAA] =	sst s2  }
0xb: {  	[smem:$0x3FAB] =	sst s3  }
0xc: {  	[smem:$0x3FAC] =	sst s4  }
0xd: {  	[smem:$0x3FAD] =	sst s5  }
0xe: {  	[smem:$0x3FAE] =	sst s6  }
0xf: {  	[smem:$0x3FAF] =	sst s7  }
0x10: {  	[smem:$0x3FB0] =	sst s8  }
0x11: {  	[smem:$0x3FB1] =	sst s9;
	s0 =	simm.s32 @!p0 $0x0  }
0x12: {  	s1 =	sld [smem:$0x3F97];
	s0 =	simm.s32 @p0 $0x1  }
0x13: {  	[smem:$0x3FB2] =	sst s0;
	s0 =	simm.s32 @!p1 $0x0  }
0x14: {  	s2 =	sld [smem:$0x3F96];
	s0 =	simm.s32 @p1 $0x1  }
0x15: {  	[smem:$0x3FB3] =	sst s0;
	s0 =	simm.s32 @!p2 $0x0  }
0x16: {  	s3 =	sld [smem:$0x3FDB];
	s0 =	simm.s32 @p2 $0x1  }
0x17: {  	s4 =	simm.s32 $0x1BF5;
	[smem:$0x3FB5] =	sst s0  }
0x18: {  	s0 =	sld [smem:$0x3F98];
	_ =	swait.ge [sflag:s4], $0x0  }
0x19: {  	s7 =	sld [smem:$0x3F99]  }
0x1a: {  	s8 =	sadd.s32 $0xFFFFE003, lr  }
0x1b: {  	s9 =	sadd.s32 $0xFFFFFEF7, lr;
	s5 =	simm.s32 $0xFFFFFFFF;
	p2 =	slt.u32 s8, $0xFFFFF086  }
0x1c: {  	p1 =	slt.u32 s9, $0xF7A;
	s5 =	simm.s32 @!p2 $0x0  }
0x1d: {  	s5 =	simm.s32 @p1 $0x1;
	p0 =	seq.s32 s7, s2  }
0x1e: {  	s7 =	smul.u32 @!p0 $0xF7A, s2;
	p2 =	seq.s32 @!p0 s5, $0x0  }
0x1f: {  	s9 =	smul.u32 $0xF7A, s1;
	s8 =	simm.s32 @!p0 $0x1BF5;
	p2 =	por !p2, p0  }
0x20: {  	[sflag:s8] =	ssyncset.s32 @!p0 $0xFFFFF086;
	s6 =	sadd.s32 @!p0 s3, s7;
	s7 =	simm.s32 @!p0 $0x108  }
0x21: {  	s3 =	sadd.s32 s3, s9;
	s6 =	sadd.s32 @!p0 $0x88, s6;
	s7 =	simm.s32 @p2 $0x1082  }
0x22: {  	[simem:s7], [sflag:s8] =	dma.local @!p0 [hbm:s6], $0xF7A  }
0x23: {  	s9 =	sor.u32 $0xD0000000, s2;
	s6 =	simm.s32 $0x108;
	_ =	swait.ge @!p0 [sflag:s8], $0x0  }
0x24: {  	s3 =	sadd.s32 $0x88, s3;
	s6 =	simm.s32 @!p1 $0x1082;
	[sflag:s4] =	ssyncset.s32 $0xFFFFF086  }
0x25: {  	[simem:s6], [sflag:s4] =	dma.local [hbm:s3], $0xF7A  }
0x26: {  	[smem:$0x3F99] =	sst s1;
	(tag) =	ssettag s2;
	_ =	strace s9  }
0x27: {  	s1 =	sld [smem:$0x3FA9]  }
0x28: {  	s2 =	sld [smem:$0x3FAA]  }
0x29: {  	s4 =	sld [smem:$0x3FAC]  }
0x2a: {  	p0 =	seq.s32 s5, $0x0;
	s5 =	sld [smem:$0x3FAD]  }
0x2b: {  	s6 =	sld [smem:$0x3FAE]  }
0x2c: {  	s7 =	sld [smem:$0x3FAF]  }
0x2d: {  	s3 =	simm.s32 $0x108;
	s8 =	sld [smem:$0x3FB0]  }
0x2e: {  	s3 =	simm.s32 @!p0 $0x1082;
	s9 =	sld [smem:$0x3FB1]  }
0x2f: {  	lr =	sadd.s32 s0, s3;
	s0 =	sld [smem:$0x3FA8]  }
0x30: {  	s3 =	sld [smem:$0x3FAB]  }
0x31: {  	[smem:$0x3FB4] =	sst s10  }
0x32: {  	s10 =	sld [smem:$0x3FB2];
	_ =	sdelay $0x3  }
0x33: {  	p0 =	seq.s32 s10, $0x1;
	s10 =	sld [smem:$0x3FB4];
	_ =	sdelay $0x3  }
0x34: {  	[smem:$0x3FB4] =	sst s10  }
0x35: {  	s10 =	sld [smem:$0x3FB3];
	_ =	sdelay $0x3  }
0x36: {  	p1 =	seq.s32 s10, $0x1;
	s10 =	sld [smem:$0x3FB4];
	_ =	sdelay $0x3  }
0x37: {  	[smem:$0x3FB4] =	sst s10  }
0x38: {  	s10 =	sld [smem:$0x3FB5]  }
0x39: {  	_ = 	snop;
	(pc) =	sbr.ind lr, $3  }
0x3a: {  	_ = 	snop  }
0x3b: {  	_ = 	snop  }
0x3c: {  	p2 =	seq.s32 s10, $0x1;
	s10 =	sld [smem:$0x3FB4]  }
0x3d: {  	_ =	shalt  }
0x3e: {  	_ =	shalt  }
0x3f: {  	_ =	shalt  }
0x40: {  	_ =	shalt  }
0x41: {  	_ =	shalt  }
0x42: {  	_ =	shalt  }
0x43: {  	_ =	shalt  }
0x44: {  	_ =	shalt  }
0x45: {  	_ =	shalt  }
0x46: {  	_ =	shalt  }
0x47: {  	_ =	shalt  }
0x48: {  	_ =	shalt  }
0x49: {  	_ =	shalt  }
0x4a: {  	_ =	shalt  }
0x4b: {  	_ =	shalt  }
0x4c: {  	_ =	shalt  }
0x4d: {  	_ =	shalt  }
0x4e: {  	_ =	shalt  }
0x4f: {  	_ =	shalt  }
0x50: {  	_ =	shalt  }
0x51: {  	_ =	shalt  }
0x52: {  	_ =	shalt  }
0x53: {  	_ =	shalt  }
0x54: {  	_ =	shalt  }
0x55: {  	_ =	shalt  }
0x56: {  	_ =	shalt  }
0x57: {  	_ =	shalt  }
0x58: {  	_ =	shalt  }
0x59: {  	_ =	shalt  }
0x5a: {  	_ =	shalt  }
0x5b: {  	_ =	shalt  }
0x5c: {  	_ =	shalt  }
0x5d: {  	_ =	shalt  }
0x5e: {  	_ =	shalt  }
0x5f: {  	_ =	shalt  }
0x60: {  	_ =	shalt  }
0x61: {  	_ =	shalt  }
0x62: {  	_ =	shalt  }
0x63: {  	_ =	shalt  }
0x64: {  	_ =	shalt  }
0x65: {  	_ =	shalt  }
0x66: {  	_ =	shalt  }
0x67: {  	_ =	shalt  }
0x68: {  	_ =	shalt  }
0x69: {  	_ =	shalt  }
0x6a: {  	_ =	shalt  }
0x6b: {  	_ =	shalt  }
0x6c: {  	_ =	shalt  }
0x6d: {  	_ =	shalt  }
0x6e: {  	_ =	shalt  }
0x6f: {  	_ =	shalt  }
0x70: {  	_ =	shalt  }
0x71: {  	_ =	shalt  }
0x72: {  	_ =	shalt  }
0x73: {  	_ =	shalt  }
0x74: {  	_ =	shalt  }
0x75: {  	_ =	shalt  }
0x76: {  	_ =	shalt  }
0x77: {  	_ =	shalt  }
0x78: {  	_ =	shalt  }
0x79: {  	_ =	shalt  }
0x7a: {  	_ =	shalt  }
0x7b: {  	_ =	shalt  }
0x7c: {  	_ =	shalt  }
0x7d: {  	_ =	shalt  }
0x7e: {  	_ =	shalt  }
0x7f: {  	_ =	shalt  }
0x80: {  	_ =	shalt  }
0x81: {  	_ =	shalt  }
0x82: {  	_ =	shalt  }
0x83: {  	_ =	shalt  }
0x84: {  	_ =	shalt  }
0x85: {  	_ =	shalt  }
0x86: {  	_ =	shalt  }
0x87: {  	_ =	shalt  }
.Lfunc_end0:
.L_simem_size_0:
called_computation.2_lowered:
.L_overlay_start_0:
0x88: {  	s2 =	sld [smem:$0x3FD9]  }
0x89: {  	s3 =	sld [smem:$0x3FFE];
	_ =	sdelay $0x1  }
0x8a: {  	s1 =	srdreg.scid  }
0x8b: {  	s0 =	sand.u32 $0x1, s1  }
0x8c: {  	s17 =	sshll.u32 s0, $0xA;
	s2 =	sadd.s32 s3, s2  }
0x8d: {  	s2 =	sadd.s32 s2, s17  }
0x8e: {  	[smem:$0x3FC0] =	sst s2  }
0x8f: {  	_ = 	snop  }
0x90: {  	s2 =	sld [smem:$0x3FD0];
	(tm) =	ssettm $0x1  }
0x91: {  	s18 =	sld [smem:$0x3FFB];
	_ =	sdelay $0x3  }
0x92: {  	_ =	strace s18  }
0x93: {  	s3 =	sld [smem:$0x3FFC];
	_ =	sdelay $0x3  }
0x94: {  	_ =	strace s3  }
0x95: {  	s3 =	sld [smem:$0x3FFD];
	_ =	sdelay $0x3  }
0x96: {  	_ =	strace s3  }
0x97: {  	_ =	strace $0x8FFFFFFF  }
0x98: {  	s19 =	sld [smem:$0x3FDB];
	_ =	sdelay $0x1  }
0x99: {  	s4 =	simm.s32 $_scs_section_size  }
0x9a: {  	s5 =	simm.s32 $_size__tile_overlayer_lowered;
	s6 =	simm.s32 $_tile_overlayer_lowered  }
0x9b: {  	s22 =	simm.s32 $0x1BFF;
	s21 =	sshll.u32 s6, $0x1;
	s3 =	sadd.s32 s4, s19  }
0x9c: {  	s7 =	simm.s32 $0x0;
	s20 =	sshll.u32 s5, $0x1;
	s5 =	sadd.s32 s21, s3  }
0x9d: {  	[timem:s7], [sflag:s22] =	dma.local [hbm:s5], s20  }
0x9e: {  	_ =	swait.ge [sflag:s22], s20  }
0x9f: {  	s4 =	ssub.s32 $0x0, s20;
	[sflag:s22] =	ssyncset.done $0x0  }
0xa0: {  	[sflag:s22] =	ssyncadd.s32 s4;
	_ =	sdelay $0x1  }
0xa1: {  	s23 =	simm.s32 $0x1B8B  }
0xa2: {  	_ =	swait.ge [sflag:s23], $0x1  }
0xa3: {  	[sflag:s23] =	ssyncset.done $0x0  }
0xa4: {  	s25 =	simm.s32 $0x1B8E;
	s24 =	sld [smem:$0x3FFE];
	[sflag:s23] =	ssyncadd.s32 $0xFFFFFFFF  }
0xa5: {  	s26 =	simm.s32 $execute0_lowered;
	[smem:$0x3FD2] =	sst s25  }
0xa6: {  	s5 =	sshll.u32 s26, $0x1;
	_ =	strace $0x8000004C;
	[dreg:$0x1] =	wrdreg $0xFFFFFFFF  }
0xa7: {  	s28 =	simm.s32 $_size_execute0_lowered;
	s3 =	sadd.s32 s3, s5;
	[dreg:$0x0] =	wrdreg $0x0  }
0xa8: {  	s5 =	sshll.u32 s28, $0x1;
	[dreg:$0x2] =	wrdreg s3  }
0xa9: {  	[dreg:$0x3] =	wrdreg s5  }
0xaa: {  	[dreg:$0x4] =	wrdreg $0xC0  }
0xab: {  	_ =	task [dreg:s7], $0x5FFFF  }
0xac: {  	[dreg:$0x1] =	wrdreg $0xFFFFFFFF  }
0xad: {  	[dreg:$0x0] =	wrdreg $0x60  }
0xae: {  	[dreg:$0x2] =	wrdreg s2  }
0xaf: {  	[dreg:$0x3] =	wrdreg s24  }
0xb0: {  	[dreg:$0x4] =	wrdreg $0x90000  }
0xb1: {  	[dreg:$0x5] =	wrdreg $0x9  }
0xb2: {  	_ =	task.clear_ibuf [dreg:s7], $0x6FFFF;
	_ =	strace $0x9000004C  }
0xb3: {  	s29 =	simm.s32 $0x9;
	_ =	strace $0x8000004E  }
0xb4: {  	_ =	swait.ge [sflag:s29], $0x1  }
0xb5: {  	[sflag:s29] =	ssyncadd.s32 $0xFFFFFFFF  }
0xb6: {  	_ =	strace $0x9000004E  }
0xb7: {  	_ =	sfence  }
0xb8: {  	s30 =	sld [smem:$0x0];
	_ =	sdelay $0x2  }
0xb9: {  	s31 =	sshll.u32 s1, $0xD;
	s1 =	sshrl.u32 s1, $0x2  }
0xba: {  	s3 =	sand.u32 $0x4000, s31;
	s1 =	sadd.s32 s1, s30  }
0xbb: {  	s0 =	sor.u32 s3, s0;
	s1 =	sshll.u32 s1, $0x11  }
0xbc: {  	s0 =	sor.u32 s1, s0  }
0xbd: {  	s0 =	sadd.s32 $0x8F2B, s0  }
0xbe: {  	[sflag:s0] =	ssyncadd.remote.s32 $0x1  }
0xbf: {  	_ =	sfence.sel $0xFFFF  }
0xc0: {  	[dreg:$0x0] =	wrdreg $0xFFFFFFFF;
	(pc) =	sbr.abs _section_cstart, $3  }
0xc1: {  	[dreg:$0x1] =	wrdreg $0xFFFFFFFF  }
0xc2: {  	_ =	task.clear_ibuf [dreg:s7], $0x2FFFF;
	_ =	strace $0x9FFFFFFF  }
0xc3: {  	(tm) =	ssettm $0x7FFFFFFF  }
tec
execute0_lowered:
.L_overlay_start_1:
0x0: {  	(tag) =	ssettag $0x1  }
0x1: {  	s2 =	rddreg [dreg:$0x0]  }
0x2: {  	s5 =	rddreg [dreg:$0x1]  }
0x3: {  	s3 =	rddreg [dreg:$0x2]  }
0x4: {  	s1 =	stileid.u32;
	s4 =	simm.s32 $0x0;
	s7 =	srdreg.scid  }
0x5: {  	s16 =	simm.s32 $0x40;
	s17 =	simm.s32 $0x5000;
	s18 =	simm.s32 $0x80  }
0x6: {  	s19 =	simm.s32 $0x7000;
	s20 =	simm.s32 $0x1;
	s21 =	simm.s32 $0x2  }
0x7: {  	s22 =	simm.s32 $0x4E00;
	s23 =	simm.s32 $0x2700;
	s24 =	simm.s32 $0x4E80  }
0x8: {  	s25 =	simm.s32 $0x2780;
	s28 =	simm.s32 $0x4F80;
	s29 =	simm.s32 $0x0  }
0x9: {  	s6 =	smul.u32 $0x13C00, s1;
	[smem:$0x7FF] =	sst s4;
	s7 =	sand.u32 $0x1, s7  }
0xa: {  	s10 =	sadd.s32 $0x8C800, s5;
	s11 =	sadd.s32 $0x2000, s5;
	s26 =	smul.u32 $0x4F000, s1  }
0xb: {  	s30 =	sshll.u32 s1, $0x6;
	_ =	strace $0x8000004D;
	s9 =	smul.u32 $0x13C000, s7  }
0xc: {  	s12 =	sshll.u32 s7, $0x4;
	s7 =	ssub.s32 $0x2, s7;
	s8 =	sshrl.u32 s6, $0x3  }
0xd: {  	s12 =	sor.u32 s1, s12;
	s13 =	sshrl.u32 s7, $0x1;
	s8 =	sadd.s32 s8, s5  }
0xe: {  	s6 =	sadd.s32 s6, s9;
	s9 =	sshrl.u32 s26, $0x2;
	s12 =	smul.u32 $0x5000, s12  }
0xf: {  	s13 =	ssub.s32 s7, s13;
	s26 =	simm.s32 $0x4F00;
	s6 =	sshrl.u32 s6, $0x3  }
0x10: {  	s15 =	sadd.s32 s9, s3;
	s14 =	sadd.s32 s6, s5;
	s31 =	sshrl.u32 s12, $0x3  }
0x11: {  	s5 =	sadd.s32 $0x16000, s8;
	s6 =	sor.u32 $0x1C03, s30;
	s12 =	sadd.s32 $0x500, s31  }
0x12: {  	s7 =	sadd.s32 s10, s31;
	s8 =	sadd.s32 s11, s31;
	s9 =	sadd.s32 s10, s12  }
0x13: {  	s10 =	sadd.s32 s11, s12;
	s11 =	sadd.s32 $0xA0800, s14;
	s12 =	smax.u32 s13, $0x1  }
0x14: {  	s13 =	sshrl.u32 s15, $0x3;
	s14 =	simm.s32 $0x3;
	s15 =	simm.s32 $0x2800  }
.LBB2_1:
0x15: {  	[spmem:s13], [sflag:s6] =	dma.local [hbm:s5], $0x2780  }
0x16: {  	_ =	swait.ge [sflag:s14], $0x2780  }
0x17: {  	[sflag:s14] =	ssyncset.done $0x0  }
0x18: {  	[sflag:s14] =	ssyncadd.s32 $0xFFFFD880  }
0x19: {  	[bflag:$0x0] =	sbarrier.arrive $0xFFFF  }
0x1a: {  	[tilespmem:s4], [sflag:$0x3] =	stream.linear.gather [hbm4b:s7+s4], $0x2800, $0x38;
	[tilespmem:$0x1CC00] =	vst v63  }
0x1b: {  	_ =	swait.ge [sflag:s14], $0x2800  }
0x1c: {  	[sflag:s14] =	ssyncset.done $0x0  }
0x1d: {  	[sflag:s14] =	ssyncadd.s32 $0xFFFFD800  }
0x1e: {  	[tilespmem:s15], [sflag:$0x3] =	stream.linear.gather [hbm4b:s8+s4], $0x2800, $0x38;
	[tilespmem:$0x1CC00] =	vst v63  }
0x1f: {  	_ =	swait.ge [sflag:s14], $0x2800  }
0x20: {  	[sflag:s14] =	ssyncset.done $0x0  }
0x21: {  	[sflag:s14] =	ssyncadd.s32 $0xFFFFD800  }
0x22: {  	[tilespmem:s17], [sflag:$0x1] =	stream.indirect.gather [hbm4b:s2+s16], $0x80, s4, s16, $0xb8;
	[tilespmem:$0x1CC00] =	vst v63  }
0x23: {  	_ = 	snop  }
0x24: {  	[tilespmem:s19], [sflag:$0x2] =	stream.indirect.gather [hbm4b:s2+s16], $0x80, s18, s16, $0xb8;
	[tilespmem:$0x1CC00] =	vst v63  }
0x25: {  	_ =	swait.ge [sflag:s20], $0x2000  }
0x26: {  	[sflag:s20] =	ssyncset.done $0x0  }
0x27: {  	s30 =	simm.s32 $0x2800;
	[sflag:s20] =	ssyncadd.s32 $0xFFFFE000  }
0x28: {  	[spmem:s3] =	stream.indirect.scatter.add.f32 [tilespmem:s17], [sflag:$0x3], $0x80, s30, s16, $0xb8;
	[tilespmem:$0x1CC00] =	vst v63  }
0x29: {  	_ =	swait.ge [sflag:s14], $0x2000  }
0x2a: {  	[sflag:s14] =	ssyncset.done $0x0  }
0x2b: {  	s30 =	simm.s32 $0x100;
	[sflag:s14] =	ssyncadd.s32 $0xFFFFE000  }
0x2c: {  	[tilespmem:s17], [sflag:$0x1] =	stream.indirect.gather [hbm4b:s2+s16], $0x80, s30, s16, $0xb8;
	[tilespmem:$0x1CC00] =	vst v63  }
0x2d: {  	_ =	swait.ge [sflag:s21], $0x2000  }
0x2e: {  	[sflag:s21] =	ssyncset.done $0x0  }
0x2f: {  	s30 =	simm.s32 $0x2880;
	[sflag:s21] =	ssyncadd.s32 $0xFFFFE000  }
0x30: {  	[spmem:s3] =	stream.indirect.scatter.add.f32 [tilespmem:s19], [sflag:$0x3], $0x80, s30, s16, $0xb8;
	[tilespmem:$0x1CC00] =	vst v63  }
0x31: {  	_ =	swait.ge [sflag:s14], $0x2000  }
0x32: {  	[sflag:s14] =	ssyncset.done $0x0  }
0x33: {  	s31 =	simm.s32 $0x180;
	s30 =	simm.s32 $0x400;
	[sflag:s14] =	ssyncadd.s32 $0xFFFFE000  }
.LBB2_2:
0x34: {  	[tilespmem:s19], [sflag:$0x2] =	stream.indirect.gather [hbm4b:s2+s16], $0x80, s31, s16, $0xb8;
	[tilespmem:$0x1CC00] =	vst v63  }
0x35: {  	s31 =	smov.u32 s30  }
0x36: {  	p0 =	sne.s32 s30, $0x9400;
	s30 =	sadd.s32 $0x400, s30;
	_ =	swait.ge [sflag:s20], $0x2000  }
0x37: {  	s31 =	sshra.s32 s31, $0x2;
	[sflag:s20] =	ssyncset.done $0x0  }
0x38: {  	s0 =	sadd.s32 $0x2800, s31;
	[sflag:s20] =	ssyncadd.s32 $0xFFFFE000  }
0x39: {  	[spmem:s3] =	stream.indirect.scatter.add.f32 [tilespmem:s17], [sflag:$0x3], $0x80, s0, s16, $0xb8;
	[tilespmem:$0x1CC00] =	vst v63  }
0x3a: {  	_ =	swait.ge [sflag:s14], $0x2000  }
0x3b: {  	[sflag:s14] =	ssyncset.done $0x0  }
0x3c: {  	s0 =	sadd.s32 $0x100, s31;
	[sflag:s14] =	ssyncadd.s32 $0xFFFFE000  }
0x3d: {  	[tilespmem:s17], [sflag:$0x1] =	stream.indirect.gather [hbm4b:s2+s16], $0x80, s0, s16, $0xb8;
	[tilespmem:$0x1CC00] =	vst v63  }
0x3e: {  	_ =	swait.ge [sflag:s21], $0x2000  }
0x3f: {  	[sflag:s21] =	ssyncset.done $0x0  }
.Ltmp0:
0x40: {  	s0 =	sadd.s32 $0x2880, s31;
	[sflag:s21] =	ssyncadd.s32 $0xFFFFE000;
	(pc) =	sbr.rel @p0 .LBB2_2-.Ltmp0, $4  }
0x41: {  	[spmem:s3] =	stream.indirect.scatter.add.f32 [tilespmem:s19], [sflag:$0x3], $0x80, s0, s16, $0xb8;
	[tilespmem:$0x1CC00] =	vst v63  }
0x42: {  	_ =	swait.ge [sflag:s14], $0x2000  }
0x43: {  	[sflag:s14] =	ssyncset.done $0x0  }
0x44: {  	s31 =	sadd.s32 $0x180, s31;
	[sflag:s14] =	ssyncadd.s32 $0xFFFFE000  }
0x45: {  	[tilespmem:s19], [sflag:$0x2] =	stream.indirect.gather [hbm4b:s2+s16], $0x80, s31, s16, $0xb8;
	[tilespmem:$0x1CC00] =	vst v63  }
0x46: {  	_ =	swait.ge [sflag:s20], $0x2000  }
0x47: {  	[sflag:s20] =	ssyncset.done $0x0  }
0x48: {  	[sflag:s20] =	ssyncadd.s32 $0xFFFFE000  }
0x49: {  	[spmem:s3] =	stream.indirect.scatter.add.f32 [tilespmem:s17], [sflag:$0x3], $0x80, s22, s16, $0xb8;
	[tilespmem:$0x1CC00] =	vst v63  }
0x4a: {  	_ =	swait.ge [sflag:s14], $0x2000  }
0x4b: {  	[sflag:s14] =	ssyncset.done $0x0  }
0x4c: {  	[sflag:s14] =	ssyncadd.s32 $0xFFFFE000  }
0x4d: {  	[tilespmem:s17], [sflag:$0x1] =	stream.indirect.gather [hbm4b:s2+s16], $0x80, s23, s16, $0xb8;
	[tilespmem:$0x1CC00] =	vst v63  }
0x4e: {  	_ =	swait.ge [sflag:s21], $0x2000  }
0x4f: {  	[sflag:s21] =	ssyncset.done $0x0  }
0x50: {  	[sflag:s21] =	ssyncadd.s32 $0xFFFFE000  }
0x51: {  	[spmem:s3] =	stream.indirect.scatter.add.f32 [tilespmem:s19], [sflag:$0x3], $0x80, s24, s16, $0xb8;
	[tilespmem:$0x1CC00] =	vst v63  }
0x52: {  	_ =	swait.ge [sflag:s14], $0x2000  }
0x53: {  	[sflag:s14] =	ssyncset.done $0x0  }
0x54: {  	[sflag:s14] =	ssyncadd.s32 $0xFFFFE000  }
0x55: {  	[tilespmem:s19], [sflag:$0x2] =	stream.indirect.gather [hbm4b:s2+s16], $0x80, s25, s16, $0xb8;
	[tilespmem:$0x1CC00] =	vst v63  }
0x56: {  	_ =	swait.ge [sflag:s20], $0x2000  }
0x57: {  	[sflag:s20] =	ssyncset.done $0x0  }
0x58: {  	[sflag:s20] =	ssyncadd.s32 $0xFFFFE000  }
0x59: {  	[spmem:s3] =	stream.indirect.scatter.add.f32 [tilespmem:s17], [sflag:$0x3], $0x80, s26, s16, $0xb8;
	[tilespmem:$0x1CC00] =	vst v63  }
0x5a: {  	_ =	swait.ge [sflag:s14], $0x2000  }
0x5b: {  	[sflag:s14] =	ssyncset.done $0x0  }
0x5c: {  	[sflag:s14] =	ssyncadd.s32 $0xFFFFE000  }
0x5d: {  	[tilespmem:s17], [sflag:$0x1] =	stream.indirect.gather [hbm4b:s2+s16], $0x80, s25, s16, $0xb8;
	[tilespmem:$0x1CC00] =	vst v63  }
0x5e: {  	_ =	swait.ge [sflag:s21], $0x2000  }
0x5f: {  	[sflag:s21] =	ssyncset.done $0x0  }
0x60: {  	[sflag:s21] =	ssyncadd.s32 $0xFFFFE000  }
0x61: {  	[spmem:s3] =	stream.indirect.scatter.add.f32 [tilespmem:s19], [sflag:$0x3], $0x80, s28, s16, $0xb8;
	[tilespmem:$0x1CC00] =	vst v63  }
0x62: {  	_ =	swait.ge [sflag:s14], $0x2000  }
0x63: {  	[sflag:s14] =	ssyncset.done $0x0  }
0x64: {  	[sflag:s14] =	ssyncadd.s32 $0xFFFFE000  }
0x65: {  	[tilespmem:s19], [sflag:$0x2] =	stream.indirect.gather [hbm4b:s2+s16], $0x80, s25, s16, $0xb8;
	[tilespmem:$0x1CC00] =	vst v63  }
0x66: {  	_ =	swait.ge [sflag:s20], $0x2000  }
0x67: {  	[sflag:s20] =	ssyncset.done $0x0  }
0x68: {  	[sflag:s20] =	ssyncadd.s32 $0xFFFFE000  }
0x69: {  	_ =	swait.ge [sflag:s21], $0x2000  }
0x6a: {  	[sflag:s21] =	ssyncset.done $0x0  }
0x6b: {  	s0 =	simm.s32 $0x0;
	[sflag:s21] =	ssyncadd.s32 $0xFFFFE000  }
0x6c: {  	[tilespmem:s0], [sflag:$0x3] =	stream.linear.gather [hbm4b:s9+s0], $0x2800, $0x38;
	[tilespmem:$0x1CC00] =	vst v63  }
0x6d: {  	_ =	swait.ge [sflag:s14], $0x2800  }
0x6e: {  	[sflag:s14] =	ssyncset.done $0x0  }
0x6f: {  	[sflag:s14] =	ssyncadd.s32 $0xFFFFD800  }
0x70: {  	[tilespmem:s15], [sflag:$0x3] =	stream.linear.gather [hbm4b:s10+s0], $0x2800, $0x38;
	[tilespmem:$0x1CC00] =	vst v63  }
0x71: {  	_ =	swait.ge [sflag:s14], $0x2800  }
0x72: {  	[sflag:s14] =	ssyncset.done $0x0  }
0x73: {  	[sflag:s14] =	ssyncadd.s32 $0xFFFFD800  }
0x74: {  	[tilespmem:s17], [sflag:$0x1] =	stream.indirect.gather [hbm4b:s2+s16], $0x80, s0, s16, $0xb8;
	[tilespmem:$0x1CC00] =	vst v63  }
0x75: {  	_ = 	snop  }
0x76: {  	[tilespmem:s19], [sflag:$0x2] =	stream.indirect.gather [hbm4b:s2+s16], $0x80, s18, s16, $0xb8;
	[tilespmem:$0x1CC00] =	vst v63  }
0x77: {  	_ =	swait.ge [sflag:s20], $0x2000  }
0x78: {  	[sflag:s20] =	ssyncset.done $0x0  }
0x79: {  	s0 =	simm.s32 $0x2800;
	[sflag:s20] =	ssyncadd.s32 $0xFFFFE000  }
0x7a: {  	[spmem:s3] =	stream.indirect.scatter.add.f32 [tilespmem:s17], [sflag:$0x3], $0x80, s0, s16, $0xb8;
	[tilespmem:$0x1CC00] =	vst v63  }
0x7b: {  	_ =	swait.ge [sflag:s14], $0x2000  }
0x7c: {  	[sflag:s14] =	ssyncset.done $0x0  }
0x7d: {  	s0 =	simm.s32 $0x100;
	[sflag:s14] =	ssyncadd.s32 $0xFFFFE000  }
0x7e: {  	[tilespmem:s17], [sflag:$0x1] =	stream.indirect.gather [hbm4b:s2+s16], $0x80, s0, s16, $0xb8;
	[tilespmem:$0x1CC00] =	vst v63  }
0x7f: {  	_ =	swait.ge [sflag:s21], $0x2000  }
0x80: {  	[sflag:s21] =	ssyncset.done $0x0  }
0x81: {  	s0 =	simm.s32 $0x2880;
	[sflag:s21] =	ssyncadd.s32 $0xFFFFE000  }
0x82: {  	[spmem:s3] =	stream.indirect.scatter.add.f32 [tilespmem:s19], [sflag:$0x3], $0x80, s0, s16, $0xb8;
	[tilespmem:$0x1CC00] =	vst v63  }
0x83: {  	_ =	swait.ge [sflag:s14], $0x2000  }
0x84: {  	[sflag:s14] =	ssyncset.done $0x0  }
0x85: {  	s30 =	simm.s32 $0x400;
	s31 =	simm.s32 $0x180;
	[sflag:s14] =	ssyncadd.s32 $0xFFFFE000  }
.LBB2_4:
0x86: {  	[tilespmem:s19], [sflag:$0x2] =	stream.indirect.gather [hbm4b:s2+s16], $0x80, s31, s16, $0xb8;
	[tilespmem:$0x1CC00] =	vst v63  }
0x87: {  	s0 =	smov.u32 s30  }
0x88: {  	p0 =	sne.s32 s30, $0x9400;
	s30 =	sadd.s32 $0x400, s30;
	_ =	swait.ge [sflag:s20], $0x2000  }
0x89: {  	s0 =	sshra.s32 s0, $0x2;
	[sflag:s20] =	ssyncset.done $0x0  }
0x8a: {  	s31 =	sadd.s32 $0x2800, s0;
	[sflag:s20] =	ssyncadd.s32 $0xFFFFE000  }
0x8b: {  	[spmem:s3] =	stream.indirect.scatter.add.f32 [tilespmem:s17], [sflag:$0x3], $0x80, s31, s16, $0xb8;
	[tilespmem:$0x1CC00] =	vst v63  }
0x8c: {  	_ =	swait.ge [sflag:s14], $0x2000  }
0x8d: {  	[sflag:s14] =	ssyncset.done $0x0  }
0x8e: {  	s31 =	sadd.s32 $0x100, s0;
	[sflag:s14] =	ssyncadd.s32 $0xFFFFE000  }
0x8f: {  	[tilespmem:s17], [sflag:$0x1] =	stream.indirect.gather [hbm4b:s2+s16], $0x80, s31, s16, $0xb8;
	[tilespmem:$0x1CC00] =	vst v63  }
0x90: {  	_ =	swait.ge [sflag:s21], $0x2000  }
0x91: {  	[sflag:s21] =	ssyncset.done $0x0  }
.Ltmp1:
0x92: {  	s31 =	sadd.s32 $0x2880, s0;
	[sflag:s21] =	ssyncadd.s32 $0xFFFFE000;
	(pc) =	sbr.rel @p0 .LBB2_4-.Ltmp1, $4  }
0x93: {  	[spmem:s3] =	stream.indirect.scatter.add.f32 [tilespmem:s19], [sflag:$0x3], $0x80, s31, s16, $0xb8;
	[tilespmem:$0x1CC00] =	vst v63  }
0x94: {  	_ =	swait.ge [sflag:s14], $0x2000  }
0x95: {  	[sflag:s14] =	ssyncset.done $0x0  }
0x96: {  	s31 =	sadd.s32 $0x180, s0;
	[sflag:s14] =	ssyncadd.s32 $0xFFFFE000  }
0x97: {  	[tilespmem:s19], [sflag:$0x2] =	stream.indirect.gather [hbm4b:s2+s16], $0x80, s31, s16, $0xb8;
	[tilespmem:$0x1CC00] =	vst v63  }
0x98: {  	_ =	swait.ge [sflag:s20], $0x2000  }
0x99: {  	[sflag:s20] =	ssyncset.done $0x0  }
0x9a: {  	[sflag:s20] =	ssyncadd.s32 $0xFFFFE000  }
0x9b: {  	[spmem:s3] =	stream.indirect.scatter.add.f32 [tilespmem:s17], [sflag:$0x3], $0x80, s22, s16, $0xb8;
	[tilespmem:$0x1CC00] =	vst v63  }
0x9c: {  	_ =	swait.ge [sflag:s14], $0x2000  }
0x9d: {  	[sflag:s14] =	ssyncset.done $0x0  }
0x9e: {  	[sflag:s14] =	ssyncadd.s32 $0xFFFFE000  }
0x9f: {  	[tilespmem:s17], [sflag:$0x1] =	stream.indirect.gather [hbm4b:s2+s16], $0x80, s23, s16, $0xb8;
	[tilespmem:$0x1CC00] =	vst v63  }
0xa0: {  	_ =	swait.ge [sflag:s21], $0x2000  }
0xa1: {  	[sflag:s21] =	ssyncset.done $0x0  }
0xa2: {  	[sflag:s21] =	ssyncadd.s32 $0xFFFFE000  }
0xa3: {  	[spmem:s3] =	stream.indirect.scatter.add.f32 [tilespmem:s19], [sflag:$0x3], $0x80, s24, s16, $0xb8;
	[tilespmem:$0x1CC00] =	vst v63  }
0xa4: {  	_ =	swait.ge [sflag:s14], $0x2000  }
0xa5: {  	[sflag:s14] =	ssyncset.done $0x0  }
0xa6: {  	[sflag:s14] =	ssyncadd.s32 $0xFFFFE000  }
0xa7: {  	[tilespmem:s19], [sflag:$0x2] =	stream.indirect.gather [hbm4b:s2+s16], $0x80, s25, s16, $0xb8;
	[tilespmem:$0x1CC00] =	vst v63  }
0xa8: {  	_ =	swait.ge [sflag:s20], $0x2000  }
0xa9: {  	[sflag:s20] =	ssyncset.done $0x0  }
0xaa: {  	[sflag:s20] =	ssyncadd.s32 $0xFFFFE000  }
0xab: {  	[spmem:s3] =	stream.indirect.scatter.add.f32 [tilespmem:s17], [sflag:$0x3], $0x80, s26, s16, $0xb8;
	[tilespmem:$0x1CC00] =	vst v63  }
0xac: {  	_ =	swait.ge [sflag:s14], $0x2000  }
0xad: {  	[sflag:s14] =	ssyncset.done $0x0  }
0xae: {  	[sflag:s14] =	ssyncadd.s32 $0xFFFFE000  }
0xaf: {  	[tilespmem:s17], [sflag:$0x1] =	stream.indirect.gather [hbm4b:s2+s16], $0x80, s25, s16, $0xb8;
	[tilespmem:$0x1CC00] =	vst v63  }
0xb0: {  	_ =	swait.ge [sflag:s21], $0x2000  }
0xb1: {  	[sflag:s21] =	ssyncset.done $0x0  }
0xb2: {  	[sflag:s21] =	ssyncadd.s32 $0xFFFFE000  }
0xb3: {  	[spmem:s3] =	stream.indirect.scatter.add.f32 [tilespmem:s19], [sflag:$0x3], $0x80, s28, s16, $0xb8;
	[tilespmem:$0x1CC00] =	vst v63  }
0xb4: {  	_ =	swait.ge [sflag:s14], $0x2000  }
0xb5: {  	[sflag:s14] =	ssyncset.done $0x0  }
0xb6: {  	[sflag:s14] =	ssyncadd.s32 $0xFFFFE000  }
0xb7: {  	[tilespmem:s19], [sflag:$0x2] =	stream.indirect.gather [hbm4b:s2+s16], $0x80, s25, s16, $0xb8;
	[tilespmem:$0x1CC00] =	vst v63  }
0xb8: {  	_ =	swait.ge [sflag:s20], $0x2000  }
0xb9: {  	[sflag:s20] =	ssyncset.done $0x0  }
0xba: {  	[sflag:s20] =	ssyncadd.s32 $0xFFFFE000  }
0xbb: {  	_ =	swait.ge [sflag:s21], $0x2000  }
0xbc: {  	s29 =	sadd.s32 $0x1, s29;
	[sflag:s21] =	ssyncset.done $0x0  }
0xbd: {  	p0 =	sne.s32 s29, s12;
	[sflag:s21] =	ssyncadd.s32 $0xFFFFE000  }
.Ltmp2:
0xbe: {  	[bflag:$0x0] =	sbarrier.arrive $0xFFFF;
	(pc) =	sbr.rel @p0 .LBB2_1-.Ltmp2, $4  }
0xbf: {  	[hbm:s11], [sflag:s6] =	dma.local [spmem:s13], $0x2780  }
0xc0: {  	_ =	swait.ge [sflag:s14], $0x2780  }
0xc1: {  	[sflag:s14] =	ssyncset.done $0x0  }
0xc2: {  	[sflag:s14] =	ssyncadd.s32 $0xFFFFD880  }
0xc3: {  	_ =	sfence.sel $0x180000  }
0xc4: {  	[bflag:$0x0] =	sbarrier.arrive $0xFFFF  }
0xc5: {  	_ =	strace $0x9000004D  }
0xc6: {  	[bflag:$0x2] =	sbarrier.arrive $0xFFFF  }
0xc7: {  	p0 =	sne.s32 s1, $0x0;
	s0 =	rddreg [dreg:$0x3]  }
0xc8: {  	s0 =	sadd.s32 @!p0 $0x100000, s0  }
0xc9: {  	[sflag:s0] =	ssyncadd.tile.s32 @!p0 $0x1;
	_ =	shalt  }
.Lfunc_end2:
_tile_overlayer_lowered:
.L_overlay_start_2:
0xca: {  	(tag) =	ssettag $0x2  }
0xcb: {  	s0 =	rddreg [dreg:$0x0];
	s2 =	stileid.u32  }
0xcc: {  	s1 =	rddreg [dreg:$0x1];
	p0 =	sne.s32 s2, $0x0  }
0xcd: {  	s3 =	rddreg [dreg:$0x2];
	[bflag:$0x3] =	sbarrier.arrive $0xFFFF;
	s2 =	simm.s32 @!p0 $0x1C03  }
0xce: {  	[timem:s3], [sflag:s2] =	dma.local @!p0 [hbm:s0], s1  }
0xcf: {  	s0 =	simm.s32 @!p0 $0x3  }
0xd0: {  	_ =	swait.ge @!p0 [sflag:s0], s1  }
0xd1: {  	s1 =	ssub.s32 @!p0 $0x0, s1;
	[sflag:s0] =	ssyncset.done @!p0 $0x0  }
0xd2: {  	[sflag:s0] =	ssyncadd.s32 @!p0 s1  }
0xd3: {  	[bflag:$0x3] =	sbarrier.arrive $0xFFFF  }
0xd4: {  	_ =	shalt  }

// kernel: kernel.7.cloned.1.call-start
scs
__scs_entry_jumppad:
0x0: {  	(pc) =	sbr.rel $0x88, $3  }
0x1: {  	(tag) =	ssettag $0x0;
	lr =	simm.s32 $0x1  }
0x2: {  	[smem:$0x3F99] =	sst lr;
	_ =	strace $0xD0000000  }
0x3: {  	_ = 	snop  }
0x4: {  	_ = 	snop  }
0x5: {  	_ = 	snop  }
0x6: {  	_ = 	snop  }
0x7: {  	_ = 	snop  }
__scs_overlays_trampoline_lowered:
0x8: {  	[smem:$0x3FA8] =	sst s0  }
0x9: {  	[smem:$0x3FA9] =	sst s1  }
0xa: {  	[smem:$0x3FAA] =	sst s2  }
0xb: {  	[smem:$0x3FAB] =	sst s3  }
0xc: {  	[smem:$0x3FAC] =	sst s4  }
0xd: {  	[smem:$0x3FAD] =	sst s5  }
0xe: {  	[smem:$0x3FAE] =	sst s6  }
0xf: {  	[smem:$0x3FAF] =	sst s7  }
0x10: {  	[smem:$0x3FB0] =	sst s8  }
0x11: {  	[smem:$0x3FB1] =	sst s9;
	s0 =	simm.s32 @!p0 $0x0  }
0x12: {  	s1 =	sld [smem:$0x3F97];
	s0 =	simm.s32 @p0 $0x1  }
0x13: {  	[smem:$0x3FB2] =	sst s0;
	s0 =	simm.s32 @!p1 $0x0  }
0x14: {  	s2 =	sld [smem:$0x3F96];
	s0 =	simm.s32 @p1 $0x1  }
0x15: {  	[smem:$0x3FB3] =	sst s0;
	s0 =	simm.s32 @!p2 $0x0  }
0x16: {  	s3 =	sld [smem:$0x3FDB];
	s0 =	simm.s32 @p2 $0x1  }
0x17: {  	s4 =	simm.s32 $0x1BF5;
	[smem:$0x3FB5] =	sst s0  }
0x18: {  	s0 =	sld [smem:$0x3F98];
	_ =	swait.ge [sflag:s4], $0x0  }
0x19: {  	s7 =	sld [smem:$0x3F99]  }
0x1a: {  	s8 =	sadd.s32 $0xFFFFE003, lr  }
0x1b: {  	s9 =	sadd.s32 $0xFFFFFEF7, lr;
	s5 =	simm.s32 $0xFFFFFFFF;
	p2 =	slt.u32 s8, $0xFFFFF086  }
0x1c: {  	p1 =	slt.u32 s9, $0xF7A;
	s5 =	simm.s32 @!p2 $0x0  }
0x1d: {  	s5 =	simm.s32 @p1 $0x1;
	p0 =	seq.s32 s7, s2  }
0x1e: {  	s7 =	smul.u32 @!p0 $0xF7A, s2;
	p2 =	seq.s32 @!p0 s5, $0x0  }
0x1f: {  	s9 =	smul.u32 $0xF7A, s1;
	s8 =	simm.s32 @!p0 $0x1BF5;
	p2 =	por !p2, p0  }
0x20: {  	[sflag:s8] =	ssyncset.s32 @!p0 $0xFFFFF086;
	s6 =	sadd.s32 @!p0 s3, s7;
	s7 =	simm.s32 @!p0 $0x108  }
0x21: {  	s3 =	sadd.s32 s3, s9;
	s6 =	sadd.s32 @!p0 $0x88, s6;
	s7 =	simm.s32 @p2 $0x1082  }
0x22: {  	[simem:s7], [sflag:s8] =	dma.local @!p0 [hbm:s6], $0xF7A  }
0x23: {  	s9 =	sor.u32 $0xD0000000, s2;
	s6 =	simm.s32 $0x108;
	_ =	swait.ge @!p0 [sflag:s8], $0x0  }
0x24: {  	s3 =	sadd.s32 $0x88, s3;
	s6 =	simm.s32 @!p1 $0x1082;
	[sflag:s4] =	ssyncset.s32 $0xFFFFF086  }
0x25: {  	[simem:s6], [sflag:s4] =	dma.local [hbm:s3], $0xF7A  }
0x26: {  	[smem:$0x3F99] =	sst s1;
	(tag) =	ssettag s2;
	_ =	strace s9  }
0x27: {  	s1 =	sld [smem:$0x3FA9]  }
0x28: {  	s2 =	sld [smem:$0x3FAA]  }
0x29: {  	s4 =	sld [smem:$0x3FAC]  }
0x2a: {  	p0 =	seq.s32 s5, $0x0;
	s5 =	sld [smem:$0x3FAD]  }
0x2b: {  	s6 =	sld [smem:$0x3FAE]  }
0x2c: {  	s7 =	sld [smem:$0x3FAF]  }
0x2d: {  	s3 =	simm.s32 $0x108;
	s8 =	sld [smem:$0x3FB0]  }
0x2e: {  	s3 =	simm.s32 @!p0 $0x1082;
	s9 =	sld [smem:$0x3FB1]  }
0x2f: {  	lr =	sadd.s32 s0, s3;
	s0 =	sld [smem:$0x3FA8]  }
0x30: {  	s3 =	sld [smem:$0x3FAB]  }
0x31: {  	[smem:$0x3FB4] =	sst s10  }
0x32: {  	s10 =	sld [smem:$0x3FB2];
	_ =	sdelay $0x3  }
0x33: {  	p0 =	seq.s32 s10, $0x1;
	s10 =	sld [smem:$0x3FB4];
	_ =	sdelay $0x3  }
0x34: {  	[smem:$0x3FB4] =	sst s10  }
0x35: {  	s10 =	sld [smem:$0x3FB3];
	_ =	sdelay $0x3  }
0x36: {  	p1 =	seq.s32 s10, $0x1;
	s10 =	sld [smem:$0x3FB4];
	_ =	sdelay $0x3  }
0x37: {  	[smem:$0x3FB4] =	sst s10  }
0x38: {  	s10 =	sld [smem:$0x3FB5]  }
0x39: {  	_ = 	snop;
	(pc) =	sbr.ind lr, $3  }
0x3a: {  	_ = 	snop  }
0x3b: {  	_ = 	snop  }
0x3c: {  	p2 =	seq.s32 s10, $0x1;
	s10 =	sld [smem:$0x3FB4]  }
0x3d: {  	_ =	shalt  }
0x3e: {  	_ =	shalt  }
0x3f: {  	_ =	shalt  }
0x40: {  	_ =	shalt  }
0x41: {  	_ =	shalt  }
0x42: {  	_ =	shalt  }
0x43: {  	_ =	shalt  }
0x44: {  	_ =	shalt  }
0x45: {  	_ =	shalt  }
0x46: {  	_ =	shalt  }
0x47: {  	_ =	shalt  }
0x48: {  	_ =	shalt  }
0x49: {  	_ =	shalt  }
0x4a: {  	_ =	shalt  }
0x4b: {  	_ =	shalt  }
0x4c: {  	_ =	shalt  }
0x4d: {  	_ =	shalt  }
0x4e: {  	_ =	shalt  }
0x4f: {  	_ =	shalt  }
0x50: {  	_ =	shalt  }
0x51: {  	_ =	shalt  }
0x52: {  	_ =	shalt  }
0x53: {  	_ =	shalt  }
0x54: {  	_ =	shalt  }
0x55: {  	_ =	shalt  }
0x56: {  	_ =	shalt  }
0x57: {  	_ =	shalt  }
0x58: {  	_ =	shalt  }
0x59: {  	_ =	shalt  }
0x5a: {  	_ =	shalt  }
0x5b: {  	_ =	shalt  }
0x5c: {  	_ =	shalt  }
0x5d: {  	_ =	shalt  }
0x5e: {  	_ =	shalt  }
0x5f: {  	_ =	shalt  }
0x60: {  	_ =	shalt  }
0x61: {  	_ =	shalt  }
0x62: {  	_ =	shalt  }
0x63: {  	_ =	shalt  }
0x64: {  	_ =	shalt  }
0x65: {  	_ =	shalt  }
0x66: {  	_ =	shalt  }
0x67: {  	_ =	shalt  }
0x68: {  	_ =	shalt  }
0x69: {  	_ =	shalt  }
0x6a: {  	_ =	shalt  }
0x6b: {  	_ =	shalt  }
0x6c: {  	_ =	shalt  }
0x6d: {  	_ =	shalt  }
0x6e: {  	_ =	shalt  }
0x6f: {  	_ =	shalt  }
0x70: {  	_ =	shalt  }
0x71: {  	_ =	shalt  }
0x72: {  	_ =	shalt  }
0x73: {  	_ =	shalt  }
0x74: {  	_ =	shalt  }
0x75: {  	_ =	shalt  }
0x76: {  	_ =	shalt  }
0x77: {  	_ =	shalt  }
0x78: {  	_ =	shalt  }
0x79: {  	_ =	shalt  }
0x7a: {  	_ =	shalt  }
0x7b: {  	_ =	shalt  }
0x7c: {  	_ =	shalt  }
0x7d: {  	_ =	shalt  }
0x7e: {  	_ =	shalt  }
0x7f: {  	_ =	shalt  }
0x80: {  	_ =	shalt  }
0x81: {  	_ =	shalt  }
0x82: {  	_ =	shalt  }
0x83: {  	_ =	shalt  }
0x84: {  	_ =	shalt  }
0x85: {  	_ =	shalt  }
0x86: {  	_ =	shalt  }
0x87: {  	_ =	shalt  }
.Lfunc_end0:
.L_simem_size_0:
called_computation_lowered:
.L_overlay_start_0:
0x88: {  	s2 =	sld [smem:$0x3FD9]  }
0x89: {  	s3 =	sld [smem:$0x3FFE];
	_ =	sdelay $0x1  }
0x8a: {  	s1 =	srdreg.scid  }
0x8b: {  	s0 =	sand.u32 $0x1, s1  }
0x8c: {  	s17 =	sshll.u32 s0, $0xA;
	s2 =	sadd.s32 s3, s2  }
0x8d: {  	s2 =	sadd.s32 s2, s17  }
0x8e: {  	[smem:$0x3FC0] =	sst s2  }
0x8f: {  	_ = 	snop  }
0x90: {  	s2 =	sld [smem:$0x3FD0];
	(tm) =	ssettm $0x1  }
0x91: {  	s18 =	sld [smem:$0x3FFB];
	_ =	sdelay $0x3  }
0x92: {  	_ =	strace s18  }
0x93: {  	s3 =	sld [smem:$0x3FFC];
	_ =	sdelay $0x3  }
0x94: {  	_ =	strace s3  }
0x95: {  	s3 =	sld [smem:$0x3FFD];
	_ =	sdelay $0x3  }
0x96: {  	_ =	strace s3  }
0x97: {  	_ =	strace $0x8FFFFFFF  }
0x98: {  	s19 =	sld [smem:$0x3FDB];
	_ =	sdelay $0x1  }
0x99: {  	s4 =	simm.s32 $_scs_section_size  }
0x9a: {  	s5 =	simm.s32 $_size__tile_overlayer_lowered;
	s6 =	simm.s32 $_tile_overlayer_lowered  }
0x9b: {  	s22 =	simm.s32 $0x1BFF;
	s21 =	sshll.u32 s6, $0x1;
	s3 =	sadd.s32 s4, s19  }
0x9c: {  	s7 =	simm.s32 $0x0;
	s20 =	sshll.u32 s5, $0x1;
	s5 =	sadd.s32 s21, s3  }
0x9d: {  	[timem:s7], [sflag:s22] =	dma.local [hbm:s5], s20  }
0x9e: {  	_ =	swait.ge [sflag:s22], s20  }
0x9f: {  	s4 =	ssub.s32 $0x0, s20;
	[sflag:s22] =	ssyncset.done $0x0  }
0xa0: {  	[sflag:s22] =	ssyncadd.s32 s4;
	_ =	sdelay $0x1  }
0xa1: {  	s23 =	simm.s32 $0x1B8B  }
0xa2: {  	_ =	swait.ge [sflag:s23], $0x1  }
0xa3: {  	[sflag:s23] =	ssyncset.done $0x0  }
0xa4: {  	s25 =	simm.s32 $0x1B8E;
	s24 =	sld [smem:$0x3FFE];
	[sflag:s23] =	ssyncadd.s32 $0xFFFFFFFF  }
0xa5: {  	s26 =	simm.s32 $execute0_lowered;
	[smem:$0x3FD2] =	sst s25  }
0xa6: {  	s5 =	sshll.u32 s26, $0x1;
	_ =	strace $0x80000046;
	[dreg:$0x1] =	wrdreg $0xFFFFFFFF  }
0xa7: {  	s28 =	simm.s32 $_size_execute0_lowered;
	s3 =	sadd.s32 s3, s5;
	[dreg:$0x0] =	wrdreg $0x0  }
0xa8: {  	s5 =	sshll.u32 s28, $0x1;
	[dreg:$0x2] =	wrdreg s3  }
0xa9: {  	[dreg:$0x3] =	wrdreg s5  }
0xaa: {  	[dreg:$0x4] =	wrdreg $0xC0  }
0xab: {  	_ =	task [dreg:s7], $0x5FFFF  }
0xac: {  	[dreg:$0x1] =	wrdreg $0xFFFFFFFF  }
0xad: {  	[dreg:$0x0] =	wrdreg $0x60  }
0xae: {  	[dreg:$0x2] =	wrdreg s24  }
0xaf: {  	[dreg:$0x3] =	wrdreg s2  }
0xb0: {  	[dreg:$0x4] =	wrdreg $0x48000  }
0xb1: {  	[dreg:$0x5] =	wrdreg $0x9  }
0xb2: {  	_ =	task.clear_ibuf [dreg:s7], $0x6FFFF;
	_ =	strace $0x90000046  }
0xb3: {  	s29 =	simm.s32 $0x9;
	_ =	strace $0x80000048  }
0xb4: {  	_ =	swait.ge [sflag:s29], $0x1  }
0xb5: {  	[sflag:s29] =	ssyncadd.s32 $0xFFFFFFFF  }
0xb6: {  	_ =	strace $0x90000048  }
0xb7: {  	_ =	sfence  }
0xb8: {  	s30 =	sld [smem:$0x0];
	_ =	sdelay $0x2  }
0xb9: {  	s31 =	sshll.u32 s1, $0xD;
	s1 =	sshrl.u32 s1, $0x2  }
0xba: {  	s3 =	sand.u32 $0x4000, s31;
	s1 =	sadd.s32 s1, s30  }
0xbb: {  	s0 =	sor.u32 s3, s0;
	s1 =	sshll.u32 s1, $0x11  }
0xbc: {  	s0 =	sor.u32 s1, s0  }
0xbd: {  	s0 =	sadd.s32 $0x8F2B, s0  }
0xbe: {  	[sflag:s0] =	ssyncadd.remote.s32 $0x1  }
0xbf: {  	_ =	sfence.sel $0xFFFF  }
0xc0: {  	[dreg:$0x0] =	wrdreg $0xFFFFFFFF;
	(pc) =	sbr.abs _section_cstart, $3  }
0xc1: {  	[dreg:$0x1] =	wrdreg $0xFFFFFFFF  }
0xc2: {  	_ =	task.clear_ibuf [dreg:s7], $0x2FFFF;
	_ =	strace $0x9FFFFFFF  }
0xc3: {  	(tm) =	ssettm $0x7FFFFFFF  }
tec
execute0_lowered:
.L_overlay_start_1:
0x0: {  	(tag) =	ssettag $0x1  }
0x1: {  	s6 =	rddreg [dreg:$0x0]  }
0x2: {  	s2 =	rddreg [dreg:$0x1]  }
0x3: {  	s0 =	srdreg.scid;
	s3 =	rddreg [dreg:$0x2];
	s4 =	simm.s32 $0x0  }
0x4: {  	s14 =	simm.s32 $0x40;
	s5 =	sand.u32 $0x1, s0;
	s0 =	stileid.u32  }
0x5: {  	s15 =	simm.s32 $0x1;
	s16 =	simm.s32 $0x0;
	s8 =	smul.u32 $0x13C00, s0  }
0x6: {  	[smem:$0x7FF] =	sst s4;
	s1 =	sshll.u32 s5, $0x4;
	s9 =	smul.u32 $0x13C000, s5  }
0x7: {  	s30 =	smul.u32 $0x4F000, s0;
	s5 =	ssub.s32 $0x2, s5;
	s12 =	sshll.u32 s0, $0x6  }
0x8: {  	s1 =	sor.u32 s0, s1;
	s31 =	sshrl.u32 s5, $0x1;
	s12 =	sor.u32 $0x1C02, s12  }
0x9: {  	s7 =	smul.u32 $0x5000, s1;
	s1 =	rddreg [dreg:$0x3];
	_ =	strace $0x80000047  }
0xa: {  	s10 =	sshrl.u32 s8, $0x3;
	s8 =	sadd.s32 s8, s9;
	s9 =	sshrl.u32 s30, $0x2  }
0xb: {  	s11 =	ssub.s32 s5, s31;
	s10 =	sadd.s32 s10, s6;
	s8 =	sshrl.u32 s8, $0x3  }
0xc: {  	s13 =	sadd.s32 s9, s3;
	s9 =	smax.u32 s11, $0x1;
	s11 =	simm.s32 $0x2  }
0xd: {  	s7 =	sshrl.u32 s7, $0x3;
	s8 =	sadd.s32 s8, s6;
	s5 =	sadd.s32 $0x16000, s10  }
0xe: {  	s10 =	simm.s32 $0x2800;
	s13 =	sshrl.u32 s13, $0x3;
	s7 =	sadd.s32 s7, s6  }
0xf: {  	s8 =	sadd.s32 $0x3D800, s8;
	s6 =	sadd.s32 $0x2000, s7;
	s7 =	sadd.s32 $0x2500, s7  }
.LBB2_1:
0x10: {  	[tilespmem:s10], [sflag:$0x2] =	stream.linear.gather [hbm4b:s2+s4], $0x2000, $0x38;
	[tilespmem:$0x18400] =	vst v63  }
0x11: {  	_ =	swait.ge [sflag:s11], $0x2000  }
0x12: {  	[sflag:s11] =	ssyncset.done $0x0  }
0x13: {  	[sflag:s11] =	ssyncadd.s32 $0xFFFFE000  }
0x14: {  	[spmem:s13], [sflag:s12] =	dma.local [hbm:s5], $0x2780  }
0x15: {  	_ =	swait.ge [sflag:s11], $0x2780  }
0x16: {  	[sflag:s11] =	ssyncset.done $0x0  }
0x17: {  	[sflag:s11] =	ssyncadd.s32 $0xFFFFD880  }
0x18: {  	[bflag:$0x0] =	sbarrier.arrive $0xFFFF  }
0x19: {  	[tilespmem:s4], [sflag:$0x2] =	stream.linear.gather [hbm4b:s6+s4], $0x2800, $0x38;
	[tilespmem:$0x18400] =	vst v63  }
0x1a: {  	_ =	swait.ge [sflag:s11], $0x2800  }
0x1b: {  	[sflag:s11] =	ssyncset.done $0x0  }
0x1c: {  	s17 =	simm.s32 $0x0;
	[sflag:s11] =	ssyncadd.s32 $0xFFFFD800  }
0x1d: {  	[spmem:s3] =	stream.indirect.scatter.add.f32 [tilespmem:s10], [sflag:$0x1], $0x80, s17, s14, $0xb8;
	[tilespmem:$0x18400] =	vst v63  }
0x1e: {  	s24 =	simm.s32 $0x80  }
0x1f: {  	[spmem:s3] =	stream.indirect.scatter.add.f32 [tilespmem:s10], [sflag:$0x1], $0x80, s24, s14, $0xb8;
	[tilespmem:$0x18400] =	vst v63  }
0x20: {  	s25 =	simm.s32 $0x100  }
0x21: {  	[spmem:s3] =	stream.indirect.scatter.add.f32 [tilespmem:s10], [sflag:$0x1], $0x80, s25, s14, $0xb8;
	[tilespmem:$0x18400] =	vst v63  }
0x22: {  	s26 =	simm.s32 $0x180  }
0x23: {  	[spmem:s3] =	stream.indirect.scatter.add.f32 [tilespmem:s10], [sflag:$0x1], $0x80, s26, s14, $0xb8;
	[tilespmem:$0x18400] =	vst v63  }
0x24: {  	s28 =	simm.s32 $0x200  }
0x25: {  	[spmem:s3] =	stream.indirect.scatter.add.f32 [tilespmem:s10], [sflag:$0x1], $0x80, s28, s14, $0xb8;
	[tilespmem:$0x18400] =	vst v63  }
0x26: {  	s29 =	simm.s32 $0x280  }
0x27: {  	[spmem:s3] =	stream.indirect.scatter.add.f32 [tilespmem:s10], [sflag:$0x1], $0x80, s29, s14, $0xb8;
	[tilespmem:$0x18400] =	vst v63  }
0x28: {  	s30 =	simm.s32 $0x300  }
0x29: {  	[spmem:s3] =	stream.indirect.scatter.add.f32 [tilespmem:s10], [sflag:$0x1], $0x80, s30, s14, $0xb8;
	[tilespmem:$0x18400] =	vst v63  }
0x2a: {  	s31 =	simm.s32 $0x380  }
0x2b: {  	[spmem:s3] =	stream.indirect.scatter.add.f32 [tilespmem:s10], [sflag:$0x1], $0x80, s31, s14, $0xb8;
	[tilespmem:$0x18400] =	vst v63  }
0x2c: {  	_ =	swait.ge [sflag:s15], $0x2000  }
0x2d: {  	[sflag:s15] =	ssyncset.done $0x0  }
0x2e: {  	[sflag:s15] =	ssyncadd.s32 $0xFFFFE000  }
0x2f: {  	_ =	swait.ge [sflag:s15], $0x2000  }
0x30: {  	[sflag:s15] =	ssyncset.done $0x0  }
0x31: {  	[sflag:s15] =	ssyncadd.s32 $0xFFFFE000  }
0x32: {  	_ =	swait.ge [sflag:s15], $0x2000  }
0x33: {  	[sflag:s15] =	ssyncset.done $0x0  }
0x34: {  	[sflag:s15] =	ssyncadd.s32 $0xFFFFE000  }
0x35: {  	_ =	swait.ge [sflag:s15], $0x2000  }
0x36: {  	[sflag:s15] =	ssyncset.done $0x0  }
0x37: {  	[sflag:s15] =	ssyncadd.s32 $0xFFFFE000  }
0x38: {  	_ =	swait.ge [sflag:s15], $0x2000  }
0x39: {  	[sflag:s15] =	ssyncset.done $0x0  }
0x3a: {  	[sflag:s15] =	ssyncadd.s32 $0xFFFFE000  }
0x3b: {  	_ =	swait.ge [sflag:s15], $0x2000  }
0x3c: {  	[sflag:s15] =	ssyncset.done $0x0  }
0x3d: {  	[sflag:s15] =	ssyncadd.s32 $0xFFFFE000  }
0x3e: {  	_ =	swait.ge [sflag:s15], $0x2000  }
0x3f: {  	[sflag:s15] =	ssyncset.done $0x0  }
0x40: {  	[sflag:s15] =	ssyncadd.s32 $0xFFFFE000  }
0x41: {  	_ =	swait.ge [sflag:s15], $0x2000  }
0x42: {  	s19 =	simm.s32 $0x2000;
	s17 =	simm.s32 $0x1000;
	[sflag:s15] =	ssyncset.done $0x0  }
.LBB2_2:
0x43: {  	s20 =	sshra.s32 s17, $0x2  }
0x44: {  	[sflag:s15] =	ssyncadd.s32 $0xFFFFE000;
	s17 =	smov.u32 s19;
	s18 =	sadd.s32 $0x1000, s19  }
0x45: {  	[spmem:s3] =	stream.indirect.scatter.add.f32 [tilespmem:s10], [sflag:$0x1], $0x80, s20, s14, $0xb8;
	[tilespmem:$0x18400] =	vst v63  }
0x46: {  	p0 =	sne.s32 s19, $0x9000;
	s19 =	sadd.s32 $0x80, s20  }
0x47: {  	[spmem:s3] =	stream.indirect.scatter.add.f32 [tilespmem:s10], [sflag:$0x1], $0x80, s19, s14, $0xb8;
	[tilespmem:$0x18400] =	vst v63  }
0x48: {  	s19 =	sadd.s32 $0x100, s20  }
0x49: {  	[spmem:s3] =	stream.indirect.scatter.add.f32 [tilespmem:s10], [sflag:$0x1], $0x80, s19, s14, $0xb8;
	[tilespmem:$0x18400] =	vst v63  }
0x4a: {  	s19 =	sadd.s32 $0x180, s20  }
0x4b: {  	[spmem:s3] =	stream.indirect.scatter.add.f32 [tilespmem:s10], [sflag:$0x1], $0x80, s19, s14, $0xb8;
	[tilespmem:$0x18400] =	vst v63  }
0x4c: {  	s19 =	sadd.s32 $0x200, s20  }
0x4d: {  	[spmem:s3] =	stream.indirect.scatter.add.f32 [tilespmem:s10], [sflag:$0x1], $0x80, s19, s14, $0xb8;
	[tilespmem:$0x18400] =	vst v63  }
0x4e: {  	s19 =	sadd.s32 $0x280, s20  }
0x4f: {  	[spmem:s3] =	stream.indirect.scatter.add.f32 [tilespmem:s10], [sflag:$0x1], $0x80, s19, s14, $0xb8;
	[tilespmem:$0x18400] =	vst v63  }
0x50: {  	s19 =	sadd.s32 $0x300, s20  }
0x51: {  	[spmem:s3] =	stream.indirect.scatter.add.f32 [tilespmem:s10], [sflag:$0x1], $0x80, s19, s14, $0xb8;
	[tilespmem:$0x18400] =	vst v63  }
0x52: {  	s19 =	sadd.s32 $0x380, s20  }
0x53: {  	[spmem:s3] =	stream.indirect.scatter.add.f32 [tilespmem:s10], [sflag:$0x1], $0x80, s19, s14, $0xb8;
	[tilespmem:$0x18400] =	vst v63  }
0x54: {  	_ =	swait.ge [sflag:s15], $0x2000  }
0x55: {  	[sflag:s15] =	ssyncset.done $0x0  }
0x56: {  	[sflag:s15] =	ssyncadd.s32 $0xFFFFE000  }
0x57: {  	_ =	swait.ge [sflag:s15], $0x2000  }
0x58: {  	[sflag:s15] =	ssyncset.done $0x0  }
0x59: {  	[sflag:s15] =	ssyncadd.s32 $0xFFFFE000  }
0x5a: {  	_ =	swait.ge [sflag:s15], $0x2000  }
0x5b: {  	[sflag:s15] =	ssyncset.done $0x0  }
0x5c: {  	[sflag:s15] =	ssyncadd.s32 $0xFFFFE000  }
0x5d: {  	_ =	swait.ge [sflag:s15], $0x2000  }
0x5e: {  	[sflag:s15] =	ssyncset.done $0x0  }
0x5f: {  	[sflag:s15] =	ssyncadd.s32 $0xFFFFE000  }
0x60: {  	_ =	swait.ge [sflag:s15], $0x2000  }
0x61: {  	[sflag:s15] =	ssyncset.done $0x0  }
0x62: {  	[sflag:s15] =	ssyncadd.s32 $0xFFFFE000  }
0x63: {  	_ =	swait.ge [sflag:s15], $0x2000  }
0x64: {  	[sflag:s15] =	ssyncset.done $0x0  }
0x65: {  	[sflag:s15] =	ssyncadd.s32 $0xFFFFE000  }
.Ltmp0:
0x66: {  	_ =	swait.ge [sflag:s15], $0x2000;
	(pc) =	sbr.rel @p0 .LBB2_2-.Ltmp0, $4  }
0x67: {  	[sflag:s15] =	ssyncset.done $0x0  }
0x68: {  	[sflag:s15] =	ssyncadd.s32 $0xFFFFE000  }
0x69: {  	_ =	swait.ge [sflag:s15], $0x2000  }
0x6a: {  	s19 =	smov.u32 s18;
	[sflag:s15] =	ssyncset.done $0x0  }
0x6b: {  	s17 =	sshra.s32 s17, $0x2;
	[sflag:s15] =	ssyncadd.s32 $0xFFFFE000  }
0x6c: {  	[spmem:s3] =	stream.indirect.scatter.add.f32 [tilespmem:s10], [sflag:$0x1], $0x80, s17, s14, $0xb8;
	[tilespmem:$0x18400] =	vst v63  }
0x6d: {  	s18 =	sadd.s32 $0x80, s17  }
0x6e: {  	[spmem:s3] =	stream.indirect.scatter.add.f32 [tilespmem:s10], [sflag:$0x1], $0x80, s18, s14, $0xb8;
	[tilespmem:$0x18400] =	vst v63  }
0x6f: {  	s30 =	sadd.s32 $0x100, s17  }
0x70: {  	[spmem:s3] =	stream.indirect.scatter.add.f32 [tilespmem:s10], [sflag:$0x1], $0x80, s30, s14, $0xb8;
	[tilespmem:$0x18400] =	vst v63  }
0x71: {  	s31 =	sadd.s32 $0x180, s17  }
0x72: {  	[spmem:s3] =	stream.indirect.scatter.add.f32 [tilespmem:s10], [sflag:$0x1], $0x80, s31, s14, $0xb8;
	[tilespmem:$0x18400] =	vst v63  }
0x73: {  	s19 =	sadd.s32 $0x200, s17  }
0x74: {  	[spmem:s3] =	stream.indirect.scatter.add.f32 [tilespmem:s10], [sflag:$0x1], $0x80, s19, s14, $0xb8;
	[tilespmem:$0x18400] =	vst v63  }
0x75: {  	s20 =	sadd.s32 $0x280, s17  }
0x76: {  	[spmem:s3] =	stream.indirect.scatter.add.f32 [tilespmem:s10], [sflag:$0x1], $0x80, s20, s14, $0xb8;
	[tilespmem:$0x18400] =	vst v63  }
0x77: {  	s21 =	sadd.s32 $0x300, s17  }
0x78: {  	[spmem:s3] =	stream.indirect.scatter.add.f32 [tilespmem:s10], [sflag:$0x1], $0x80, s21, s14, $0xb8;
	[tilespmem:$0x18400] =	vst v63  }
0x79: {  	s17 =	sadd.s32 $0x380, s17  }
0x7a: {  	[spmem:s3] =	stream.indirect.scatter.add.f32 [tilespmem:s10], [sflag:$0x1], $0x80, s17, s14, $0xb8;
	[tilespmem:$0x18400] =	vst v63  }
0x7b: {  	_ =	swait.ge [sflag:s15], $0x2000  }
0x7c: {  	[sflag:s15] =	ssyncset.done $0x0  }
0x7d: {  	[sflag:s15] =	ssyncadd.s32 $0xFFFFE000  }
0x7e: {  	_ =	swait.ge [sflag:s15], $0x2000  }
0x7f: {  	[sflag:s15] =	ssyncset.done $0x0  }
0x80: {  	[sflag:s15] =	ssyncadd.s32 $0xFFFFE000  }
0x81: {  	_ =	swait.ge [sflag:s15], $0x2000  }
0x82: {  	[sflag:s15] =	ssyncset.done $0x0  }
0x83: {  	[sflag:s15] =	ssyncadd.s32 $0xFFFFE000  }
0x84: {  	_ =	swait.ge [sflag:s15], $0x2000  }
0x85: {  	[sflag:s15] =	ssyncset.done $0x0  }
0x86: {  	[sflag:s15] =	ssyncadd.s32 $0xFFFFE000  }
0x87: {  	_ =	swait.ge [sflag:s15], $0x2000  }
0x88: {  	[sflag:s15] =	ssyncset.done $0x0  }
0x89: {  	[sflag:s15] =	ssyncadd.s32 $0xFFFFE000  }
0x8a: {  	_ =	swait.ge [sflag:s15], $0x2000  }
0x8b: {  	[sflag:s15] =	ssyncset.done $0x0  }
0x8c: {  	[sflag:s15] =	ssyncadd.s32 $0xFFFFE000  }
0x8d: {  	_ =	swait.ge [sflag:s15], $0x2000  }
0x8e: {  	[sflag:s15] =	ssyncset.done $0x0  }
0x8f: {  	[sflag:s15] =	ssyncadd.s32 $0xFFFFE000  }
0x90: {  	_ =	swait.ge [sflag:s15], $0x2000  }
0x91: {  	[sflag:s15] =	ssyncset.done $0x0  }
0x92: {  	s22 =	simm.s32 $0x0;
	[sflag:s15] =	ssyncadd.s32 $0xFFFFE000  }
0x93: {  	[tilespmem:s22], [sflag:$0x2] =	stream.linear.gather [hbm4b:s7+s22], $0x2800, $0x38;
	[tilespmem:$0x18400] =	vst v63  }
0x94: {  	_ =	swait.ge [sflag:s11], $0x2800  }
0x95: {  	[sflag:s11] =	ssyncset.done $0x0  }
0x96: {  	s23 =	simm.s32 $0x0;
	[sflag:s11] =	ssyncadd.s32 $0xFFFFD800  }
0x97: {  	[spmem:s3] =	stream.indirect.scatter.add.f32 [tilespmem:s10], [sflag:$0x1], $0x80, s23, s14, $0xb8;
	[tilespmem:$0x18400] =	vst v63  }
0x98: {  	s24 =	simm.s32 $0x80  }
0x99: {  	[spmem:s3] =	stream.indirect.scatter.add.f32 [tilespmem:s10], [sflag:$0x1], $0x80, s24, s14, $0xb8;
	[tilespmem:$0x18400] =	vst v63  }
0x9a: {  	s25 =	simm.s32 $0x100  }
0x9b: {  	[spmem:s3] =	stream.indirect.scatter.add.f32 [tilespmem:s10], [sflag:$0x1], $0x80, s25, s14, $0xb8;
	[tilespmem:$0x18400] =	vst v63  }
0x9c: {  	s26 =	simm.s32 $0x180  }
0x9d: {  	[spmem:s3] =	stream.indirect.scatter.add.f32 [tilespmem:s10], [sflag:$0x1], $0x80, s26, s14, $0xb8;
	[tilespmem:$0x18400] =	vst v63  }
0x9e: {  	s28 =	simm.s32 $0x200  }
0x9f: {  	[spmem:s3] =	stream.indirect.scatter.add.f32 [tilespmem:s10], [sflag:$0x1], $0x80, s28, s14, $0xb8;
	[tilespmem:$0x18400] =	vst v63  }
0xa0: {  	s29 =	simm.s32 $0x280  }
0xa1: {  	[spmem:s3] =	stream.indirect.scatter.add.f32 [tilespmem:s10], [sflag:$0x1], $0x80, s29, s14, $0xb8;
	[tilespmem:$0x18400] =	vst v63  }
0xa2: {  	s30 =	simm.s32 $0x300  }
0xa3: {  	[spmem:s3] =	stream.indirect.scatter.add.f32 [tilespmem:s10], [sflag:$0x1], $0x80, s30, s14, $0xb8;
	[tilespmem:$0x18400] =	vst v63  }
0xa4: {  	s31 =	simm.s32 $0x380  }
0xa5: {  	[spmem:s3] =	stream.indirect.scatter.add.f32 [tilespmem:s10], [sflag:$0x1], $0x80, s31, s14, $0xb8;
	[tilespmem:$0x18400] =	vst v63  }
0xa6: {  	_ =	swait.ge [sflag:s15], $0x2000  }
0xa7: {  	[sflag:s15] =	ssyncset.done $0x0  }
0xa8: {  	[sflag:s15] =	ssyncadd.s32 $0xFFFFE000  }
0xa9: {  	_ =	swait.ge [sflag:s15], $0x2000  }
0xaa: {  	[sflag:s15] =	ssyncset.done $0x0  }
0xab: {  	[sflag:s15] =	ssyncadd.s32 $0xFFFFE000  }
0xac: {  	_ =	swait.ge [sflag:s15], $0x2000  }
0xad: {  	[sflag:s15] =	ssyncset.done $0x0  }
0xae: {  	[sflag:s15] =	ssyncadd.s32 $0xFFFFE000  }
0xaf: {  	_ =	swait.ge [sflag:s15], $0x2000  }
0xb0: {  	[sflag:s15] =	ssyncset.done $0x0  }
0xb1: {  	[sflag:s15] =	ssyncadd.s32 $0xFFFFE000  }
0xb2: {  	_ =	swait.ge [sflag:s15], $0x2000  }
0xb3: {  	[sflag:s15] =	ssyncset.done $0x0  }
0xb4: {  	[sflag:s15] =	ssyncadd.s32 $0xFFFFE000  }
0xb5: {  	_ =	swait.ge [sflag:s15], $0x2000  }
0xb6: {  	[sflag:s15] =	ssyncset.done $0x0  }
0xb7: {  	[sflag:s15] =	ssyncadd.s32 $0xFFFFE000  }
0xb8: {  	_ =	swait.ge [sflag:s15], $0x2000  }
0xb9: {  	[sflag:s15] =	ssyncset.done $0x0  }
0xba: {  	[sflag:s15] =	ssyncadd.s32 $0xFFFFE000  }
0xbb: {  	_ =	swait.ge [sflag:s15], $0x2000  }
0xbc: {  	s19 =	simm.s32 $0x2000;
	s17 =	simm.s32 $0x1000;
	[sflag:s15] =	ssyncset.done $0x0  }
.LBB2_4:
0xbd: {  	s20 =	sshra.s32 s17, $0x2  }
0xbe: {  	[sflag:s15] =	ssyncadd.s32 $0xFFFFE000;
	s17 =	smov.u32 s19;
	s18 =	sadd.s32 $0x1000, s19  }
0xbf: {  	[spmem:s3] =	stream.indirect.scatter.add.f32 [tilespmem:s10], [sflag:$0x1], $0x80, s20, s14, $0xb8;
	[tilespmem:$0x18400] =	vst v63  }
0xc0: {  	p0 =	sne.s32 s19, $0x9000;
	s19 =	sadd.s32 $0x80, s20  }
0xc1: {  	[spmem:s3] =	stream.indirect.scatter.add.f32 [tilespmem:s10], [sflag:$0x1], $0x80, s19, s14, $0xb8;
	[tilespmem:$0x18400] =	vst v63  }
0xc2: {  	s19 =	sadd.s32 $0x100, s20  }
0xc3: {  	[spmem:s3] =	stream.indirect.scatter.add.f32 [tilespmem:s10], [sflag:$0x1], $0x80, s19, s14, $0xb8;
	[tilespmem:$0x18400] =	vst v63  }
0xc4: {  	s19 =	sadd.s32 $0x180, s20  }
0xc5: {  	[spmem:s3] =	stream.indirect.scatter.add.f32 [tilespmem:s10], [sflag:$0x1], $0x80, s19, s14, $0xb8;
	[tilespmem:$0x18400] =	vst v63  }
0xc6: {  	s19 =	sadd.s32 $0x200, s20  }
0xc7: {  	[spmem:s3] =	stream.indirect.scatter.add.f32 [tilespmem:s10], [sflag:$0x1], $0x80, s19, s14, $0xb8;
	[tilespmem:$0x18400] =	vst v63  }
0xc8: {  	s19 =	sadd.s32 $0x280, s20  }
0xc9: {  	[spmem:s3] =	stream.indirect.scatter.add.f32 [tilespmem:s10], [sflag:$0x1], $0x80, s19, s14, $0xb8;
	[tilespmem:$0x18400] =	vst v63  }
0xca: {  	s19 =	sadd.s32 $0x300, s20  }
0xcb: {  	[spmem:s3] =	stream.indirect.scatter.add.f32 [tilespmem:s10], [sflag:$0x1], $0x80, s19, s14, $0xb8;
	[tilespmem:$0x18400] =	vst v63  }
0xcc: {  	s19 =	sadd.s32 $0x380, s20  }
0xcd: {  	[spmem:s3] =	stream.indirect.scatter.add.f32 [tilespmem:s10], [sflag:$0x1], $0x80, s19, s14, $0xb8;
	[tilespmem:$0x18400] =	vst v63  }
0xce: {  	_ =	swait.ge [sflag:s15], $0x2000  }
0xcf: {  	[sflag:s15] =	ssyncset.done $0x0  }
0xd0: {  	[sflag:s15] =	ssyncadd.s32 $0xFFFFE000  }
0xd1: {  	_ =	swait.ge [sflag:s15], $0x2000  }
0xd2: {  	[sflag:s15] =	ssyncset.done $0x0  }
0xd3: {  	[sflag:s15] =	ssyncadd.s32 $0xFFFFE000  }
0xd4: {  	_ =	swait.ge [sflag:s15], $0x2000  }
0xd5: {  	[sflag:s15] =	ssyncset.done $0x0  }
0xd6: {  	[sflag:s15] =	ssyncadd.s32 $0xFFFFE000  }
0xd7: {  	_ =	swait.ge [sflag:s15], $0x2000  }
0xd8: {  	[sflag:s15] =	ssyncset.done $0x0  }
0xd9: {  	[sflag:s15] =	ssyncadd.s32 $0xFFFFE000  }
0xda: {  	_ =	swait.ge [sflag:s15], $0x2000  }
0xdb: {  	[sflag:s15] =	ssyncset.done $0x0  }
0xdc: {  	[sflag:s15] =	ssyncadd.s32 $0xFFFFE000  }
0xdd: {  	_ =	swait.ge [sflag:s15], $0x2000  }
0xde: {  	[sflag:s15] =	ssyncset.done $0x0  }
0xdf: {  	[sflag:s15] =	ssyncadd.s32 $0xFFFFE000  }
.Ltmp1:
0xe0: {  	_ =	swait.ge [sflag:s15], $0x2000;
	(pc) =	sbr.rel @p0 .LBB2_4-.Ltmp1, $4  }
0xe1: {  	[sflag:s15] =	ssyncset.done $0x0  }
0xe2: {  	[sflag:s15] =	ssyncadd.s32 $0xFFFFE000  }
0xe3: {  	_ =	swait.ge [sflag:s15], $0x2000  }
0xe4: {  	s19 =	smov.u32 s18;
	[sflag:s15] =	ssyncset.done $0x0  }
0xe5: {  	s17 =	sshra.s32 s17, $0x2;
	[sflag:s15] =	ssyncadd.s32 $0xFFFFE000  }
0xe6: {  	[spmem:s3] =	stream.indirect.scatter.add.f32 [tilespmem:s10], [sflag:$0x1], $0x80, s17, s14, $0xb8;
	[tilespmem:$0x18400] =	vst v63  }
0xe7: {  	s18 =	sadd.s32 $0x80, s17  }
0xe8: {  	[spmem:s3] =	stream.indirect.scatter.add.f32 [tilespmem:s10], [sflag:$0x1], $0x80, s18, s14, $0xb8;
	[tilespmem:$0x18400] =	vst v63  }
0xe9: {  	s26 =	sadd.s32 $0x100, s17  }
0xea: {  	[spmem:s3] =	stream.indirect.scatter.add.f32 [tilespmem:s10], [sflag:$0x1], $0x80, s26, s14, $0xb8;
	[tilespmem:$0x18400] =	vst v63  }
0xeb: {  	s28 =	sadd.s32 $0x180, s17  }
0xec: {  	[spmem:s3] =	stream.indirect.scatter.add.f32 [tilespmem:s10], [sflag:$0x1], $0x80, s28, s14, $0xb8;
	[tilespmem:$0x18400] =	vst v63  }
0xed: {  	s29 =	sadd.s32 $0x200, s17  }
0xee: {  	[spmem:s3] =	stream.indirect.scatter.add.f32 [tilespmem:s10], [sflag:$0x1], $0x80, s29, s14, $0xb8;
	[tilespmem:$0x18400] =	vst v63  }
0xef: {  	s30 =	sadd.s32 $0x280, s17  }
0xf0: {  	[spmem:s3] =	stream.indirect.scatter.add.f32 [tilespmem:s10], [sflag:$0x1], $0x80, s30, s14, $0xb8;
	[tilespmem:$0x18400] =	vst v63  }
0xf1: {  	s31 =	sadd.s32 $0x300, s17  }
0xf2: {  	[spmem:s3] =	stream.indirect.scatter.add.f32 [tilespmem:s10], [sflag:$0x1], $0x80, s31, s14, $0xb8;
	[tilespmem:$0x18400] =	vst v63  }
0xf3: {  	s17 =	sadd.s32 $0x380, s17  }
0xf4: {  	[spmem:s3] =	stream.indirect.scatter.add.f32 [tilespmem:s10], [sflag:$0x1], $0x80, s17, s14, $0xb8;
	[tilespmem:$0x18400] =	vst v63  }
0xf5: {  	_ =	swait.ge [sflag:s15], $0x2000  }
0xf6: {  	[sflag:s15] =	ssyncset.done $0x0  }
0xf7: {  	[sflag:s15] =	ssyncadd.s32 $0xFFFFE000  }
0xf8: {  	_ =	swait.ge [sflag:s15], $0x2000  }
0xf9: {  	[sflag:s15] =	ssyncset.done $0x0  }
0xfa: {  	[sflag:s15] =	ssyncadd.s32 $0xFFFFE000  }
0xfb: {  	_ =	swait.ge [sflag:s15], $0x2000  }
0xfc: {  	[sflag:s15] =	ssyncset.done $0x0  }
0xfd: {  	[sflag:s15] =	ssyncadd.s32 $0xFFFFE000  }
0xfe: {  	_ =	swait.ge [sflag:s15], $0x2000  }
0xff: {  	[sflag:s15] =	ssyncset.done $0x0  }
0x100: {  	[sflag:s15] =	ssyncadd.s32 $0xFFFFE000  }
0x101: {  	_ =	swait.ge [sflag:s15], $0x2000  }
0x102: {  	[sflag:s15] =	ssyncset.done $0x0  }
0x103: {  	[sflag:s15] =	ssyncadd.s32 $0xFFFFE000  }
0x104: {  	_ =	swait.ge [sflag:s15], $0x2000  }
0x105: {  	[sflag:s15] =	ssyncset.done $0x0  }
0x106: {  	[sflag:s15] =	ssyncadd.s32 $0xFFFFE000  }
0x107: {  	_ =	swait.ge [sflag:s15], $0x2000  }
0x108: {  	[sflag:s15] =	ssyncset.done $0x0  }
0x109: {  	[sflag:s15] =	ssyncadd.s32 $0xFFFFE000  }
0x10a: {  	_ =	swait.ge [sflag:s15], $0x2000  }
0x10b: {  	s16 =	sadd.s32 $0x1, s16;
	[sflag:s15] =	ssyncset.done $0x0  }
0x10c: {  	p0 =	sne.s32 s16, s9;
	[sflag:s15] =	ssyncadd.s32 $0xFFFFE000  }
.Ltmp2:
0x10d: {  	[bflag:$0x0] =	sbarrier.arrive $0xFFFF;
	(pc) =	sbr.rel @p0 .LBB2_1-.Ltmp2, $4  }
0x10e: {  	[hbm:s8], [sflag:s12] =	dma.local [spmem:s13], $0x2780  }
0x10f: {  	_ =	swait.ge [sflag:s11], $0x2780  }
0x110: {  	[sflag:s11] =	ssyncset.done $0x0  }
0x111: {  	[sflag:s11] =	ssyncadd.s32 $0xFFFFD880  }
0x112: {  	_ =	sfence.sel $0x180000  }
0x113: {  	[bflag:$0x0] =	sbarrier.arrive $0xFFFF  }
0x114: {  	p0 =	sne.s32 s0, $0x0;
	_ =	strace $0x90000047  }
0x115: {  	s0 =	sadd.s32 @!p0 $0x100000, s1;
	[bflag:$0x2] =	sbarrier.arrive $0xFFFF  }
0x116: {  	[sflag:s0] =	ssyncadd.tile.s32 @!p0 $0x1;
	_ =	shalt  }
.Lfunc_end2:
_tile_overlayer_lowered:
.L_overlay_start_2:
0x117: {  	(tag) =	ssettag $0x2  }
0x118: {  	s0 =	rddreg [dreg:$0x0];
	s2 =	stileid.u32  }
0x119: {  	s1 =	rddreg [dreg:$0x1];
	p0 =	sne.s32 s2, $0x0  }
0x11a: {  	s3 =	rddreg [dreg:$0x2];
	[bflag:$0x3] =	sbarrier.arrive $0xFFFF;
	s2 =	simm.s32 @!p0 $0x1C02  }
0x11b: {  	[timem:s3], [sflag:s2] =	dma.local @!p0 [hbm:s0], s1  }
0x11c: {  	s0 =	simm.s32 @!p0 $0x2  }
0x11d: {  	_ =	swait.ge @!p0 [sflag:s0], s1  }
0x11e: {  	s1 =	ssub.s32 @!p0 $0x0, s1;
	[sflag:s0] =	ssyncset.done @!p0 $0x0  }
0x11f: {  	[sflag:s0] =	ssyncadd.s32 @!p0 s1  }
0x120: {  	[bflag:$0x3] =	sbarrier.arrive $0xFFFF  }
0x121: {  	_ =	shalt  }

</sc_bundles>
